<compile_context>
chip_gen: v7x
topology: tpu7x:2x2x1
jax: 0.10.2.dev20260603
libtpu: 0.0.44.dev20260713+nightly
codegen_flags: <defaults>
</compile_context>

<pallas_src>
import functools

import jax
import jax.numpy as jnp
from jax.experimental import pallas as pl
from jax.experimental.pallas import tpu as pltpu
from jax.experimental.pallas import tpu_sc as plsc

S = 2048
HID = 768
H = 12
HK = 2
G = 6
D = 64
KS = 32
STR = 16
BS = 64
TOPK = 16
WIN = 512
THETA = 10000.0
T = 127
TP = 128
NB = 32
SCALE = 0.125
R = 256
RG = G * R
KB = 256
WS = 3 * KB
DA = D + NB
NEG = -1e30

f32 = jnp.float32


def _nn(a, b):
    return jax.lax.dot_general(a, b, (((1,), (0,)), ((), ())),
                               preferred_element_type=f32)


def _nt(a, b):
    return jax.lax.dot_general(a, b, (((1,), (1,)), ((), ())),
                               preferred_element_type=f32)


def _tile6(a):
    return jnp.concatenate([a] * G, axis=0)


def _proj_kernel(x_ref, wq_ref, wk_ref, wv_ref, wg_ref, cos_ref, sin_ref,
                 q_ref, k_ref, v_ref, g_ref):
    x = x_ref[:]
    base = pl.program_id(0) * R
    q = _nn(x, wq_ref[:])
    k = _nn(x, wk_ref[:])
    v_ref[:] = _nn(x, wv_ref[:])
    g_ref[:] = jax.nn.sigmoid(_nn(x, wg_ref[:]))
    c, s = cos_ref[:], sin_ref[:]
    for h in range(H):
        x1 = q[:, h * D:h * D + D // 2]
        x2 = q[:, h * D + D // 2:(h + 1) * D]
        q_ref[h] = jnp.concatenate([x1 * c - x2 * s, x2 * c + x1 * s],
                                   axis=1)
    row = base + jax.lax.broadcasted_iota(jnp.int32, (R, NB), 0)
    nbi = jax.lax.broadcasted_iota(jnp.int32, (R, NB), 1)
    oh = ((row // BS) == nbi).astype(f32)
    ko = []
    for h in range(HK):
        x1 = k[:, h * D:h * D + D // 2]
        x2 = k[:, h * D + D // 2:(h + 1) * D]
        ko.append(x1 * c - x2 * s)
        ko.append(x2 * c + x1 * s)
        ko.append(oh)
    k_ref[:] = jnp.concatenate(ko, axis=1)


def _upd(state, sm, vb):
    l0, a0 = state
    p = jnp.exp(sm)
    return (l0 + jnp.sum(p, axis=1, keepdims=True), a0 + _nn(p, vb))


def _score_kernel(q_ref, k2_ref, v2_ref, wck_ref, wcv_ref,
                  cmp_ref, blk_ref):
    qb = pl.program_id(0)
    base = qb * R
    srow = base + jax.lax.broadcasted_iota(jnp.int32, (R, 1), 0)
    tcol = jax.lax.broadcasted_iota(jnp.int32, (R, TP), 1)
    allowed6 = _tile6((srow >= STR * tcol + KS - 1) & (tcol < T))
    t_r = jax.lax.broadcasted_iota(jnp.int32, (TP, NB), 0)
    n_c = jax.lax.broadcasted_iota(jnp.int32, (TP, NB), 1)
    agg = ((t_r // (BS // STR)) == n_c).astype(f32)
    half = KS * D // 2
    zero = jnp.zeros((1, half), f32)
    for kvh in range(HK):
        a = k2_ref[kvh]
        b = v2_ref[kvh]
        a1 = jnp.concatenate([a[1:], zero], axis=0)
        b1 = jnp.concatenate([b[1:], zero], axis=0)
        ck = _nn(a, wck_ref[kvh, :half]) + _nn(a1, wck_ref[kvh, half:])
        cv = _nn(b, wcv_ref[kvh, :half]) + _nn(b1, wcv_ref[kvh, half:])
        q6 = q_ref[kvh * G:(kvh + 1) * G].reshape(RG, D)
        sc = _nt(q6, ck)
        p = jnp.exp(jnp.where(allowed6, sc, NEG))
        l = jnp.sum(p, axis=1, keepdims=True)
        pc = p / jnp.maximum(l, 1e-30)
        cmp_ref[kvh] = _nn(pc, cv).reshape(G, R, D)
        psum = jnp.sum(pc.reshape(G, R, TP), axis=0)
        blk = _nn(psum, agg)
        blk_ref[kvh] = blk.reshape(R // 16, 16, NB).transpose(0, 2, 1)


_SC_WORKERS = 32
_SC_GROUPS = HK * S // 16
_SC_GPW = _SC_GROUPS // _SC_WORKERS
_SC_CHUNK = _SC_GPW * NB * 16


def _sel_sc_kernel(blk_hbm, qtab_hbm, out_hbm, buf_in, buf_q, buf_out):
    wid = jax.lax.axis_index("s") * 2 + jax.lax.axis_index("c")
    base = wid * _SC_CHUNK
    pltpu.sync_copy(blk_hbm.at[pl.ds(base, _SC_CHUNK)], buf_in)
    pltpu.sync_copy(qtab_hbm.at[pl.ds(wid * _SC_GPW * 16, _SC_GPW * 16)],
                    buf_q)

    def body(grp, carry):
        negv = jnp.full((16,), NEG, f32)
        bigv = jnp.full((16,), 1e9, f32)
        zerov = jnp.zeros((16,), f32)
        qb_f = buf_q[pl.ds(grp * 16, 16)]
        cand = []
        for n in range(NB):
            v = buf_in[pl.ds(grp * (NB * 16) + n * 16, 16)]
            if n == 0:
                cand.append(bigv)
            else:
                fn = float(n)
                inner = jnp.where(qb_f <= fn + 1.0, bigv, v)
                cand.append(jnp.where(qb_f >= fn, inner, negv))
        vals = list(cand)
        k = 2
        while k <= NB:
            j = k // 2
            while j >= 1:
                for i in range(NB):
                    l = i ^ j
                    if l > i:
                        up = (i & k) == 0
                        hi = jnp.maximum(vals[i], vals[l])
                        lo = jnp.minimum(vals[i], vals[l])
                        vals[i], vals[l] = (lo, hi) if up else (hi, lo)
                j //= 2
            k *= 2
        thr = vals[NB - TOPK]
        for n in range(NB):
            keep = jnp.where(cand[n] > -1e29, zerov, negv)
            out_v = jnp.where(cand[n] >= thr, keep, negv)
            buf_out[pl.ds(grp * (NB * 16) + n * 16, 16)] = out_v
        return carry

    jax.lax.fori_loop(0, _SC_GPW, body, 0)
    pltpu.sync_copy(buf_out, out_hbm.at[pl.ds(base, _SC_CHUNK)])


_sel_sc = functools.partial(
    pl.kernel,
    out_type=jax.ShapeDtypeStruct((HK * S * NB,), f32),
    mesh=plsc.VectorSubcoreMesh(core_axis_name="c", subcore_axis_name="s"),
    scratch_types=[
        pltpu.VMEM((_SC_CHUNK,), f32),
        pltpu.VMEM((_SC_GPW * 16,), f32),
        pltpu.VMEM((_SC_CHUNK,), f32),
    ],
)(_sel_sc_kernel)


def _flash_impl(qb, q_ref, k_ref, v_ref, cmp_ref, selm_ref, g_ref,
                wo_ref, o_ref):
    base = qb * R
    rowi = jax.lax.broadcasted_iota(jnp.int32, (R, KB), 0)
    colj = jax.lax.broadcasted_iota(jnp.int32, (R, KB), 1)
    causal_bias = _tile6(jnp.where(colj <= rowi, 0.0, NEG))
    start = jnp.maximum(qb - 2, 0) * KB
    wj = start + jax.lax.broadcasted_iota(jnp.int32, (R, WS), 1)
    wi = base + jax.lax.broadcasted_iota(jnp.int32, (R, WS), 0)
    win_bias = _tile6(
        jnp.where((wj <= wi) & (wi - wj <= WIN), 0.0, NEG))
    g = g_ref[:]
    g0, g1, g2 = (_tile6(g[:, 0:1]), _tile6(g[:, 1:2]), _tile6(g[:, 2:3]))
    combined = [None, None]
    for kvh in range(HK):
        q6 = q_ref[kvh * G:(kvh + 1) * G].reshape(RG, D)
        cmp6 = cmp_ref[kvh].reshape(RG, D)
        selm6 = _tile6(
            selm_ref[kvh].transpose(0, 2, 1).reshape(R, NB))
        qcat = jnp.concatenate([q6, selm6], axis=1)

        def kv_at(kb, width):
            kblk = k_ref[pl.ds(kb * width, width),
                         kvh * DA:(kvh + 1) * DA]
            vblk = v_ref[pl.ds(kb * width, width), kvh * D:(kvh + 1) * D]
            return kblk, vblk

        def body512(kb, st):
            kblk, vb = kv_at(kb, 2 * KB)
            return _upd(st, _nt(qcat, kblk), vb)

        def body256(kb, st):
            kblk, vb = kv_at(kb, KB)
            return _upd(st, _nt(qcat, kblk), vb)

        init = (jnp.zeros((RG, 1), f32), jnp.zeros((RG, D), f32))
        st_sp = jax.lax.fori_loop(0, qb // 2, body512, init)
        st_sp = jax.lax.cond(qb % 2 == 1,
                             lambda c: body256(qb - 1, c),
                             lambda c: c, st_sp)
        kblk, vb = kv_at(qb, KB)
        st_sp = _upd(st_sp, _nt(qcat, kblk) + causal_bias, vb)
        o_sp = st_sp[1] / st_sp[0]
        kwin = k_ref[pl.ds(start, WS), kvh * DA:kvh * DA + D]
        vwin = v_ref[pl.ds(start, WS), kvh * D:(kvh + 1) * D]
        pw = jnp.exp(_nt(q6, kwin) + win_bias)
        lw = jnp.sum(pw, axis=1, keepdims=True)
        o_sw = _nn(pw, vwin) / lw
        combined[kvh] = g0 * cmp6 + g1 * o_sp + g2 * o_sw
    acc = None
    for kvh in range(HK):
        for gi in range(G):
            hq = kvh * G + gi
            chunk = combined[kvh][gi * R:(gi + 1) * R]
            w = wo_ref[hq * D:(hq + 1) * D, :]
            term = _nn(chunk, w)
            acc = term if acc is None else acc + term
    o_ref[:] = acc


def _flash_kernel(q_ref, k_ref, v_ref, cmp_ref, selm_ref, g_ref,
                  wo_ref, o_ref):
    _flash_impl(pl.program_id(0), q_ref, k_ref, v_ref, cmp_ref,
                selm_ref, g_ref, wo_ref, o_ref)


def kernel(hidden_states, Wq, Wk, Wv, Wo, Wg, Ck, Cv):
    x = hidden_states[0]
    wq_t = Wq.T
    wk_t = Wk.T
    wv_t = Wv.T
    wg8 = jnp.zeros((8, HID), f32).at[:3].set(Wg)
    wg_t = wg8.T
    wo_t = Wo.T
    pos = jnp.arange(S, dtype=f32)
    inv = 1.0 / (THETA ** (jnp.arange(D // 2, dtype=f32) / (D // 2)))
    ang = pos[:, None] * inv[None, :]
    cos = jnp.cos(ang)
    sin = jnp.sin(ang)

    grid = S // R
    par = pltpu.CompilerParams(dimension_semantics=("parallel",))
    q, kaug, v, gate = pl.pallas_call(
        _proj_kernel,
        grid=(grid,),
        in_specs=[
            pl.BlockSpec((R, HID), lambda i: (i, 0)),
            pl.BlockSpec((HID, H * D), lambda i: (0, 0)),
            pl.BlockSpec((HID, HK * D), lambda i: (0, 0)),
            pl.BlockSpec((HID, HK * D), lambda i: (0, 0)),
            pl.BlockSpec((HID, 8), lambda i: (0, 0)),
            pl.BlockSpec((R, D // 2), lambda i: (i, 0)),
            pl.BlockSpec((R, D // 2), lambda i: (i, 0)),
        ],
        out_specs=[
            pl.BlockSpec((H, R, D), lambda i: (0, i, 0)),
            pl.BlockSpec((R, HK * DA), lambda i: (i, 0)),
            pl.BlockSpec((R, HK * D), lambda i: (i, 0)),
            pl.BlockSpec((R, 8), lambda i: (i, 0)),
        ],
        out_shape=[
            jax.ShapeDtypeStruct((H, S, D), f32),
            jax.ShapeDtypeStruct((S, HK * DA), f32),
            jax.ShapeDtypeStruct((S, HK * D), f32),
            jax.ShapeDtypeStruct((S, 8), f32),
        ],
        compiler_params=par,
    )(x, wq_t * SCALE, wk_t, wv_t, wg_t, cos, sin)

    k_plain = jnp.concatenate(
        [kaug[:, h * DA:h * DA + D] for h in range(HK)], axis=1)
    k2 = k_plain.reshape(S // STR, STR, HK, D).transpose(2, 0, 1, 3).reshape(
        HK, S // STR, STR * D)
    v2 = v.reshape(S // STR, STR, HK, D).transpose(2, 0, 1, 3).reshape(
        HK, S // STR, STR * D)

    cmp, blk = pl.pallas_call(
        _score_kernel,
        grid=(grid,),
        in_specs=[
            pl.BlockSpec((H, R, D), lambda i: (0, i, 0)),
            pl.BlockSpec((HK, S // STR, STR * D), lambda i: (0, 0, 0)),
            pl.BlockSpec((HK, S // STR, STR * D), lambda i: (0, 0, 0)),
            pl.BlockSpec((HK, KS * D, D), lambda i: (0, 0, 0)),
            pl.BlockSpec((HK, KS * D, D), lambda i: (0, 0, 0)),
        ],
        out_specs=[
            pl.BlockSpec((HK, G, R, D), lambda i: (0, 0, i, 0)),
            pl.BlockSpec((HK, R // 16, NB, 16), lambda i: (0, i, 0, 0)),
        ],
        out_shape=[
            jax.ShapeDtypeStruct((HK, G, S, D), f32),
            jax.ShapeDtypeStruct((HK, S // 16, NB, 16), f32),
        ],
        compiler_params=par,
    )(q, k2, v2, Ck, Cv)

    qtab = jnp.tile((jnp.arange(S) // BS).astype(f32), HK)
    selm = _sel_sc(blk.reshape(-1), qtab).reshape(HK, S // 16, NB, 16)

    out = pl.pallas_call(
        _flash_kernel,
        grid=(grid,),
        in_specs=[
            pl.BlockSpec((H, R, D), lambda i: (0, i, 0)),
            pl.BlockSpec((S, HK * DA), lambda i: (0, 0)),
            pl.BlockSpec((S, HK * D), lambda i: (0, 0)),
            pl.BlockSpec((HK, G, R, D), lambda i: (0, 0, i, 0)),
            pl.BlockSpec((HK, R // 16, NB, 16), lambda i: (0, i, 0, 0)),
            pl.BlockSpec((R, 8), lambda i: (i, 0)),
            pl.BlockSpec((HID, HID), lambda i: (0, 0)),
        ],
        out_specs=pl.BlockSpec((R, HID), lambda i: (i, 0)),
        out_shape=jax.ShapeDtypeStruct((S, HID), f32),
        compiler_params=par,
    )(q, kaug, v, cmp, selm, gate, wo_t)

    return out[None]

# --- scband reference (transcript-rebuilt; emitter-appended) ---
"""Pipeline reference for scband-attention-7765300871328 (READ-ONLY COPY).

The authoritative reference and input builder live on the scoring server;
editing this copy changes nothing except your own understanding.
"""

import jax, jax.numpy as jnp
import numpy as np

B = 1
S = 2048
HID = 768
H = 12
HK = 2
G = H // HK
D = 64
KS = 32
STR = 16
BS = 64
TOPK = 16
INIT_B = 1
LOC_B = 2
WIN = 512
THETA = 10000.0
T = (S - KS) // STR + 1
NB = S // BS
SCALE = 1.0 / float(np.sqrt(D))


def _rope(x, pos):
    half = D // 2
    inv = 1.0 / (THETA ** (jnp.arange(half, dtype=jnp.float32) / half))
    ang = pos[:, None] * inv[None, :]
    cos = jnp.cos(ang)[None, :, None, :]
    sin = jnp.sin(ang)[None, :, None, :]
    x1 = x[..., :half]
    x2 = x[..., half:]
    return jnp.concatenate([x1 * cos - x2 * sin, x2 * cos + x1 * sin], axis=-1)


def _forward(x, Wq, Wk, Wv, Wo, Wg, Ck, Cv):
    # qkv + gate projections
    q = (x @ Wq.T).reshape(B, S, H, D)
    k = (x @ Wk.T).reshape(B, S, HK, D)
    v = (x @ Wv.T).reshape(B, S, HK, D)
    gate = jax.nn.sigmoid(x @ Wg.T)  # [B,S,3]
    pos = jnp.arange(S, dtype=jnp.float32)
    q = _rope(q, pos)
    k = _rope(k, pos)
    qg = q.reshape(B, S, HK, G, D)
    # ---- linear compression of K/V (NSA compress branch) ----
    starts = jnp.arange(T) * STR
    widx = starts[:, None] + jnp.arange(KS)[None, :]  # [T,KS]
    kw = jnp.transpose(k[:, widx], (0, 1, 3, 2, 4)).reshape(B, T, HK, KS * D)
    vw = jnp.transpose(v[:, widx], (0, 1, 3, 2, 4)).reshape(B, T, HK, KS * D)
    ck = jnp.einsum('bthf,hfd->bthd', kw, Ck)
    cv = jnp.einsum('bthf,hfd->bthd', vw, Cv)
    # ---- compressed attention (causal over fully-visible windows) ----
    tq = jnp.arange(S)
    allowed = tq[:, None] >= (starts + KS - 1)[None, :]  # [S,T]
    sc = jnp.einsum('bshgd,bthd->bhgst', qg, ck) * SCALE
    sc = jnp.where(allowed[None, None, None], sc, -1e30)
    pc = jax.nn.softmax(sc, axis=-1)
    anyv = allowed.any(axis=-1).astype(pc.dtype)  # [S]
    pc = pc * allowed[None, None, None].astype(pc.dtype) * anyv[None, None, None, :, None]
    cmp_out = jnp.einsum('bhgst,bthd->bshgd', pc, cv).reshape(B, S, H, D)
    # ---- block importance scores + topk block selection ----
    psum = pc.sum(axis=2)  # [B,HK,S,T] sum over GQA group
    blk_of = starts // BS
    nb = jnp.arange(NB)
    oneh = (blk_of[:, None] == nb[None, :]).astype(psum.dtype)  # [T,NB]
    blk = jnp.einsum('bhst,tn->bhsn', psum, oneh)  # [B,HK,S,NB]
    qblk = tq // BS
    init_m = nb[None, :] < INIT_B
    local_m = (nb[None, :] <= qblk[:, None]) & (nb[None, :] >= qblk[:, None] - LOC_B + 1)
    forced = init_m | local_m  # [S,NB]
    causal_b = nb[None, :] <= qblk[:, None]
    blk = jnp.where(forced[None, None], 1e9, blk)
    blk = jnp.where(causal_b[None, None], blk, -1e30)
    tv, ti = jax.lax.top_k(blk, TOPK)  # [B,HK,S,TOPK]
    valid = tv > -1e29
    sel = ((ti[..., None] == nb[None, None, None, None, :]) & valid[..., None]).any(axis=-2)  # [B,HK,S,NB]
    # ---- topk sparse attention ----
    pblk = tq // BS
    sel_keys = jnp.take(sel, pblk, axis=-1)  # [B,HK,S,S]
    causal = tq[None, :] <= tq[:, None]
    allow_sp = sel_keys & causal[None, None]
    ss = jnp.einsum('bshgd,bphd->bhgsp', qg, k) * SCALE
    ss = jnp.where(allow_sp[:, :, None], ss, -1e30)
    ps = jax.nn.softmax(ss, axis=-1)
    sp_out = jnp.einsum('bhgsp,bphd->bshgd', ps, v).reshape(B, S, H, D)
    # ---- sliding window attention (left window WIN, causal) ----
    allow_sw = causal & ((tq[:, None] - tq[None, :]) <= WIN)
    sw = jnp.einsum('bshgd,bphd->bhgsp', qg, k) * SCALE
    sw = jnp.where(allow_sw[None, None, None], sw, -1e30)
    pw = jax.nn.softmax(sw, axis=-1)
    sw_out = jnp.einsum('bhgsp,bphd->bshgd', pw, v).reshape(B, S, H, D)
    # ---- gated combine + output projection ----
    out = gate[..., 0:1, None] * cmp_out + gate[..., 1:2, None] * sp_out + gate[..., 2:3, None] * sw_out
    return out.reshape(B, S, H * D) @ Wo.T


def setup_inputs(seed: int = 0):
    key = jax.random.key(seed)
    ks = jax.random.split(key, 8)
    return {
        'hidden_states': jax.random.normal(ks[0], (B, S, HID), dtype=jnp.float32),
        'Wq': jax.random.normal(ks[1], (H * D, HID), dtype=jnp.float32) * 0.02,
        'Wk': jax.random.normal(ks[2], (HK * D, HID), dtype=jnp.float32) * 0.02,
        'Wv': jax.random.normal(ks[3], (HK * D, HID), dtype=jnp.float32) * 0.02,
        'Wo': jax.random.normal(ks[4], (HID, H * D), dtype=jnp.float32) * 0.02,
        'Wg': jax.random.normal(ks[5], (3, HID), dtype=jnp.float32) * 0.02,
        'Ck': jax.random.normal(ks[6], (HK, KS * D, D), dtype=jnp.float32) * 0.02,
        'Cv': jax.random.normal(ks[7], (HK, KS * D, D), dtype=jnp.float32) * 0.02,
    }


def reference(hidden_states, Wq, Wk, Wv, Wo, Wg, Ck, Cv):
    return _forward(hidden_states, Wq, Wk, Wv, Wo, Wg, Ck, Cv)

if __name__ == "__main__":
    import jax
    _d = setup_inputs()
    print(jax.jit(kernel)(*tuple(_d.values())))

</pallas_src>

<mosaic_0001>
#map = affine_map<(d0, d1) -> (0)>
module attributes {stable_mosaic.version = 14 : i64} {
  func.func @_sel_sc_kernel(%arg0: i32, %arg1: i32, %arg2: memref<131072xf32, #tpu.memory_space<hbm>>, %arg3: memref<4096xf32, #tpu.memory_space<hbm>>, %arg4: memref<131072xf32, #tpu.memory_space<hbm>>, %arg5: memref<4096xf32, #tpu.memory_space<vmem>>, %arg6: memref<128xf32, #tpu.memory_space<vmem>>, %arg7: memref<4096xf32, #tpu.memory_space<vmem>>) attributes {dimension_semantics = [#tpu.dimension_semantics<core_parallel>, #tpu.dimension_semantics<subcore_parallel>], iteration_bounds = array<i64: 2, 16>, scalar_prefetch = 0 : i64, scratch_operands = 3 : i64, tpu.core_type = #tpu.core_type<sc_vector_subcore>, window_params = [{transform_indices = #map}, {transform_indices = #map}, {transform_indices = #map}]} {
    %mul3A = arith.constant 2 : i32
    %mul3A_0 = arith.muli %arg1, %mul3A : i32
    %add3A = arith.addi %mul3A_0, %arg0 : i32
    %mul3A_1 = arith.constant 4096 : i32
    %mul3A_2 = arith.muli %add3A, %mul3A_1 : i32
    "tpu.region"() ({
      %run_scoped3A = tpu.sem_alloc : memref<!tpu.dma_semaphore, #tpu.memory_space<semaphore_mem>>
      %dma_start3A = tpu.memref_slice %arg2[%mul3A_2] : memref<131072xf32, #tpu.memory_space<hbm>> -> memref<4096xf32, #tpu.memory_space<hbm>>
      %dma_start3A_12 = tpu.memref_slice %arg2[%mul3A_2] : memref<131072xf32, #tpu.memory_space<hbm>> -> memref<4096xf32, #tpu.memory_space<hbm>>
      tpu.enqueue_dma source(%dma_start3A_12 : memref<4096xf32, #tpu.memory_space<hbm>>) target(%arg5 : memref<4096xf32, #tpu.memory_space<vmem>>) target_semaphore(%run_scoped3A : memref<!tpu.dma_semaphore, #tpu.memory_space<semaphore_mem>>)
      %dma_wait3A = tpu.memref_slice %arg2[%mul3A_2] : memref<131072xf32, #tpu.memory_space<hbm>> -> memref<4096xf32, #tpu.memory_space<hbm>>
      %dma_wait3A_13 = tpu.memref_slice %arg2[%mul3A_2] : memref<131072xf32, #tpu.memory_space<hbm>> -> memref<4096xf32, #tpu.memory_space<hbm>>
      tpu.wait_dma2 semaphore(%run_scoped3A : memref<!tpu.dma_semaphore, #tpu.memory_space<semaphore_mem>>) src(%dma_wait3A_13 : memref<4096xf32, #tpu.memory_space<hbm>>) dst(%arg5 : memref<4096xf32, #tpu.memory_space<vmem>>)
      tpu.yield
    }) : () -> ()
    %mul3A_3 = arith.constant 8 : i32
    %mul3A_4 = arith.muli %add3A, %mul3A_3 : i32
    %mul3A_5 = arith.constant 16 : i32
    %mul3A_6 = arith.muli %mul3A_4, %mul3A_5 : i32
    "tpu.region"() ({
      %run_scoped3A = tpu.sem_alloc : memref<!tpu.dma_semaphore, #tpu.memory_space<semaphore_mem>>
      %dma_start3A = tpu.memref_slice %arg3[%mul3A_6] : memref<4096xf32, #tpu.memory_space<hbm>> -> memref<128xf32, #tpu.memory_space<hbm>>
      %dma_start3A_12 = tpu.memref_slice %arg3[%mul3A_6] : memref<4096xf32, #tpu.memory_space<hbm>> -> memref<128xf32, #tpu.memory_space<hbm>>
      tpu.enqueue_dma source(%dma_start3A_12 : memref<128xf32, #tpu.memory_space<hbm>>) target(%arg6 : memref<128xf32, #tpu.memory_space<vmem>>) target_semaphore(%run_scoped3A : memref<!tpu.dma_semaphore, #tpu.memory_space<semaphore_mem>>)
      %dma_wait3A = tpu.memref_slice %arg3[%mul3A_6] : memref<4096xf32, #tpu.memory_space<hbm>> -> memref<128xf32, #tpu.memory_space<hbm>>
      %dma_wait3A_13 = tpu.memref_slice %arg3[%mul3A_6] : memref<4096xf32, #tpu.memory_space<hbm>> -> memref<128xf32, #tpu.memory_space<hbm>>
      tpu.wait_dma2 semaphore(%run_scoped3A : memref<!tpu.dma_semaphore, #tpu.memory_space<semaphore_mem>>) src(%dma_wait3A_13 : memref<128xf32, #tpu.memory_space<hbm>>) dst(%arg6 : memref<128xf32, #tpu.memory_space<vmem>>)
      tpu.yield
    }) : () -> ()
    %scan3A = arith.constant 0 : i32
    %scan3A_7 = arith.constant 0 : i32
    %scan3A_8 = arith.constant 8 : i32
    %scan3A_9 = arith.addi %scan3A_7, %scan3A_8 : i32
    %scan3A_10 = arith.constant 1 : i32
    scf.for %scan3A_12 = %scan3A_7 to %scan3A_9 step %scan3A_10  : i32 {
      %broadcast_in_dim3A = arith.constant -1.000000e+30 : f32
      %broadcast_in_dim3A_13 = vector.broadcast %broadcast_in_dim3A : f32 to vector<16xf32>
      %broadcast_in_dim3A_14 = arith.constant 1.000000e+09 : f32
      %broadcast_in_dim3A_15 = vector.broadcast %broadcast_in_dim3A_14 : f32 to vector<16xf32>
      %broadcast_in_dim3A_16 = arith.constant 0.000000e+00 : f32
      %broadcast_in_dim3A_17 = vector.broadcast %broadcast_in_dim3A_16 : f32 to vector<16xf32>
      %mul3A_18 = arith.constant 16 : i32
      %mul3A_19 = arith.muli %scan3A_12, %mul3A_18 : i32
      %get3A = arith.index_cast %mul3A_19 : i32 to index
      %get3A_20 = tpu.vector_load %arg6[%get3A] {strides = array<i32>} : memref<128xf32, #tpu.memory_space<vmem>>, vector<16xf32>,
      %get3A_21 = vector.shape_cast %get3A_20 : vector<16xf32> to vector<16xf32>
      %mul3A_22 = arith.constant 512 : i32
      %mul3A_23 = arith.muli %scan3A_12, %mul3A_22 : i32
      %add3A_24 = arith.constant 0 : i32
      %add3A_25 = arith.addi %mul3A_23, %add3A_24 : i32
      %get3A_26 = arith.index_cast %add3A_25 : i32 to index
      %get3A_27 = tpu.vector_load %arg5[%get3A_26] {strides = array<i32>} : memref<4096xf32, #tpu.memory_space<vmem>>, vector<16xf32>,
      %get3A_28 = vector.shape_cast %get3A_27 : vector<16xf32> to vector<16xf32>
      %mul3A_29 = arith.constant 512 : i32
      %mul3A_30 = arith.muli %scan3A_12, %mul3A_29 : i32
      %add3A_31 = arith.constant 16 : i32
      %add3A_32 = arith.addi %mul3A_30, %add3A_31 : i32
      %get3A_33 = arith.index_cast %add3A_32 : i32 to index
      %get3A_34 = tpu.vector_load %arg5[%get3A_33] {strides = array<i32>} : memref<4096xf32, #tpu.memory_space<vmem>>, vector<16xf32>,
      %get3A_35 = vector.shape_cast %get3A_34 : vector<16xf32> to vector<16xf32>
      %le3A = arith.constant 2.000000e+00 : f32
      %le3A_36 = vector.broadcast %le3A : f32 to vector<16xf32>
      %le3A_37 = arith.cmpf ole, %get3A_21, %le3A_36 : vector<16xf32>
      %select_n3A = arith.select %le3A_37, %broadcast_in_dim3A_15, %get3A_35 : vector<16xi1>, vector<16xf32>
      %ge3A = arith.constant 1.000000e+00 : f32
      %ge3A_38 = vector.broadcast %ge3A : f32 to vector<16xf32>
      %ge3A_39 = arith.cmpf oge, %get3A_21, %ge3A_38 : vector<16xf32>
      %select_n3A_40 = arith.select %ge3A_39, %select_n3A, %broadcast_in_dim3A_13 : vector<16xi1>, vector<16xf32>
      %mul3A_41 = arith.constant 512 : i32
      %mul3A_42 = arith.muli %scan3A_12, %mul3A_41 : i32
      %add3A_43 = arith.constant 32 : i32
      %add3A_44 = arith.addi %mul3A_42, %add3A_43 : i32
      %get3A_45 = arith.index_cast %add3A_44 : i32 to index
      %get3A_46 = tpu.vector_load %arg5[%get3A_45] {strides = array<i32>} : memref<4096xf32, #tpu.memory_space<vmem>>, vector<16xf32>,
      %get3A_47 = vector.shape_cast %get3A_46 : vector<16xf32> to vector<16xf32>
      %le3A_48 = arith.constant 3.000000e+00 : f32
      %le3A_49 = vector.broadcast %le3A_48 : f32 to vector<16xf32>
      %le3A_50 = arith.cmpf ole, %get3A_21, %le3A_49 : vector<16xf32>
      %select_n3A_51 = arith.select %le3A_50, %broadcast_in_dim3A_15, %get3A_47 : vector<16xi1>, vector<16xf32>
      %ge3A_52 = arith.constant 2.000000e+00 : f32
      %ge3A_53 = vector.broadcast %ge3A_52 : f32 to vector<16xf32>
      %ge3A_54 = arith.cmpf oge, %get3A_21, %ge3A_53 : vector<16xf32>
      %select_n3A_55 = arith.select %ge3A_54, %select_n3A_51, %broadcast_in_dim3A_13 : vector<16xi1>, vector<16xf32>
      %mul3A_56 = arith.constant 512 : i32
      %mul3A_57 = arith.muli %scan3A_12, %mul3A_56 : i32
      %add3A_58 = arith.constant 48 : i32
      %add3A_59 = arith.addi %mul3A_57, %add3A_58 : i32
      %get3A_60 = arith.index_cast %add3A_59 : i32 to index
      %get3A_61 = tpu.vector_load %arg5[%get3A_60] {strides = array<i32>} : memref<4096xf32, #tpu.memory_space<vmem>>, vector<16xf32>,
      %get3A_62 = vector.shape_cast %get3A_61 : vector<16xf32> to vector<16xf32>
      %le3A_63 = arith.constant 4.000000e+00 : f32
      %le3A_64 = vector.broadcast %le3A_63 : f32 to vector<16xf32>
      %le3A_65 = arith.cmpf ole, %get3A_21, %le3A_64 : vector<16xf32>
      %select_n3A_66 = arith.select %le3A_65, %broadcast_in_dim3A_15, %get3A_62 : vector<16xi1>, vector<16xf32>
      %ge3A_67 = arith.constant 3.000000e+00 : f32
      %ge3A_68 = vector.broadcast %ge3A_67 : f32 to vector<16xf32>
      %ge3A_69 = arith.cmpf oge, %get3A_21, %ge3A_68 : vector<16xf32>
      %select_n3A_70 = arith.select %ge3A_69, %select_n3A_66, %broadcast_in_dim3A_13 : vector<16xi1>, vector<16xf32>
      %mul3A_71 = arith.constant 512 : i32
      %mul3A_72 = arith.muli %scan3A_12, %mul3A_71 : i32
      %add3A_73 = arith.constant 64 : i32
      %add3A_74 = arith.addi %mul3A_72, %add3A_73 : i32
      %get3A_75 = arith.index_cast %add3A_74 : i32 to index
      %get3A_76 = tpu.vector_load %arg5[%get3A_75] {strides = array<i32>} : memref<4096xf32, #tpu.memory_space<vmem>>, vector<16xf32>,
      %get3A_77 = vector.shape_cast %get3A_76 : vector<16xf32> to vector<16xf32>
      %le3A_78 = arith.constant 5.000000e+00 : f32
      %le3A_79 = vector.broadcast %le3A_78 : f32 to vector<16xf32>
      %le3A_80 = arith.cmpf ole, %get3A_21, %le3A_79 : vector<16xf32>
      %select_n3A_81 = arith.select %le3A_80, %broadcast_in_dim3A_15, %get3A_77 : vector<16xi1>, vector<16xf32>
      %ge3A_82 = arith.constant 4.000000e+00 : f32
      %ge3A_83 = vector.broadcast %ge3A_82 : f32 to vector<16xf32>
      %ge3A_84 = arith.cmpf oge, %get3A_21, %ge3A_83 : vector<16xf32>
      %select_n3A_85 = arith.select %ge3A_84, %select_n3A_81, %broadcast_in_dim3A_13 : vector<16xi1>, vector<16xf32>
      %mul3A_86 = arith.constant 512 : i32
      %mul3A_87 = arith.muli %scan3A_12, %mul3A_86 : i32
      %add3A_88 = arith.constant 80 : i32
      %add3A_89 = arith.addi %mul3A_87, %add3A_88 : i32
      %get3A_90 = arith.index_cast %add3A_89 : i32 to index
      %get3A_91 = tpu.vector_load %arg5[%get3A_90] {strides = array<i32>} : memref<4096xf32, #tpu.memory_space<vmem>>, vector<16xf32>,
      %get3A_92 = vector.shape_cast %get3A_91 : vector<16xf32> to vector<16xf32>
      %le3A_93 = arith.constant 6.000000e+00 : f32
      %le3A_94 = vector.broadcast %le3A_93 : f32 to vector<16xf32>
      %le3A_95 = arith.cmpf ole, %get3A_21, %le3A_94 : vector<16xf32>
      %select_n3A_96 = arith.select %le3A_95, %broadcast_in_dim3A_15, %get3A_92 : vector<16xi1>, vector<16xf32>
      %ge3A_97 = arith.constant 5.000000e+00 : f32
      %ge3A_98 = vector.broadcast %ge3A_97 : f32 to vector<16xf32>
      %ge3A_99 = arith.cmpf oge, %get3A_21, %ge3A_98 : vector<16xf32>
      %select_n3A_100 = arith.select %ge3A_99, %select_n3A_96, %broadcast_in_dim3A_13 : vector<16xi1>, vector<16xf32>
      %mul3A_101 = arith.constant 512 : i32
      %mul3A_102 = arith.muli %scan3A_12, %mul3A_101 : i32
      %add3A_103 = arith.constant 96 : i32
      %add3A_104 = arith.addi %mul3A_102, %add3A_103 : i32
      %get3A_105 = arith.index_cast %add3A_104 : i32 to index
      %get3A_106 = tpu.vector_load %arg5[%get3A_105] {strides = array<i32>} : memref<4096xf32, #tpu.memory_space<vmem>>, vector<16xf32>,
      %get3A_107 = vector.shape_cast %get3A_106 : vector<16xf32> to vector<16xf32>
      %le3A_108 = arith.constant 7.000000e+00 : f32
      %le3A_109 = vector.broadcast %le3A_108 : f32 to vector<16xf32>
      %le3A_110 = arith.cmpf ole, %get3A_21, %le3A_109 : vector<16xf32>
      %select_n3A_111 = arith.select %le3A_110, %broadcast_in_dim3A_15, %get3A_107 : vector<16xi1>, vector<16xf32>
      %ge3A_112 = arith.constant 6.000000e+00 : f32
      %ge3A_113 = vector.broadcast %ge3A_112 : f32 to vector<16xf32>
      %ge3A_114 = arith.cmpf oge, %get3A_21, %ge3A_113 : vector<16xf32>
      %select_n3A_115 = arith.select %ge3A_114, %select_n3A_111, %broadcast_in_dim3A_13 : vector<16xi1>, vector<16xf32>
      %mul3A_116 = arith.constant 512 : i32
      %mul3A_117 = arith.muli %scan3A_12, %mul3A_116 : i32
      %add3A_118 = arith.constant 112 : i32
      %add3A_119 = arith.addi %mul3A_117, %add3A_118 : i32
      %get3A_120 = arith.index_cast %add3A_119 : i32 to index
      %get3A_121 = tpu.vector_load %arg5[%get3A_120] {strides = array<i32>} : memref<4096xf32, #tpu.memory_space<vmem>>, vector<16xf32>,
      %get3A_122 = vector.shape_cast %get3A_121 : vector<16xf32> to vector<16xf32>
      %le3A_123 = arith.constant 8.000000e+00 : f32
      %le3A_124 = vector.broadcast %le3A_123 : f32 to vector<16xf32>
      %le3A_125 = arith.cmpf ole, %get3A_21, %le3A_124 : vector<16xf32>
      %select_n3A_126 = arith.select %le3A_125, %broadcast_in_dim3A_15, %get3A_122 : vector<16xi1>, vector<16xf32>
      %ge3A_127 = arith.constant 7.000000e+00 : f32
      %ge3A_128 = vector.broadcast %ge3A_127 : f32 to vector<16xf32>
      %ge3A_129 = arith.cmpf oge, %get3A_21, %ge3A_128 : vector<16xf32>
      %select_n3A_130 = arith.select %ge3A_129, %select_n3A_126, %broadcast_in_dim3A_13 : vector<16xi1>, vector<16xf32>
      %mul3A_131 = arith.constant 512 : i32
      %mul3A_132 = arith.muli %scan3A_12, %mul3A_131 : i32
      %add3A_133 = arith.constant 128 : i32
      %add3A_134 = arith.addi %mul3A_132, %add3A_133 : i32
      %get3A_135 = arith.index_cast %add3A_134 : i32 to index
      %get3A_136 = tpu.vector_load %arg5[%get3A_135] {strides = array<i32>} : memref<4096xf32, #tpu.memory_space<vmem>>, vector<16xf32>,
      %get3A_137 = vector.shape_cast %get3A_136 : vector<16xf32> to vector<16xf32>
      %le3A_138 = arith.constant 9.000000e+00 : f32
      %le3A_139 = vector.broadcast %le3A_138 : f32 to vector<16xf32>
      %le3A_140 = arith.cmpf ole, %get3A_21, %le3A_139 : vector<16xf32>
      %select_n3A_141 = arith.select %le3A_140, %broadcast_in_dim3A_15, %get3A_137 : vector<16xi1>, vector<16xf32>
      %ge3A_142 = arith.constant 8.000000e+00 : f32
      %ge3A_143 = vector.broadcast %ge3A_142 : f32 to vector<16xf32>
      %ge3A_144 = arith.cmpf oge, %get3A_21, %ge3A_143 : vector<16xf32>
      %select_n3A_145 = arith.select %ge3A_144, %select_n3A_141, %broadcast_in_dim3A_13 : vector<16xi1>, vector<16xf32>
      %mul3A_146 = arith.constant 512 : i32
      %mul3A_147 = arith.muli %scan3A_12, %mul3A_146 : i32
      %add3A_148 = arith.constant 144 : i32
      %add3A_149 = arith.addi %mul3A_147, %add3A_148 : i32
      %get3A_150 = arith.index_cast %add3A_149 : i32 to index
      %get3A_151 = tpu.vector_load %arg5[%get3A_150] {strides = array<i32>} : memref<4096xf32, #tpu.memory_space<vmem>>, vector<16xf32>,
      %get3A_152 = vector.shape_cast %get3A_151 : vector<16xf32> to vector<16xf32>
      %le3A_153 = arith.constant 1.000000e+01 : f32
      %le3A_154 = vector.broadcast %le3A_153 : f32 to vector<16xf32>
      %le3A_155 = arith.cmpf ole, %get3A_21, %le3A_154 : vector<16xf32>
      %select_n3A_156 = arith.select %le3A_155, %broadcast_in_dim3A_15, %get3A_152 : vector<16xi1>, vector<16xf32>
      %ge3A_157 = arith.constant 9.000000e+00 : f32
      %ge3A_158 = vector.broadcast %ge3A_157 : f32 to vector<16xf32>
      %ge3A_159 = arith.cmpf oge, %get3A_21, %ge3A_158 : vector<16xf32>
      %select_n3A_160 = arith.select %ge3A_159, %select_n3A_156, %broadcast_in_dim3A_13 : vector<16xi1>, vector<16xf32>
      %mul3A_161 = arith.constant 512 : i32
      %mul3A_162 = arith.muli %scan3A_12, %mul3A_161 : i32
      %add3A_163 = arith.constant 160 : i32
      %add3A_164 = arith.addi %mul3A_162, %add3A_163 : i32
      %get3A_165 = arith.index_cast %add3A_164 : i32 to index
      %get3A_166 = tpu.vector_load %arg5[%get3A_165] {strides = array<i32>} : memref<4096xf32, #tpu.memory_space<vmem>>, vector<16xf32>,
      %get3A_167 = vector.shape_cast %get3A_166 : vector<16xf32> to vector<16xf32>
      %le3A_168 = arith.constant 1.100000e+01 : f32
      %le3A_169 = vector.broadcast %le3A_168 : f32 to vector<16xf32>
      %le3A_170 = arith.cmpf ole, %get3A_21, %le3A_169 : vector<16xf32>
      %select_n3A_171 = arith.select %le3A_170, %broadcast_in_dim3A_15, %get3A_167 : vector<16xi1>, vector<16xf32>
      %ge3A_172 = arith.constant 1.000000e+01 : f32
      %ge3A_173 = vector.broadcast %ge3A_172 : f32 to vector<16xf32>
      %ge3A_174 = arith.cmpf oge, %get3A_21, %ge3A_173 : vector<16xf32>
      %select_n3A_175 = arith.select %ge3A_174, %select_n3A_171, %broadcast_in_dim3A_13 : vector<16xi1>, vector<16xf32>
      %mul3A_176 = arith.constant 512 : i32
      %mul3A_177 = arith.muli %scan3A_12, %mul3A_176 : i32
      %add3A_178 = arith.constant 176 : i32
      %add3A_179 = arith.addi %mul3A_177, %add3A_178 : i32
      %get3A_180 = arith.index_cast %add3A_179 : i32 to index
      %get3A_181 = tpu.vector_load %arg5[%get3A_180] {strides = array<i32>} : memref<4096xf32, #tpu.memory_space<vmem>>, vector<16xf32>,
      %get3A_182 = vector.shape_cast %get3A_181 : vector<16xf32> to vector<16xf32>
      %le3A_183 = arith.constant 1.200000e+01 : f32
      %le3A_184 = vector.broadcast %le3A_183 : f32 to vector<16xf32>
      %le3A_185 = arith.cmpf ole, %get3A_21, %le3A_184 : vector<16xf32>
      %select_n3A_186 = arith.select %le3A_185, %broadcast_in_dim3A_15, %get3A_182 : vector<16xi1>, vector<16xf32>
      %ge3A_187 = arith.constant 1.100000e+01 : f32
      %ge3A_188 = vector.broadcast %ge3A_187 : f32 to vector<16xf32>
      %ge3A_189 = arith.cmpf oge, %get3A_21, %ge3A_188 : vector<16xf32>
      %select_n3A_190 = arith.select %ge3A_189, %select_n3A_186, %broadcast_in_dim3A_13 : vector<16xi1>, vector<16xf32>
      %mul3A_191 = arith.constant 512 : i32
      %mul3A_192 = arith.muli %scan3A_12, %mul3A_191 : i32
      %add3A_193 = arith.constant 192 : i32
      %add3A_194 = arith.addi %mul3A_192, %add3A_193 : i32
      %get3A_195 = arith.index_cast %add3A_194 : i32 to index
      %get3A_196 = tpu.vector_load %arg5[%get3A_195] {strides = array<i32>} : memref<4096xf32, #tpu.memory_space<vmem>>, vector<16xf32>,
      %get3A_197 = vector.shape_cast %get3A_196 : vector<16xf32> to vector<16xf32>
      %le3A_198 = arith.constant 1.300000e+01 : f32
      %le3A_199 = vector.broadcast %le3A_198 : f32 to vector<16xf32>
      %le3A_200 = arith.cmpf ole, %get3A_21, %le3A_199 : vector<16xf32>
      %select_n3A_201 = arith.select %le3A_200, %broadcast_in_dim3A_15, %get3A_197 : vector<16xi1>, vector<16xf32>
      %ge3A_202 = arith.constant 1.200000e+01 : f32
      %ge3A_203 = vector.broadcast %ge3A_202 : f32 to vector<16xf32>
      %ge3A_204 = arith.cmpf oge, %get3A_21, %ge3A_203 : vector<16xf32>
      %select_n3A_205 = arith.select %ge3A_204, %select_n3A_201, %broadcast_in_dim3A_13 : vector<16xi1>, vector<16xf32>
      %mul3A_206 = arith.constant 512 : i32
      %mul3A_207 = arith.muli %scan3A_12, %mul3A_206 : i32
      %add3A_208 = arith.constant 208 : i32
      %add3A_209 = arith.addi %mul3A_207, %add3A_208 : i32
      %get3A_210 = arith.index_cast %add3A_209 : i32 to index
      %get3A_211 = tpu.vector_load %arg5[%get3A_210] {strides = array<i32>} : memref<4096xf32, #tpu.memory_space<vmem>>, vector<16xf32>,
      %get3A_212 = vector.shape_cast %get3A_211 : vector<16xf32> to vector<16xf32>
      %le3A_213 = arith.constant 1.400000e+01 : f32
      %le3A_214 = vector.broadcast %le3A_213 : f32 to vector<16xf32>
      %le3A_215 = arith.cmpf ole, %get3A_21, %le3A_214 : vector<16xf32>
      %select_n3A_216 = arith.select %le3A_215, %broadcast_in_dim3A_15, %get3A_212 : vector<16xi1>, vector<16xf32>
      %ge3A_217 = arith.constant 1.300000e+01 : f32
      %ge3A_218 = vector.broadcast %ge3A_217 : f32 to vector<16xf32>
      %ge3A_219 = arith.cmpf oge, %get3A_21, %ge3A_218 : vector<16xf32>
      %select_n3A_220 = arith.select %ge3A_219, %select_n3A_216, %broadcast_in_dim3A_13 : vector<16xi1>, vector<16xf32>
      %mul3A_221 = arith.constant 512 : i32
      %mul3A_222 = arith.muli %scan3A_12, %mul3A_221 : i32
      %add3A_223 = arith.constant 224 : i32
      %add3A_224 = arith.addi %mul3A_222, %add3A_223 : i32
      %get3A_225 = arith.index_cast %add3A_224 : i32 to index
      %get3A_226 = tpu.vector_load %arg5[%get3A_225] {strides = array<i32>} : memref<4096xf32, #tpu.memory_space<vmem>>, vector<16xf32>,
      %get3A_227 = vector.shape_cast %get3A_226 : vector<16xf32> to vector<16xf32>
      %le3A_228 = arith.constant 1.500000e+01 : f32
      %le3A_229 = vector.broadcast %le3A_228 : f32 to vector<16xf32>
      %le3A_230 = arith.cmpf ole, %get3A_21, %le3A_229 : vector<16xf32>
      %select_n3A_231 = arith.select %le3A_230, %broadcast_in_dim3A_15, %get3A_227 : vector<16xi1>, vector<16xf32>
      %ge3A_232 = arith.constant 1.400000e+01 : f32
      %ge3A_233 = vector.broadcast %ge3A_232 : f32 to vector<16xf32>
      %ge3A_234 = arith.cmpf oge, %get3A_21, %ge3A_233 : vector<16xf32>
      %select_n3A_235 = arith.select %ge3A_234, %select_n3A_231, %broadcast_in_dim3A_13 : vector<16xi1>, vector<16xf32>
      %mul3A_236 = arith.constant 512 : i32
      %mul3A_237 = arith.muli %scan3A_12, %mul3A_236 : i32
      %add3A_238 = arith.constant 240 : i32
      %add3A_239 = arith.addi %mul3A_237, %add3A_238 : i32
      %get3A_240 = arith.index_cast %add3A_239 : i32 to index
      %get3A_241 = tpu.vector_load %arg5[%get3A_240] {strides = array<i32>} : memref<4096xf32, #tpu.memory_space<vmem>>, vector<16xf32>,
      %get3A_242 = vector.shape_cast %get3A_241 : vector<16xf32> to vector<16xf32>
      %le3A_243 = arith.constant 1.600000e+01 : f32
      %le3A_244 = vector.broadcast %le3A_243 : f32 to vector<16xf32>
      %le3A_245 = arith.cmpf ole, %get3A_21, %le3A_244 : vector<16xf32>
      %select_n3A_246 = arith.select %le3A_245, %broadcast_in_dim3A_15, %get3A_242 : vector<16xi1>, vector<16xf32>
      %ge3A_247 = arith.constant 1.500000e+01 : f32
      %ge3A_248 = vector.broadcast %ge3A_247 : f32 to vector<16xf32>
      %ge3A_249 = arith.cmpf oge, %get3A_21, %ge3A_248 : vector<16xf32>
      %select_n3A_250 = arith.select %ge3A_249, %select_n3A_246, %broadcast_in_dim3A_13 : vector<16xi1>, vector<16xf32>
      %mul3A_251 = arith.constant 512 : i32
      %mul3A_252 = arith.muli %scan3A_12, %mul3A_251 : i32
      %add3A_253 = arith.constant 256 : i32
      %add3A_254 = arith.addi %mul3A_252, %add3A_253 : i32
      %get3A_255 = arith.index_cast %add3A_254 : i32 to index
      %get3A_256 = tpu.vector_load %arg5[%get3A_255] {strides = array<i32>} : memref<4096xf32, #tpu.memory_space<vmem>>, vector<16xf32>,
      %get3A_257 = vector.shape_cast %get3A_256 : vector<16xf32> to vector<16xf32>
      %le3A_258 = arith.constant 1.700000e+01 : f32
      %le3A_259 = vector.broadcast %le3A_258 : f32 to vector<16xf32>
      %le3A_260 = arith.cmpf ole, %get3A_21, %le3A_259 : vector<16xf32>
      %select_n3A_261 = arith.select %le3A_260, %broadcast_in_dim3A_15, %get3A_257 : vector<16xi1>, vector<16xf32>
      %ge3A_262 = arith.constant 1.600000e+01 : f32
      %ge3A_263 = vector.broadcast %ge3A_262 : f32 to vector<16xf32>
      %ge3A_264 = arith.cmpf oge, %get3A_21, %ge3A_263 : vector<16xf32>
      %select_n3A_265 = arith.select %ge3A_264, %select_n3A_261, %broadcast_in_dim3A_13 : vector<16xi1>, vector<16xf32>
      %mul3A_266 = arith.constant 512 : i32
      %mul3A_267 = arith.muli %scan3A_12, %mul3A_266 : i32
      %add3A_268 = arith.constant 272 : i32
      %add3A_269 = arith.addi %mul3A_267, %add3A_268 : i32
      %get3A_270 = arith.index_cast %add3A_269 : i32 to index
      %get3A_271 = tpu.vector_load %arg5[%get3A_270] {strides = array<i32>} : memref<4096xf32, #tpu.memory_space<vmem>>, vector<16xf32>,
      %get3A_272 = vector.shape_cast %get3A_271 : vector<16xf32> to vector<16xf32>
      %le3A_273 = arith.constant 1.800000e+01 : f32
      %le3A_274 = vector.broadcast %le3A_273 : f32 to vector<16xf32>
      %le3A_275 = arith.cmpf ole, %get3A_21, %le3A_274 : vector<16xf32>
      %select_n3A_276 = arith.select %le3A_275, %broadcast_in_dim3A_15, %get3A_272 : vector<16xi1>, vector<16xf32>
      %ge3A_277 = arith.constant 1.700000e+01 : f32
      %ge3A_278 = vector.broadcast %ge3A_277 : f32 to vector<16xf32>
      %ge3A_279 = arith.cmpf oge, %get3A_21, %ge3A_278 : vector<16xf32>
      %select_n3A_280 = arith.select %ge3A_279, %select_n3A_276, %broadcast_in_dim3A_13 : vector<16xi1>, vector<16xf32>
      %mul3A_281 = arith.constant 512 : i32
      %mul3A_282 = arith.muli %scan3A_12, %mul3A_281 : i32
      %add3A_283 = arith.constant 288 : i32
      %add3A_284 = arith.addi %mul3A_282, %add3A_283 : i32
      %get3A_285 = arith.index_cast %add3A_284 : i32 to index
      %get3A_286 = tpu.vector_load %arg5[%get3A_285] {strides = array<i32>} : memref<4096xf32, #tpu.memory_space<vmem>>, vector<16xf32>,
      %get3A_287 = vector.shape_cast %get3A_286 : vector<16xf32> to vector<16xf32>
      %le3A_288 = arith.constant 1.900000e+01 : f32
      %le3A_289 = vector.broadcast %le3A_288 : f32 to vector<16xf32>
      %le3A_290 = arith.cmpf ole, %get3A_21, %le3A_289 : vector<16xf32>
      %select_n3A_291 = arith.select %le3A_290, %broadcast_in_dim3A_15, %get3A_287 : vector<16xi1>, vector<16xf32>
      %ge3A_292 = arith.constant 1.800000e+01 : f32
      %ge3A_293 = vector.broadcast %ge3A_292 : f32 to vector<16xf32>
      %ge3A_294 = arith.cmpf oge, %get3A_21, %ge3A_293 : vector<16xf32>
      %select_n3A_295 = arith.select %ge3A_294, %select_n3A_291, %broadcast_in_dim3A_13 : vector<16xi1>, vector<16xf32>
      %mul3A_296 = arith.constant 512 : i32
      %mul3A_297 = arith.muli %scan3A_12, %mul3A_296 : i32
      %add3A_298 = arith.constant 304 : i32
      %add3A_299 = arith.addi %mul3A_297, %add3A_298 : i32
      %get3A_300 = arith.index_cast %add3A_299 : i32 to index
      %get3A_301 = tpu.vector_load %arg5[%get3A_300] {strides = array<i32>} : memref<4096xf32, #tpu.memory_space<vmem>>, vector<16xf32>,
      %get3A_302 = vector.shape_cast %get3A_301 : vector<16xf32> to vector<16xf32>
      %le3A_303 = arith.constant 2.000000e+01 : f32
      %le3A_304 = vector.broadcast %le3A_303 : f32 to vector<16xf32>
      %le3A_305 = arith.cmpf ole, %get3A_21, %le3A_304 : vector<16xf32>
      %select_n3A_306 = arith.select %le3A_305, %broadcast_in_dim3A_15, %get3A_302 : vector<16xi1>, vector<16xf32>
      %ge3A_307 = arith.constant 1.900000e+01 : f32
      %ge3A_308 = vector.broadcast %ge3A_307 : f32 to vector<16xf32>
      %ge3A_309 = arith.cmpf oge, %get3A_21, %ge3A_308 : vector<16xf32>
      %select_n3A_310 = arith.select %ge3A_309, %select_n3A_306, %broadcast_in_dim3A_13 : vector<16xi1>, vector<16xf32>
      %mul3A_311 = arith.constant 512 : i32
      %mul3A_312 = arith.muli %scan3A_12, %mul3A_311 : i32
      %add3A_313 = arith.constant 320 : i32
      %add3A_314 = arith.addi %mul3A_312, %add3A_313 : i32
      %get3A_315 = arith.index_cast %add3A_314 : i32 to index
      %get3A_316 = tpu.vector_load %arg5[%get3A_315] {strides = array<i32>} : memref<4096xf32, #tpu.memory_space<vmem>>, vector<16xf32>,
      %get3A_317 = vector.shape_cast %get3A_316 : vector<16xf32> to vector<16xf32>
      %le3A_318 = arith.constant 2.100000e+01 : f32
      %le3A_319 = vector.broadcast %le3A_318 : f32 to vector<16xf32>
      %le3A_320 = arith.cmpf ole, %get3A_21, %le3A_319 : vector<16xf32>
      %select_n3A_321 = arith.select %le3A_320, %broadcast_in_dim3A_15, %get3A_317 : vector<16xi1>, vector<16xf32>
      %ge3A_322 = arith.constant 2.000000e+01 : f32
      %ge3A_323 = vector.broadcast %ge3A_322 : f32 to vector<16xf32>
      %ge3A_324 = arith.cmpf oge, %get3A_21, %ge3A_323 : vector<16xf32>
      %select_n3A_325 = arith.select %ge3A_324, %select_n3A_321, %broadcast_in_dim3A_13 : vector<16xi1>, vector<16xf32>
      %mul3A_326 = arith.constant 512 : i32
      %mul3A_327 = arith.muli %scan3A_12, %mul3A_326 : i32
      %add3A_328 = arith.constant 336 : i32
      %add3A_329 = arith.addi %mul3A_327, %add3A_328 : i32
      %get3A_330 = arith.index_cast %add3A_329 : i32 to index
      %get3A_331 = tpu.vector_load %arg5[%get3A_330] {strides = array<i32>} : memref<4096xf32, #tpu.memory_space<vmem>>, vector<16xf32>,
      %get3A_332 = vector.shape_cast %get3A_331 : vector<16xf32> to vector<16xf32>
      %le3A_333 = arith.constant 2.200000e+01 : f32
      %le3A_334 = vector.broadcast %le3A_333 : f32 to vector<16xf32>
      %le3A_335 = arith.cmpf ole, %get3A_21, %le3A_334 : vector<16xf32>
      %select_n3A_336 = arith.select %le3A_335, %broadcast_in_dim3A_15, %get3A_332 : vector<16xi1>, vector<16xf32>
      %ge3A_337 = arith.constant 2.100000e+01 : f32
      %ge3A_338 = vector.broadcast %ge3A_337 : f32 to vector<16xf32>
      %ge3A_339 = arith.cmpf oge, %get3A_21, %ge3A_338 : vector<16xf32>
      %select_n3A_340 = arith.select %ge3A_339, %select_n3A_336, %broadcast_in_dim3A_13 : vector<16xi1>, vector<16xf32>
      %mul3A_341 = arith.constant 512 : i32
      %mul3A_342 = arith.muli %scan3A_12, %mul3A_341 : i32
      %add3A_343 = arith.constant 352 : i32
      %add3A_344 = arith.addi %mul3A_342, %add3A_343 : i32
      %get3A_345 = arith.index_cast %add3A_344 : i32 to index
      %get3A_346 = tpu.vector_load %arg5[%get3A_345] {strides = array<i32>} : memref<4096xf32, #tpu.memory_space<vmem>>, vector<16xf32>,
      %get3A_347 = vector.shape_cast %get3A_346 : vector<16xf32> to vector<16xf32>
      %le3A_348 = arith.constant 2.300000e+01 : f32
      %le3A_349 = vector.broadcast %le3A_348 : f32 to vector<16xf32>
      %le3A_350 = arith.cmpf ole, %get3A_21, %le3A_349 : vector<16xf32>
      %select_n3A_351 = arith.select %le3A_350, %broadcast_in_dim3A_15, %get3A_347 : vector<16xi1>, vector<16xf32>
      %ge3A_352 = arith.constant 2.200000e+01 : f32
      %ge3A_353 = vector.broadcast %ge3A_352 : f32 to vector<16xf32>
      %ge3A_354 = arith.cmpf oge, %get3A_21, %ge3A_353 : vector<16xf32>
      %select_n3A_355 = arith.select %ge3A_354, %select_n3A_351, %broadcast_in_dim3A_13 : vector<16xi1>, vector<16xf32>
      %mul3A_356 = arith.constant 512 : i32
      %mul3A_357 = arith.muli %scan3A_12, %mul3A_356 : i32
      %add3A_358 = arith.constant 368 : i32
      %add3A_359 = arith.addi %mul3A_357, %add3A_358 : i32
      %get3A_360 = arith.index_cast %add3A_359 : i32 to index
      %get3A_361 = tpu.vector_load %arg5[%get3A_360] {strides = array<i32>} : memref<4096xf32, #tpu.memory_space<vmem>>, vector<16xf32>,
      %get3A_362 = vector.shape_cast %get3A_361 : vector<16xf32> to vector<16xf32>
      %le3A_363 = arith.constant 2.400000e+01 : f32
      %le3A_364 = vector.broadcast %le3A_363 : f32 to vector<16xf32>
      %le3A_365 = arith.cmpf ole, %get3A_21, %le3A_364 : vector<16xf32>
      %select_n3A_366 = arith.select %le3A_365, %broadcast_in_dim3A_15, %get3A_362 : vector<16xi1>, vector<16xf32>
      %ge3A_367 = arith.constant 2.300000e+01 : f32
      %ge3A_368 = vector.broadcast %ge3A_367 : f32 to vector<16xf32>
      %ge3A_369 = arith.cmpf oge, %get3A_21, %ge3A_368 : vector<16xf32>
      %select_n3A_370 = arith.select %ge3A_369, %select_n3A_366, %broadcast_in_dim3A_13 : vector<16xi1>, vector<16xf32>
      %mul3A_371 = arith.constant 512 : i32
      %mul3A_372 = arith.muli %scan3A_12, %mul3A_371 : i32
      %add3A_373 = arith.constant 384 : i32
      %add3A_374 = arith.addi %mul3A_372, %add3A_373 : i32
      %get3A_375 = arith.index_cast %add3A_374 : i32 to index
      %get3A_376 = tpu.vector_load %arg5[%get3A_375] {strides = array<i32>} : memref<4096xf32, #tpu.memory_space<vmem>>, vector<16xf32>,
      %get3A_377 = vector.shape_cast %get3A_376 : vector<16xf32> to vector<16xf32>
      %le3A_378 = arith.constant 2.500000e+01 : f32
      %le3A_379 = vector.broadcast %le3A_378 : f32 to vector<16xf32>
      %le3A_380 = arith.cmpf ole, %get3A_21, %le3A_379 : vector<16xf32>
      %select_n3A_381 = arith.select %le3A_380, %broadcast_in_dim3A_15, %get3A_377 : vector<16xi1>, vector<16xf32>
      %ge3A_382 = arith.constant 2.400000e+01 : f32
      %ge3A_383 = vector.broadcast %ge3A_382 : f32 to vector<16xf32>
      %ge3A_384 = arith.cmpf oge, %get3A_21, %ge3A_383 : vector<16xf32>
      %select_n3A_385 = arith.select %ge3A_384, %select_n3A_381, %broadcast_in_dim3A_13 : vector<16xi1>, vector<16xf32>
      %mul3A_386 = arith.constant 512 : i32
      %mul3A_387 = arith.muli %scan3A_12, %mul3A_386 : i32
      %add3A_388 = arith.constant 400 : i32
      %add3A_389 = arith.addi %mul3A_387, %add3A_388 : i32
      %get3A_390 = arith.index_cast %add3A_389 : i32 to index
      %get3A_391 = tpu.vector_load %arg5[%get3A_390] {strides = array<i32>} : memref<4096xf32, #tpu.memory_space<vmem>>, vector<16xf32>,
      %get3A_392 = vector.shape_cast %get3A_391 : vector<16xf32> to vector<16xf32>
      %le3A_393 = arith.constant 2.600000e+01 : f32
      %le3A_394 = vector.broadcast %le3A_393 : f32 to vector<16xf32>
      %le3A_395 = arith.cmpf ole, %get3A_21, %le3A_394 : vector<16xf32>
      %select_n3A_396 = arith.select %le3A_395, %broadcast_in_dim3A_15, %get3A_392 : vector<16xi1>, vector<16xf32>
      %ge3A_397 = arith.constant 2.500000e+01 : f32
      %ge3A_398 = vector.broadcast %ge3A_397 : f32 to vector<16xf32>
      %ge3A_399 = arith.cmpf oge, %get3A_21, %ge3A_398 : vector<16xf32>
      %select_n3A_400 = arith.select %ge3A_399, %select_n3A_396, %broadcast_in_dim3A_13 : vector<16xi1>, vector<16xf32>
      %mul3A_401 = arith.constant 512 : i32
      %mul3A_402 = arith.muli %scan3A_12, %mul3A_401 : i32
      %add3A_403 = arith.constant 416 : i32
      %add3A_404 = arith.addi %mul3A_402, %add3A_403 : i32
      %get3A_405 = arith.index_cast %add3A_404 : i32 to index
      %get3A_406 = tpu.vector_load %arg5[%get3A_405] {strides = array<i32>} : memref<4096xf32, #tpu.memory_space<vmem>>, vector<16xf32>,
      %get3A_407 = vector.shape_cast %get3A_406 : vector<16xf32> to vector<16xf32>
      %le3A_408 = arith.constant 2.700000e+01 : f32
      %le3A_409 = vector.broadcast %le3A_408 : f32 to vector<16xf32>
      %le3A_410 = arith.cmpf ole, %get3A_21, %le3A_409 : vector<16xf32>
      %select_n3A_411 = arith.select %le3A_410, %broadcast_in_dim3A_15, %get3A_407 : vector<16xi1>, vector<16xf32>
      %ge3A_412 = arith.constant 2.600000e+01 : f32
      %ge3A_413 = vector.broadcast %ge3A_412 : f32 to vector<16xf32>
      %ge3A_414 = arith.cmpf oge, %get3A_21, %ge3A_413 : vector<16xf32>
      %select_n3A_415 = arith.select %ge3A_414, %select_n3A_411, %broadcast_in_dim3A_13 : vector<16xi1>, vector<16xf32>
      %mul3A_416 = arith.constant 512 : i32
      %mul3A_417 = arith.muli %scan3A_12, %mul3A_416 : i32
      %add3A_418 = arith.constant 432 : i32
      %add3A_419 = arith.addi %mul3A_417, %add3A_418 : i32
      %get3A_420 = arith.index_cast %add3A_419 : i32 to index
      %get3A_421 = tpu.vector_load %arg5[%get3A_420] {strides = array<i32>} : memref<4096xf32, #tpu.memory_space<vmem>>, vector<16xf32>,
      %get3A_422 = vector.shape_cast %get3A_421 : vector<16xf32> to vector<16xf32>
      %le3A_423 = arith.constant 2.800000e+01 : f32
      %le3A_424 = vector.broadcast %le3A_423 : f32 to vector<16xf32>
      %le3A_425 = arith.cmpf ole, %get3A_21, %le3A_424 : vector<16xf32>
      %select_n3A_426 = arith.select %le3A_425, %broadcast_in_dim3A_15, %get3A_422 : vector<16xi1>, vector<16xf32>
      %ge3A_427 = arith.constant 2.700000e+01 : f32
      %ge3A_428 = vector.broadcast %ge3A_427 : f32 to vector<16xf32>
      %ge3A_429 = arith.cmpf oge, %get3A_21, %ge3A_428 : vector<16xf32>
      %select_n3A_430 = arith.select %ge3A_429, %select_n3A_426, %broadcast_in_dim3A_13 : vector<16xi1>, vector<16xf32>
      %mul3A_431 = arith.constant 512 : i32
      %mul3A_432 = arith.muli %scan3A_12, %mul3A_431 : i32
      %add3A_433 = arith.constant 448 : i32
      %add3A_434 = arith.addi %mul3A_432, %add3A_433 : i32
      %get3A_435 = arith.index_cast %add3A_434 : i32 to index
      %get3A_436 = tpu.vector_load %arg5[%get3A_435] {strides = array<i32>} : memref<4096xf32, #tpu.memory_space<vmem>>, vector<16xf32>,
      %get3A_437 = vector.shape_cast %get3A_436 : vector<16xf32> to vector<16xf32>
      %le3A_438 = arith.constant 2.900000e+01 : f32
      %le3A_439 = vector.broadcast %le3A_438 : f32 to vector<16xf32>
      %le3A_440 = arith.cmpf ole, %get3A_21, %le3A_439 : vector<16xf32>
      %select_n3A_441 = arith.select %le3A_440, %broadcast_in_dim3A_15, %get3A_437 : vector<16xi1>, vector<16xf32>
      %ge3A_442 = arith.constant 2.800000e+01 : f32
      %ge3A_443 = vector.broadcast %ge3A_442 : f32 to vector<16xf32>
      %ge3A_444 = arith.cmpf oge, %get3A_21, %ge3A_443 : vector<16xf32>
      %select_n3A_445 = arith.select %ge3A_444, %select_n3A_441, %broadcast_in_dim3A_13 : vector<16xi1>, vector<16xf32>
      %mul3A_446 = arith.constant 512 : i32
      %mul3A_447 = arith.muli %scan3A_12, %mul3A_446 : i32
      %add3A_448 = arith.constant 464 : i32
      %add3A_449 = arith.addi %mul3A_447, %add3A_448 : i32
      %get3A_450 = arith.index_cast %add3A_449 : i32 to index
      %get3A_451 = tpu.vector_load %arg5[%get3A_450] {strides = array<i32>} : memref<4096xf32, #tpu.memory_space<vmem>>, vector<16xf32>,
      %get3A_452 = vector.shape_cast %get3A_451 : vector<16xf32> to vector<16xf32>
      %le3A_453 = arith.constant 3.000000e+01 : f32
      %le3A_454 = vector.broadcast %le3A_453 : f32 to vector<16xf32>
      %le3A_455 = arith.cmpf ole, %get3A_21, %le3A_454 : vector<16xf32>
      %select_n3A_456 = arith.select %le3A_455, %broadcast_in_dim3A_15, %get3A_452 : vector<16xi1>, vector<16xf32>
      %ge3A_457 = arith.constant 2.900000e+01 : f32
      %ge3A_458 = vector.broadcast %ge3A_457 : f32 to vector<16xf32>
      %ge3A_459 = arith.cmpf oge, %get3A_21, %ge3A_458 : vector<16xf32>
      %select_n3A_460 = arith.select %ge3A_459, %select_n3A_456, %broadcast_in_dim3A_13 : vector<16xi1>, vector<16xf32>
      %mul3A_461 = arith.constant 512 : i32
      %mul3A_462 = arith.muli %scan3A_12, %mul3A_461 : i32
      %add3A_463 = arith.constant 480 : i32
      %add3A_464 = arith.addi %mul3A_462, %add3A_463 : i32
      %get3A_465 = arith.index_cast %add3A_464 : i32 to index
      %get3A_466 = tpu.vector_load %arg5[%get3A_465] {strides = array<i32>} : memref<4096xf32, #tpu.memory_space<vmem>>, vector<16xf32>,
      %get3A_467 = vector.shape_cast %get3A_466 : vector<16xf32> to vector<16xf32>
      %le3A_468 = arith.constant 3.100000e+01 : f32
      %le3A_469 = vector.broadcast %le3A_468 : f32 to vector<16xf32>
      %le3A_470 = arith.cmpf ole, %get3A_21, %le3A_469 : vector<16xf32>
      %select_n3A_471 = arith.select %le3A_470, %broadcast_in_dim3A_15, %get3A_467 : vector<16xi1>, vector<16xf32>
      %ge3A_472 = arith.constant 3.000000e+01 : f32
      %ge3A_473 = vector.broadcast %ge3A_472 : f32 to vector<16xf32>
      %ge3A_474 = arith.cmpf oge, %get3A_21, %ge3A_473 : vector<16xf32>
      %select_n3A_475 = arith.select %ge3A_474, %select_n3A_471, %broadcast_in_dim3A_13 : vector<16xi1>, vector<16xf32>
      %mul3A_476 = arith.constant 512 : i32
      %mul3A_477 = arith.muli %scan3A_12, %mul3A_476 : i32
      %add3A_478 = arith.constant 496 : i32
      %add3A_479 = arith.addi %mul3A_477, %add3A_478 : i32
      %get3A_480 = arith.index_cast %add3A_479 : i32 to index
      %get3A_481 = tpu.vector_load %arg5[%get3A_480] {strides = array<i32>} : memref<4096xf32, #tpu.memory_space<vmem>>, vector<16xf32>,
      %get3A_482 = vector.shape_cast %get3A_481 : vector<16xf32> to vector<16xf32>
      %le3A_483 = arith.constant 3.200000e+01 : f32
      %le3A_484 = vector.broadcast %le3A_483 : f32 to vector<16xf32>
      %le3A_485 = arith.cmpf ole, %get3A_21, %le3A_484 : vector<16xf32>
      %select_n3A_486 = arith.select %le3A_485, %broadcast_in_dim3A_15, %get3A_482 : vector<16xi1>, vector<16xf32>
      %ge3A_487 = arith.constant 3.100000e+01 : f32
      %ge3A_488 = vector.broadcast %ge3A_487 : f32 to vector<16xf32>
      %ge3A_489 = arith.cmpf oge, %get3A_21, %ge3A_488 : vector<16xf32>
      %select_n3A_490 = arith.select %ge3A_489, %select_n3A_486, %broadcast_in_dim3A_13 : vector<16xi1>, vector<16xf32>
      %max3A = arith.maximumf %broadcast_in_dim3A_15, %select_n3A_40 : vector<16xf32>
      %min3A = arith.minimumf %broadcast_in_dim3A_15, %select_n3A_40 : vector<16xf32>
      %max3A_491 = arith.maximumf %select_n3A_55, %select_n3A_70 : vector<16xf32>
      %min3A_492 = arith.minimumf %select_n3A_55, %select_n3A_70 : vector<16xf32>
      %max3A_493 = arith.maximumf %select_n3A_85, %select_n3A_100 : vector<16xf32>
      %min3A_494 = arith.minimumf %select_n3A_85, %select_n3A_100 : vector<16xf32>
      %max3A_495 = arith.maximumf %select_n3A_115, %select_n3A_130 : vector<16xf32>
      %min3A_496 = arith.minimumf %select_n3A_115, %select_n3A_130 : vector<16xf32>
      %max3A_497 = arith.maximumf %select_n3A_145, %select_n3A_160 : vector<16xf32>
      %min3A_498 = arith.minimumf %select_n3A_145, %select_n3A_160 : vector<16xf32>
      %max3A_499 = arith.maximumf %select_n3A_175, %select_n3A_190 : vector<16xf32>
      %min3A_500 = arith.minimumf %select_n3A_175, %select_n3A_190 : vector<16xf32>
      %max3A_501 = arith.maximumf %select_n3A_205, %select_n3A_220 : vector<16xf32>
      %min3A_502 = arith.minimumf %select_n3A_205, %select_n3A_220 : vector<16xf32>
      %max3A_503 = arith.maximumf %select_n3A_235, %select_n3A_250 : vector<16xf32>
      %min3A_504 = arith.minimumf %select_n3A_235, %select_n3A_250 : vector<16xf32>
      %max3A_505 = arith.maximumf %select_n3A_265, %select_n3A_280 : vector<16xf32>
      %min3A_506 = arith.minimumf %select_n3A_265, %select_n3A_280 : vector<16xf32>
      %max3A_507 = arith.maximumf %select_n3A_295, %select_n3A_310 : vector<16xf32>
      %min3A_508 = arith.minimumf %select_n3A_295, %select_n3A_310 : vector<16xf32>
      %max3A_509 = arith.maximumf %select_n3A_325, %select_n3A_340 : vector<16xf32>
      %min3A_510 = arith.minimumf %select_n3A_325, %select_n3A_340 : vector<16xf32>
      %max3A_511 = arith.maximumf %select_n3A_355, %select_n3A_370 : vector<16xf32>
      %min3A_512 = arith.minimumf %select_n3A_355, %select_n3A_370 : vector<16xf32>
      %max3A_513 = arith.maximumf %select_n3A_385, %select_n3A_400 : vector<16xf32>
      %min3A_514 = arith.minimumf %select_n3A_385, %select_n3A_400 : vector<16xf32>
      %max3A_515 = arith.maximumf %select_n3A_415, %select_n3A_430 : vector<16xf32>
      %min3A_516 = arith.minimumf %select_n3A_415, %select_n3A_430 : vector<16xf32>
      %max3A_517 = arith.maximumf %select_n3A_445, %select_n3A_460 : vector<16xf32>
      %min3A_518 = arith.minimumf %select_n3A_445, %select_n3A_460 : vector<16xf32>
      %max3A_519 = arith.maximumf %select_n3A_475, %select_n3A_490 : vector<16xf32>
      %min3A_520 = arith.minimumf %select_n3A_475, %select_n3A_490 : vector<16xf32>
      %max3A_521 = arith.maximumf %min3A, %max3A_491 : vector<16xf32>
      %min3A_522 = arith.minimumf %min3A, %max3A_491 : vector<16xf32>
      %max3A_523 = arith.maximumf %max3A, %min3A_492 : vector<16xf32>
      %min3A_524 = arith.minimumf %max3A, %min3A_492 : vector<16xf32>
      %max3A_525 = arith.maximumf %min3A_494, %max3A_495 : vector<16xf32>
      %min3A_526 = arith.minimumf %min3A_494, %max3A_495 : vector<16xf32>
      %max3A_527 = arith.maximumf %max3A_493, %min3A_496 : vector<16xf32>
      %min3A_528 = arith.minimumf %max3A_493, %min3A_496 : vector<16xf32>
      %max3A_529 = arith.maximumf %min3A_498, %max3A_499 : vector<16xf32>
      %min3A_530 = arith.minimumf %min3A_498, %max3A_499 : vector<16xf32>
      %max3A_531 = arith.maximumf %max3A_497, %min3A_500 : vector<16xf32>
      %min3A_532 = arith.minimumf %max3A_497, %min3A_500 : vector<16xf32>
      %max3A_533 = arith.maximumf %min3A_502, %max3A_503 : vector<16xf32>
      %min3A_534 = arith.minimumf %min3A_502, %max3A_503 : vector<16xf32>
      %max3A_535 = arith.maximumf %max3A_501, %min3A_504 : vector<16xf32>
      %min3A_536 = arith.minimumf %max3A_501, %min3A_504 : vector<16xf32>
      %max3A_537 = arith.maximumf %min3A_506, %max3A_507 : vector<16xf32>
      %min3A_538 = arith.minimumf %min3A_506, %max3A_507 : vector<16xf32>
      %max3A_539 = arith.maximumf %max3A_505, %min3A_508 : vector<16xf32>
      %min3A_540 = arith.minimumf %max3A_505, %min3A_508 : vector<16xf32>
      %max3A_541 = arith.maximumf %min3A_510, %max3A_511 : vector<16xf32>
      %min3A_542 = arith.minimumf %min3A_510, %max3A_511 : vector<16xf32>
      %max3A_543 = arith.maximumf %max3A_509, %min3A_512 : vector<16xf32>
      %min3A_544 = arith.minimumf %max3A_509, %min3A_512 : vector<16xf32>
      %max3A_545 = arith.maximumf %min3A_514, %max3A_515 : vector<16xf32>
      %min3A_546 = arith.minimumf %min3A_514, %max3A_515 : vector<16xf32>
      %max3A_547 = arith.maximumf %max3A_513, %min3A_516 : vector<16xf32>
      %min3A_548 = arith.minimumf %max3A_513, %min3A_516 : vector<16xf32>
      %max3A_549 = arith.maximumf %min3A_518, %max3A_519 : vector<16xf32>
      %min3A_550 = arith.minimumf %min3A_518, %max3A_519 : vector<16xf32>
      %max3A_551 = arith.maximumf %max3A_517, %min3A_520 : vector<16xf32>
      %min3A_552 = arith.minimumf %max3A_517, %min3A_520 : vector<16xf32>
      %max3A_553 = arith.maximumf %min3A_522, %min3A_524 : vector<16xf32>
      %min3A_554 = arith.minimumf %min3A_522, %min3A_524 : vector<16xf32>
      %max3A_555 = arith.maximumf %max3A_521, %max3A_523 : vector<16xf32>
      %min3A_556 = arith.minimumf %max3A_521, %max3A_523 : vector<16xf32>
      %max3A_557 = arith.maximumf %max3A_525, %max3A_527 : vector<16xf32>
      %min3A_558 = arith.minimumf %max3A_525, %max3A_527 : vector<16xf32>
      %max3A_559 = arith.maximumf %min3A_526, %min3A_528 : vector<16xf32>
      %min3A_560 = arith.minimumf %min3A_526, %min3A_528 : vector<16xf32>
      %max3A_561 = arith.maximumf %min3A_530, %min3A_532 : vector<16xf32>
      %min3A_562 = arith.minimumf %min3A_530, %min3A_532 : vector<16xf32>
      %max3A_563 = arith.maximumf %max3A_529, %max3A_531 : vector<16xf32>
      %min3A_564 = arith.minimumf %max3A_529, %max3A_531 : vector<16xf32>
      %max3A_565 = arith.maximumf %max3A_533, %max3A_535 : vector<16xf32>
      %min3A_566 = arith.minimumf %max3A_533, %max3A_535 : vector<16xf32>
      %max3A_567 = arith.maximumf %min3A_534, %min3A_536 : vector<16xf32>
      %min3A_568 = arith.minimumf %min3A_534, %min3A_536 : vector<16xf32>
      %max3A_569 = arith.maximumf %min3A_538, %min3A_540 : vector<16xf32>
      %min3A_570 = arith.minimumf %min3A_538, %min3A_540 : vector<16xf32>
      %max3A_571 = arith.maximumf %max3A_537, %max3A_539 : vector<16xf32>
      %min3A_572 = arith.minimumf %max3A_537, %max3A_539 : vector<16xf32>
      %max3A_573 = arith.maximumf %max3A_541, %max3A_543 : vector<16xf32>
      %min3A_574 = arith.minimumf %max3A_541, %max3A_543 : vector<16xf32>
      %max3A_575 = arith.maximumf %min3A_542, %min3A_544 : vector<16xf32>
      %min3A_576 = arith.minimumf %min3A_542, %min3A_544 : vector<16xf32>
      %max3A_577 = arith.maximumf %min3A_546, %min3A_548 : vector<16xf32>
      %min3A_578 = arith.minimumf %min3A_546, %min3A_548 : vector<16xf32>
      %max3A_579 = arith.maximumf %max3A_545, %max3A_547 : vector<16xf32>
      %min3A_580 = arith.minimumf %max3A_545, %max3A_547 : vector<16xf32>
      %max3A_581 = arith.maximumf %max3A_549, %max3A_551 : vector<16xf32>
      %min3A_582 = arith.minimumf %max3A_549, %max3A_551 : vector<16xf32>
      %max3A_583 = arith.maximumf %min3A_550, %min3A_552 : vector<16xf32>
      %min3A_584 = arith.minimumf %min3A_550, %min3A_552 : vector<16xf32>
      %max3A_585 = arith.maximumf %min3A_554, %max3A_557 : vector<16xf32>
      %min3A_586 = arith.minimumf %min3A_554, %max3A_557 : vector<16xf32>
      %max3A_587 = arith.maximumf %max3A_553, %min3A_558 : vector<16xf32>
      %min3A_588 = arith.minimumf %max3A_553, %min3A_558 : vector<16xf32>
      %max3A_589 = arith.maximumf %min3A_556, %max3A_559 : vector<16xf32>
      %min3A_590 = arith.minimumf %min3A_556, %max3A_559 : vector<16xf32>
      %max3A_591 = arith.maximumf %max3A_555, %min3A_560 : vector<16xf32>
      %min3A_592 = arith.minimumf %max3A_555, %min3A_560 : vector<16xf32>
      %max3A_593 = arith.maximumf %min3A_562, %max3A_565 : vector<16xf32>
      %min3A_594 = arith.minimumf %min3A_562, %max3A_565 : vector<16xf32>
      %max3A_595 = arith.maximumf %max3A_561, %min3A_566 : vector<16xf32>
      %min3A_596 = arith.minimumf %max3A_561, %min3A_566 : vector<16xf32>
      %max3A_597 = arith.maximumf %min3A_564, %max3A_567 : vector<16xf32>
      %min3A_598 = arith.minimumf %min3A_564, %max3A_567 : vector<16xf32>
      %max3A_599 = arith.maximumf %max3A_563, %min3A_568 : vector<16xf32>
      %min3A_600 = arith.minimumf %max3A_563, %min3A_568 : vector<16xf32>
      %max3A_601 = arith.maximumf %min3A_570, %max3A_573 : vector<16xf32>
      %min3A_602 = arith.minimumf %min3A_570, %max3A_573 : vector<16xf32>
      %max3A_603 = arith.maximumf %max3A_569, %min3A_574 : vector<16xf32>
      %min3A_604 = arith.minimumf %max3A_569, %min3A_574 : vector<16xf32>
      %max3A_605 = arith.maximumf %min3A_572, %max3A_575 : vector<16xf32>
      %min3A_606 = arith.minimumf %min3A_572, %max3A_575 : vector<16xf32>
      %max3A_607 = arith.maximumf %max3A_571, %min3A_576 : vector<16xf32>
      %min3A_608 = arith.minimumf %max3A_571, %min3A_576 : vector<16xf32>
      %max3A_609 = arith.maximumf %min3A_578, %max3A_581 : vector<16xf32>
      %min3A_610 = arith.minimumf %min3A_578, %max3A_581 : vector<16xf32>
      %max3A_611 = arith.maximumf %max3A_577, %min3A_582 : vector<16xf32>
      %min3A_612 = arith.minimumf %max3A_577, %min3A_582 : vector<16xf32>
      %max3A_613 = arith.maximumf %min3A_580, %max3A_583 : vector<16xf32>
      %min3A_614 = arith.minimumf %min3A_580, %max3A_583 : vector<16xf32>
      %max3A_615 = arith.maximumf %max3A_579, %min3A_584 : vector<16xf32>
      %min3A_616 = arith.minimumf %max3A_579, %min3A_584 : vector<16xf32>
      %max3A_617 = arith.maximumf %min3A_586, %min3A_590 : vector<16xf32>
      %min3A_618 = arith.minimumf %min3A_586, %min3A_590 : vector<16xf32>
      %max3A_619 = arith.maximumf %min3A_588, %min3A_592 : vector<16xf32>
      %min3A_620 = arith.minimumf %min3A_588, %min3A_592 : vector<16xf32>
      %max3A_621 = arith.maximumf %max3A_585, %max3A_589 : vector<16xf32>
      %min3A_622 = arith.minimumf %max3A_585, %max3A_589 : vector<16xf32>
      %max3A_623 = arith.maximumf %max3A_587, %max3A_591 : vector<16xf32>
      %min3A_624 = arith.minimumf %max3A_587, %max3A_591 : vector<16xf32>
      %max3A_625 = arith.maximumf %max3A_593, %max3A_597 : vector<16xf32>
      %min3A_626 = arith.minimumf %max3A_593, %max3A_597 : vector<16xf32>
      %max3A_627 = arith.maximumf %max3A_595, %max3A_599 : vector<16xf32>
      %min3A_628 = arith.minimumf %max3A_595, %max3A_599 : vector<16xf32>
      %max3A_629 = arith.maximumf %min3A_594, %min3A_598 : vector<16xf32>
      %min3A_630 = arith.minimumf %min3A_594, %min3A_598 : vector<16xf32>
      %max3A_631 = arith.maximumf %min3A_596, %min3A_600 : vector<16xf32>
      %min3A_632 = arith.minimumf %min3A_596, %min3A_600 : vector<16xf32>
      %max3A_633 = arith.maximumf %min3A_602, %min3A_606 : vector<16xf32>
      %min3A_634 = arith.minimumf %min3A_602, %min3A_606 : vector<16xf32>
      %max3A_635 = arith.maximumf %min3A_604, %min3A_608 : vector<16xf32>
      %min3A_636 = arith.minimumf %min3A_604, %min3A_608 : vector<16xf32>
      %max3A_637 = arith.maximumf %max3A_601, %max3A_605 : vector<16xf32>
      %min3A_638 = arith.minimumf %max3A_601, %max3A_605 : vector<16xf32>
      %max3A_639 = arith.maximumf %max3A_603, %max3A_607 : vector<16xf32>
      %min3A_640 = arith.minimumf %max3A_603, %max3A_607 : vector<16xf32>
      %max3A_641 = arith.maximumf %max3A_609, %max3A_613 : vector<16xf32>
      %min3A_642 = arith.minimumf %max3A_609, %max3A_613 : vector<16xf32>
      %max3A_643 = arith.maximumf %max3A_611, %max3A_615 : vector<16xf32>
      %min3A_644 = arith.minimumf %max3A_611, %max3A_615 : vector<16xf32>
      %max3A_645 = arith.maximumf %min3A_610, %min3A_614 : vector<16xf32>
      %min3A_646 = arith.minimumf %min3A_610, %min3A_614 : vector<16xf32>
      %max3A_647 = arith.maximumf %min3A_612, %min3A_616 : vector<16xf32>
      %min3A_648 = arith.minimumf %min3A_612, %min3A_616 : vector<16xf32>
      %max3A_649 = arith.maximumf %min3A_618, %min3A_620 : vector<16xf32>
      %min3A_650 = arith.minimumf %min3A_618, %min3A_620 : vector<16xf32>
      %max3A_651 = arith.maximumf %max3A_617, %max3A_619 : vector<16xf32>
      %min3A_652 = arith.minimumf %max3A_617, %max3A_619 : vector<16xf32>
      %max3A_653 = arith.maximumf %min3A_622, %min3A_624 : vector<16xf32>
      %min3A_654 = arith.minimumf %min3A_622, %min3A_624 : vector<16xf32>
      %max3A_655 = arith.maximumf %max3A_621, %max3A_623 : vector<16xf32>
      %min3A_656 = arith.minimumf %max3A_621, %max3A_623 : vector<16xf32>
      %max3A_657 = arith.maximumf %max3A_625, %max3A_627 : vector<16xf32>
      %min3A_658 = arith.minimumf %max3A_625, %max3A_627 : vector<16xf32>
      %max3A_659 = arith.maximumf %min3A_626, %min3A_628 : vector<16xf32>
      %min3A_660 = arith.minimumf %min3A_626, %min3A_628 : vector<16xf32>
      %max3A_661 = arith.maximumf %max3A_629, %max3A_631 : vector<16xf32>
      %min3A_662 = arith.minimumf %max3A_629, %max3A_631 : vector<16xf32>
      %max3A_663 = arith.maximumf %min3A_630, %min3A_632 : vector<16xf32>
      %min3A_664 = arith.minimumf %min3A_630, %min3A_632 : vector<16xf32>
      %max3A_665 = arith.maximumf %min3A_634, %min3A_636 : vector<16xf32>
      %min3A_666 = arith.minimumf %min3A_634, %min3A_636 : vector<16xf32>
      %max3A_667 = arith.maximumf %max3A_633, %max3A_635 : vector<16xf32>
      %min3A_668 = arith.minimumf %max3A_633, %max3A_635 : vector<16xf32>
      %max3A_669 = arith.maximumf %min3A_638, %min3A_640 : vector<16xf32>
      %min3A_670 = arith.minimumf %min3A_638, %min3A_640 : vector<16xf32>
      %max3A_671 = arith.maximumf %max3A_637, %max3A_639 : vector<16xf32>
      %min3A_672 = arith.minimumf %max3A_637, %max3A_639 : vector<16xf32>
      %max3A_673 = arith.maximumf %max3A_641, %max3A_643 : vector<16xf32>
      %min3A_674 = arith.minimumf %max3A_641, %max3A_643 : vector<16xf32>
      %max3A_675 = arith.maximumf %min3A_642, %min3A_644 : vector<16xf32>
      %min3A_676 = arith.minimumf %min3A_642, %min3A_644 : vector<16xf32>
      %max3A_677 = arith.maximumf %max3A_645, %max3A_647 : vector<16xf32>
      %min3A_678 = arith.minimumf %max3A_645, %max3A_647 : vector<16xf32>
      %max3A_679 = arith.maximumf %min3A_646, %min3A_648 : vector<16xf32>
      %min3A_680 = arith.minimumf %min3A_646, %min3A_648 : vector<16xf32>
      %max3A_681 = arith.maximumf %min3A_650, %max3A_657 : vector<16xf32>
      %min3A_682 = arith.minimumf %min3A_650, %max3A_657 : vector<16xf32>
      %max3A_683 = arith.maximumf %max3A_649, %min3A_658 : vector<16xf32>
      %min3A_684 = arith.minimumf %max3A_649, %min3A_658 : vector<16xf32>
      %max3A_685 = arith.maximumf %min3A_652, %max3A_659 : vector<16xf32>
      %min3A_686 = arith.minimumf %min3A_652, %max3A_659 : vector<16xf32>
      %max3A_687 = arith.maximumf %max3A_651, %min3A_660 : vector<16xf32>
      %min3A_688 = arith.minimumf %max3A_651, %min3A_660 : vector<16xf32>
      %max3A_689 = arith.maximumf %min3A_654, %max3A_661 : vector<16xf32>
      %min3A_690 = arith.minimumf %min3A_654, %max3A_661 : vector<16xf32>
      %max3A_691 = arith.maximumf %max3A_653, %min3A_662 : vector<16xf32>
      %min3A_692 = arith.minimumf %max3A_653, %min3A_662 : vector<16xf32>
      %max3A_693 = arith.maximumf %min3A_656, %max3A_663 : vector<16xf32>
      %min3A_694 = arith.minimumf %min3A_656, %max3A_663 : vector<16xf32>
      %max3A_695 = arith.maximumf %max3A_655, %min3A_664 : vector<16xf32>
      %min3A_696 = arith.minimumf %max3A_655, %min3A_664 : vector<16xf32>
      %max3A_697 = arith.maximumf %min3A_666, %max3A_673 : vector<16xf32>
      %min3A_698 = arith.minimumf %min3A_666, %max3A_673 : vector<16xf32>
      %max3A_699 = arith.maximumf %max3A_665, %min3A_674 : vector<16xf32>
      %min3A_700 = arith.minimumf %max3A_665, %min3A_674 : vector<16xf32>
      %max3A_701 = arith.maximumf %min3A_668, %max3A_675 : vector<16xf32>
      %min3A_702 = arith.minimumf %min3A_668, %max3A_675 : vector<16xf32>
      %max3A_703 = arith.maximumf %max3A_667, %min3A_676 : vector<16xf32>
      %min3A_704 = arith.minimumf %max3A_667, %min3A_676 : vector<16xf32>
      %max3A_705 = arith.maximumf %min3A_670, %max3A_677 : vector<16xf32>
      %min3A_706 = arith.minimumf %min3A_670, %max3A_677 : vector<16xf32>
      %max3A_707 = arith.maximumf %max3A_669, %min3A_678 : vector<16xf32>
      %min3A_708 = arith.minimumf %max3A_669, %min3A_678 : vector<16xf32>
      %max3A_709 = arith.maximumf %min3A_672, %max3A_679 : vector<16xf32>
      %min3A_710 = arith.minimumf %min3A_672, %max3A_679 : vector<16xf32>
      %max3A_711 = arith.maximumf %max3A_671, %min3A_680 : vector<16xf32>
      %min3A_712 = arith.minimumf %max3A_671, %min3A_680 : vector<16xf32>
      %max3A_713 = arith.maximumf %min3A_682, %min3A_690 : vector<16xf32>
      %min3A_714 = arith.minimumf %min3A_682, %min3A_690 : vector<16xf32>
      %max3A_715 = arith.maximumf %min3A_684, %min3A_692 : vector<16xf32>
      %min3A_716 = arith.minimumf %min3A_684, %min3A_692 : vector<16xf32>
      %max3A_717 = arith.maximumf %min3A_686, %min3A_694 : vector<16xf32>
      %min3A_718 = arith.minimumf %min3A_686, %min3A_694 : vector<16xf32>
      %max3A_719 = arith.maximumf %min3A_688, %min3A_696 : vector<16xf32>
      %min3A_720 = arith.minimumf %min3A_688, %min3A_696 : vector<16xf32>
      %max3A_721 = arith.maximumf %max3A_681, %max3A_689 : vector<16xf32>
      %min3A_722 = arith.minimumf %max3A_681, %max3A_689 : vector<16xf32>
      %max3A_723 = arith.maximumf %max3A_683, %max3A_691 : vector<16xf32>
      %min3A_724 = arith.minimumf %max3A_683, %max3A_691 : vector<16xf32>
      %max3A_725 = arith.maximumf %max3A_685, %max3A_693 : vector<16xf32>
      %min3A_726 = arith.minimumf %max3A_685, %max3A_693 : vector<16xf32>
      %max3A_727 = arith.maximumf %max3A_687, %max3A_695 : vector<16xf32>
      %min3A_728 = arith.minimumf %max3A_687, %max3A_695 : vector<16xf32>
      %max3A_729 = arith.maximumf %max3A_697, %max3A_705 : vector<16xf32>
      %min3A_730 = arith.minimumf %max3A_697, %max3A_705 : vector<16xf32>
      %max3A_731 = arith.maximumf %max3A_699, %max3A_707 : vector<16xf32>
      %min3A_732 = arith.minimumf %max3A_699, %max3A_707 : vector<16xf32>
      %max3A_733 = arith.maximumf %max3A_701, %max3A_709 : vector<16xf32>
      %min3A_734 = arith.minimumf %max3A_701, %max3A_709 : vector<16xf32>
      %max3A_735 = arith.maximumf %max3A_703, %max3A_711 : vector<16xf32>
      %min3A_736 = arith.minimumf %max3A_703, %max3A_711 : vector<16xf32>
      %max3A_737 = arith.maximumf %min3A_698, %min3A_706 : vector<16xf32>
      %min3A_738 = arith.minimumf %min3A_698, %min3A_706 : vector<16xf32>
      %max3A_739 = arith.maximumf %min3A_700, %min3A_708 : vector<16xf32>
      %min3A_740 = arith.minimumf %min3A_700, %min3A_708 : vector<16xf32>
      %max3A_741 = arith.maximumf %min3A_702, %min3A_710 : vector<16xf32>
      %min3A_742 = arith.minimumf %min3A_702, %min3A_710 : vector<16xf32>
      %max3A_743 = arith.maximumf %min3A_704, %min3A_712 : vector<16xf32>
      %min3A_744 = arith.minimumf %min3A_704, %min3A_712 : vector<16xf32>
      %max3A_745 = arith.maximumf %min3A_714, %min3A_718 : vector<16xf32>
      %min3A_746 = arith.minimumf %min3A_714, %min3A_718 : vector<16xf32>
      %max3A_747 = arith.maximumf %min3A_716, %min3A_720 : vector<16xf32>
      %min3A_748 = arith.minimumf %min3A_716, %min3A_720 : vector<16xf32>
      %max3A_749 = arith.maximumf %max3A_713, %max3A_717 : vector<16xf32>
      %min3A_750 = arith.minimumf %max3A_713, %max3A_717 : vector<16xf32>
      %max3A_751 = arith.maximumf %max3A_715, %max3A_719 : vector<16xf32>
      %min3A_752 = arith.minimumf %max3A_715, %max3A_719 : vector<16xf32>
      %max3A_753 = arith.maximumf %min3A_722, %min3A_726 : vector<16xf32>
      %min3A_754 = arith.minimumf %min3A_722, %min3A_726 : vector<16xf32>
      %max3A_755 = arith.maximumf %min3A_724, %min3A_728 : vector<16xf32>
      %min3A_756 = arith.minimumf %min3A_724, %min3A_728 : vector<16xf32>
      %max3A_757 = arith.maximumf %max3A_721, %max3A_725 : vector<16xf32>
      %min3A_758 = arith.minimumf %max3A_721, %max3A_725 : vector<16xf32>
      %max3A_759 = arith.maximumf %max3A_723, %max3A_727 : vector<16xf32>
      %min3A_760 = arith.minimumf %max3A_723, %max3A_727 : vector<16xf32>
      %max3A_761 = arith.maximumf %max3A_729, %max3A_733 : vector<16xf32>
      %min3A_762 = arith.minimumf %max3A_729, %max3A_733 : vector<16xf32>
      %max3A_763 = arith.maximumf %max3A_731, %max3A_735 : vector<16xf32>
      %min3A_764 = arith.minimumf %max3A_731, %max3A_735 : vector<16xf32>
      %max3A_765 = arith.maximumf %min3A_730, %min3A_734 : vector<16xf32>
      %min3A_766 = arith.minimumf %min3A_730, %min3A_734 : vector<16xf32>
      %max3A_767 = arith.maximumf %min3A_732, %min3A_736 : vector<16xf32>
      %min3A_768 = arith.minimumf %min3A_732, %min3A_736 : vector<16xf32>
      %max3A_769 = arith.maximumf %max3A_737, %max3A_741 : vector<16xf32>
      %min3A_770 = arith.minimumf %max3A_737, %max3A_741 : vector<16xf32>
      %max3A_771 = arith.maximumf %max3A_739, %max3A_743 : vector<16xf32>
      %min3A_772 = arith.minimumf %max3A_739, %max3A_743 : vector<16xf32>
      %max3A_773 = arith.maximumf %min3A_738, %min3A_742 : vector<16xf32>
      %min3A_774 = arith.minimumf %min3A_738, %min3A_742 : vector<16xf32>
      %max3A_775 = arith.maximumf %min3A_740, %min3A_744 : vector<16xf32>
      %min3A_776 = arith.minimumf %min3A_740, %min3A_744 : vector<16xf32>
      %max3A_777 = arith.maximumf %min3A_746, %min3A_748 : vector<16xf32>
      %min3A_778 = arith.minimumf %min3A_746, %min3A_748 : vector<16xf32>
      %max3A_779 = arith.maximumf %max3A_745, %max3A_747 : vector<16xf32>
      %min3A_780 = arith.minimumf %max3A_745, %max3A_747 : vector<16xf32>
      %max3A_781 = arith.maximumf %min3A_750, %min3A_752 : vector<16xf32>
      %min3A_782 = arith.minimumf %min3A_750, %min3A_752 : vector<16xf32>
      %max3A_783 = arith.maximumf %max3A_749, %max3A_751 : vector<16xf32>
      %min3A_784 = arith.minimumf %max3A_749, %max3A_751 : vector<16xf32>
      %max3A_785 = arith.maximumf %min3A_754, %min3A_756 : vector<16xf32>
      %min3A_786 = arith.minimumf %min3A_754, %min3A_756 : vector<16xf32>
      %max3A_787 = arith.maximumf %max3A_753, %max3A_755 : vector<16xf32>
      %min3A_788 = arith.minimumf %max3A_753, %max3A_755 : vector<16xf32>
      %max3A_789 = arith.maximumf %min3A_758, %min3A_760 : vector<16xf32>
      %min3A_790 = arith.minimumf %min3A_758, %min3A_760 : vector<16xf32>
      %max3A_791 = arith.maximumf %max3A_757, %max3A_759 : vector<16xf32>
      %min3A_792 = arith.minimumf %max3A_757, %max3A_759 : vector<16xf32>
      %max3A_793 = arith.maximumf %max3A_761, %max3A_763 : vector<16xf32>
      %min3A_794 = arith.minimumf %max3A_761, %max3A_763 : vector<16xf32>
      %max3A_795 = arith.maximumf %min3A_762, %min3A_764 : vector<16xf32>
      %min3A_796 = arith.minimumf %min3A_762, %min3A_764 : vector<16xf32>
      %max3A_797 = arith.maximumf %max3A_765, %max3A_767 : vector<16xf32>
      %min3A_798 = arith.minimumf %max3A_765, %max3A_767 : vector<16xf32>
      %max3A_799 = arith.maximumf %min3A_766, %min3A_768 : vector<16xf32>
      %min3A_800 = arith.minimumf %min3A_766, %min3A_768 : vector<16xf32>
      %max3A_801 = arith.maximumf %max3A_769, %max3A_771 : vector<16xf32>
      %min3A_802 = arith.minimumf %max3A_769, %max3A_771 : vector<16xf32>
      %max3A_803 = arith.maximumf %min3A_770, %min3A_772 : vector<16xf32>
      %min3A_804 = arith.minimumf %min3A_770, %min3A_772 : vector<16xf32>
      %max3A_805 = arith.maximumf %max3A_773, %max3A_775 : vector<16xf32>
      %min3A_806 = arith.minimumf %max3A_773, %max3A_775 : vector<16xf32>
      %max3A_807 = arith.maximumf %min3A_774, %min3A_776 : vector<16xf32>
      %min3A_808 = arith.minimumf %min3A_774, %min3A_776 : vector<16xf32>
      %max3A_809 = arith.maximumf %min3A_778, %max3A_793 : vector<16xf32>
      %min3A_810 = arith.minimumf %min3A_778, %max3A_793 : vector<16xf32>
      %max3A_811 = arith.maximumf %max3A_777, %min3A_794 : vector<16xf32>
      %min3A_812 = arith.minimumf %max3A_777, %min3A_794 : vector<16xf32>
      %max3A_813 = arith.maximumf %min3A_780, %max3A_795 : vector<16xf32>
      %min3A_814 = arith.minimumf %min3A_780, %max3A_795 : vector<16xf32>
      %max3A_815 = arith.maximumf %max3A_779, %min3A_796 : vector<16xf32>
      %min3A_816 = arith.minimumf %max3A_779, %min3A_796 : vector<16xf32>
      %max3A_817 = arith.maximumf %min3A_782, %max3A_797 : vector<16xf32>
      %min3A_818 = arith.minimumf %min3A_782, %max3A_797 : vector<16xf32>
      %max3A_819 = arith.maximumf %max3A_781, %min3A_798 : vector<16xf32>
      %min3A_820 = arith.minimumf %max3A_781, %min3A_798 : vector<16xf32>
      %max3A_821 = arith.maximumf %min3A_784, %max3A_799 : vector<16xf32>
      %min3A_822 = arith.minimumf %min3A_784, %max3A_799 : vector<16xf32>
      %max3A_823 = arith.maximumf %max3A_783, %min3A_800 : vector<16xf32>
      %min3A_824 = arith.minimumf %max3A_783, %min3A_800 : vector<16xf32>
      %max3A_825 = arith.maximumf %min3A_786, %max3A_801 : vector<16xf32>
      %min3A_826 = arith.minimumf %min3A_786, %max3A_801 : vector<16xf32>
      %max3A_827 = arith.maximumf %max3A_785, %min3A_802 : vector<16xf32>
      %min3A_828 = arith.minimumf %max3A_785, %min3A_802 : vector<16xf32>
      %max3A_829 = arith.maximumf %min3A_788, %max3A_803 : vector<16xf32>
      %min3A_830 = arith.minimumf %min3A_788, %max3A_803 : vector<16xf32>
      %max3A_831 = arith.maximumf %max3A_787, %min3A_804 : vector<16xf32>
      %min3A_832 = arith.minimumf %max3A_787, %min3A_804 : vector<16xf32>
      %max3A_833 = arith.maximumf %min3A_790, %max3A_805 : vector<16xf32>
      %min3A_834 = arith.minimumf %min3A_790, %max3A_805 : vector<16xf32>
      %max3A_835 = arith.maximumf %max3A_789, %min3A_806 : vector<16xf32>
      %min3A_836 = arith.minimumf %max3A_789, %min3A_806 : vector<16xf32>
      %max3A_837 = arith.maximumf %min3A_792, %max3A_807 : vector<16xf32>
      %min3A_838 = arith.minimumf %min3A_792, %max3A_807 : vector<16xf32>
      %max3A_839 = arith.maximumf %max3A_791, %min3A_808 : vector<16xf32>
      %min3A_840 = arith.minimumf %max3A_791, %min3A_808 : vector<16xf32>
      %max3A_841 = arith.maximumf %min3A_810, %min3A_826 : vector<16xf32>
      %min3A_842 = arith.minimumf %min3A_810, %min3A_826 : vector<16xf32>
      %max3A_843 = arith.maximumf %min3A_812, %min3A_828 : vector<16xf32>
      %min3A_844 = arith.minimumf %min3A_812, %min3A_828 : vector<16xf32>
      %max3A_845 = arith.maximumf %min3A_814, %min3A_830 : vector<16xf32>
      %min3A_846 = arith.minimumf %min3A_814, %min3A_830 : vector<16xf32>
      %max3A_847 = arith.maximumf %min3A_816, %min3A_832 : vector<16xf32>
      %min3A_848 = arith.minimumf %min3A_816, %min3A_832 : vector<16xf32>
      %max3A_849 = arith.maximumf %min3A_818, %min3A_834 : vector<16xf32>
      %min3A_850 = arith.minimumf %min3A_818, %min3A_834 : vector<16xf32>
      %max3A_851 = arith.maximumf %min3A_820, %min3A_836 : vector<16xf32>
      %min3A_852 = arith.minimumf %min3A_820, %min3A_836 : vector<16xf32>
      %max3A_853 = arith.maximumf %min3A_822, %min3A_838 : vector<16xf32>
      %min3A_854 = arith.minimumf %min3A_822, %min3A_838 : vector<16xf32>
      %max3A_855 = arith.maximumf %min3A_824, %min3A_840 : vector<16xf32>
      %min3A_856 = arith.minimumf %min3A_824, %min3A_840 : vector<16xf32>
      %max3A_857 = arith.maximumf %max3A_809, %max3A_825 : vector<16xf32>
      %min3A_858 = arith.minimumf %max3A_809, %max3A_825 : vector<16xf32>
      %max3A_859 = arith.maximumf %max3A_811, %max3A_827 : vector<16xf32>
      %min3A_860 = arith.minimumf %max3A_811, %max3A_827 : vector<16xf32>
      %max3A_861 = arith.maximumf %max3A_813, %max3A_829 : vector<16xf32>
      %min3A_862 = arith.minimumf %max3A_813, %max3A_829 : vector<16xf32>
      %max3A_863 = arith.maximumf %max3A_815, %max3A_831 : vector<16xf32>
      %min3A_864 = arith.minimumf %max3A_815, %max3A_831 : vector<16xf32>
      %max3A_865 = arith.maximumf %max3A_817, %max3A_833 : vector<16xf32>
      %min3A_866 = arith.minimumf %max3A_817, %max3A_833 : vector<16xf32>
      %max3A_867 = arith.maximumf %max3A_819, %max3A_835 : vector<16xf32>
      %min3A_868 = arith.minimumf %max3A_819, %max3A_835 : vector<16xf32>
      %max3A_869 = arith.maximumf %max3A_821, %max3A_837 : vector<16xf32>
      %min3A_870 = arith.minimumf %max3A_821, %max3A_837 : vector<16xf32>
      %max3A_871 = arith.maximumf %max3A_823, %max3A_839 : vector<16xf32>
      %min3A_872 = arith.minimumf %max3A_823, %max3A_839 : vector<16xf32>
      %max3A_873 = arith.maximumf %min3A_842, %min3A_850 : vector<16xf32>
      %min3A_874 = arith.minimumf %min3A_842, %min3A_850 : vector<16xf32>
      %max3A_875 = arith.maximumf %min3A_844, %min3A_852 : vector<16xf32>
      %min3A_876 = arith.minimumf %min3A_844, %min3A_852 : vector<16xf32>
      %max3A_877 = arith.maximumf %min3A_846, %min3A_854 : vector<16xf32>
      %min3A_878 = arith.minimumf %min3A_846, %min3A_854 : vector<16xf32>
      %max3A_879 = arith.maximumf %min3A_848, %min3A_856 : vector<16xf32>
      %min3A_880 = arith.minimumf %min3A_848, %min3A_856 : vector<16xf32>
      %max3A_881 = arith.maximumf %max3A_841, %max3A_849 : vector<16xf32>
      %min3A_882 = arith.minimumf %max3A_841, %max3A_849 : vector<16xf32>
      %max3A_883 = arith.maximumf %max3A_843, %max3A_851 : vector<16xf32>
      %min3A_884 = arith.minimumf %max3A_843, %max3A_851 : vector<16xf32>
      %max3A_885 = arith.maximumf %max3A_845, %max3A_853 : vector<16xf32>
      %min3A_886 = arith.minimumf %max3A_845, %max3A_853 : vector<16xf32>
      %max3A_887 = arith.maximumf %max3A_847, %max3A_855 : vector<16xf32>
      %min3A_888 = arith.minimumf %max3A_847, %max3A_855 : vector<16xf32>
      %max3A_889 = arith.maximumf %min3A_858, %min3A_866 : vector<16xf32>
      %min3A_890 = arith.minimumf %min3A_858, %min3A_866 : vector<16xf32>
      %max3A_891 = arith.maximumf %min3A_860, %min3A_868 : vector<16xf32>
      %min3A_892 = arith.minimumf %min3A_860, %min3A_868 : vector<16xf32>
      %max3A_893 = arith.maximumf %min3A_862, %min3A_870 : vector<16xf32>
      %min3A_894 = arith.minimumf %min3A_862, %min3A_870 : vector<16xf32>
      %max3A_895 = arith.maximumf %min3A_864, %min3A_872 : vector<16xf32>
      %min3A_896 = arith.minimumf %min3A_864, %min3A_872 : vector<16xf32>
      %max3A_897 = arith.maximumf %max3A_857, %max3A_865 : vector<16xf32>
      %min3A_898 = arith.minimumf %max3A_857, %max3A_865 : vector<16xf32>
      %max3A_899 = arith.maximumf %max3A_859, %max3A_867 : vector<16xf32>
      %min3A_900 = arith.minimumf %max3A_859, %max3A_867 : vector<16xf32>
      %max3A_901 = arith.maximumf %max3A_861, %max3A_869 : vector<16xf32>
      %min3A_902 = arith.minimumf %max3A_861, %max3A_869 : vector<16xf32>
      %max3A_903 = arith.maximumf %max3A_863, %max3A_871 : vector<16xf32>
      %min3A_904 = arith.minimumf %max3A_863, %max3A_871 : vector<16xf32>
      %max3A_905 = arith.maximumf %min3A_874, %min3A_878 : vector<16xf32>
      %min3A_906 = arith.minimumf %min3A_874, %min3A_878 : vector<16xf32>
      %max3A_907 = arith.maximumf %min3A_876, %min3A_880 : vector<16xf32>
      %min3A_908 = arith.minimumf %min3A_876, %min3A_880 : vector<16xf32>
      %max3A_909 = arith.maximumf %max3A_873, %max3A_877 : vector<16xf32>
      %min3A_910 = arith.minimumf %max3A_873, %max3A_877 : vector<16xf32>
      %max3A_911 = arith.maximumf %max3A_875, %max3A_879 : vector<16xf32>
      %min3A_912 = arith.minimumf %max3A_875, %max3A_879 : vector<16xf32>
      %max3A_913 = arith.maximumf %min3A_882, %min3A_886 : vector<16xf32>
      %min3A_914 = arith.minimumf %min3A_882, %min3A_886 : vector<16xf32>
      %max3A_915 = arith.maximumf %min3A_884, %min3A_888 : vector<16xf32>
      %min3A_916 = arith.minimumf %min3A_884, %min3A_888 : vector<16xf32>
      %max3A_917 = arith.maximumf %max3A_881, %max3A_885 : vector<16xf32>
      %min3A_918 = arith.minimumf %max3A_881, %max3A_885 : vector<16xf32>
      %max3A_919 = arith.maximumf %max3A_883, %max3A_887 : vector<16xf32>
      %min3A_920 = arith.minimumf %max3A_883, %max3A_887 : vector<16xf32>
      %max3A_921 = arith.maximumf %min3A_890, %min3A_894 : vector<16xf32>
      %min3A_922 = arith.minimumf %min3A_890, %min3A_894 : vector<16xf32>
      %max3A_923 = arith.maximumf %min3A_892, %min3A_896 : vector<16xf32>
      %min3A_924 = arith.minimumf %min3A_892, %min3A_896 : vector<16xf32>
      %max3A_925 = arith.maximumf %max3A_889, %max3A_893 : vector<16xf32>
      %min3A_926 = arith.minimumf %max3A_889, %max3A_893 : vector<16xf32>
      %max3A_927 = arith.maximumf %max3A_891, %max3A_895 : vector<16xf32>
      %min3A_928 = arith.minimumf %max3A_891, %max3A_895 : vector<16xf32>
      %max3A_929 = arith.maximumf %min3A_898, %min3A_902 : vector<16xf32>
      %min3A_930 = arith.minimumf %min3A_898, %min3A_902 : vector<16xf32>
      %max3A_931 = arith.maximumf %min3A_900, %min3A_904 : vector<16xf32>
      %min3A_932 = arith.minimumf %min3A_900, %min3A_904 : vector<16xf32>
      %max3A_933 = arith.maximumf %max3A_897, %max3A_901 : vector<16xf32>
      %min3A_934 = arith.minimumf %max3A_897, %max3A_901 : vector<16xf32>
      %max3A_935 = arith.maximumf %max3A_899, %max3A_903 : vector<16xf32>
      %min3A_936 = arith.minimumf %max3A_899, %max3A_903 : vector<16xf32>
      %max3A_937 = arith.maximumf %min3A_906, %min3A_908 : vector<16xf32>
      %min3A_938 = arith.minimumf %min3A_906, %min3A_908 : vector<16xf32>
      %max3A_939 = arith.maximumf %max3A_905, %max3A_907 : vector<16xf32>
      %min3A_940 = arith.minimumf %max3A_905, %max3A_907 : vector<16xf32>
      %max3A_941 = arith.maximumf %min3A_910, %min3A_912 : vector<16xf32>
      %min3A_942 = arith.minimumf %min3A_910, %min3A_912 : vector<16xf32>
      %max3A_943 = arith.maximumf %max3A_909, %max3A_911 : vector<16xf32>
      %min3A_944 = arith.minimumf %max3A_909, %max3A_911 : vector<16xf32>
      %max3A_945 = arith.maximumf %min3A_914, %min3A_916 : vector<16xf32>
      %min3A_946 = arith.minimumf %min3A_914, %min3A_916 : vector<16xf32>
      %max3A_947 = arith.maximumf %max3A_913, %max3A_915 : vector<16xf32>
      %min3A_948 = arith.minimumf %max3A_913, %max3A_915 : vector<16xf32>
      %max3A_949 = arith.maximumf %min3A_918, %min3A_920 : vector<16xf32>
      %min3A_950 = arith.minimumf %min3A_918, %min3A_920 : vector<16xf32>
      %max3A_951 = arith.maximumf %max3A_917, %max3A_919 : vector<16xf32>
      %min3A_952 = arith.minimumf %max3A_917, %max3A_919 : vector<16xf32>
      %max3A_953 = arith.maximumf %min3A_922, %min3A_924 : vector<16xf32>
      %min3A_954 = arith.minimumf %min3A_922, %min3A_924 : vector<16xf32>
      %max3A_955 = arith.maximumf %max3A_921, %max3A_923 : vector<16xf32>
      %min3A_956 = arith.minimumf %max3A_921, %max3A_923 : vector<16xf32>
      %max3A_957 = arith.maximumf %min3A_926, %min3A_928 : vector<16xf32>
      %min3A_958 = arith.minimumf %min3A_926, %min3A_928 : vector<16xf32>
      %max3A_959 = arith.maximumf %max3A_925, %max3A_927 : vector<16xf32>
      %min3A_960 = arith.minimumf %max3A_925, %max3A_927 : vector<16xf32>
      %max3A_961 = arith.maximumf %min3A_930, %min3A_932 : vector<16xf32>
      %min3A_962 = arith.minimumf %min3A_930, %min3A_932 : vector<16xf32>
      %max3A_963 = arith.maximumf %max3A_929, %max3A_931 : vector<16xf32>
      %min3A_964 = arith.minimumf %max3A_929, %max3A_931 : vector<16xf32>
      %max3A_965 = arith.maximumf %min3A_934, %min3A_936 : vector<16xf32>
      %min3A_966 = arith.minimumf %min3A_934, %min3A_936 : vector<16xf32>
      %max3A_967 = arith.maximumf %max3A_933, %max3A_935 : vector<16xf32>
      %min3A_968 = arith.minimumf %max3A_933, %max3A_935 : vector<16xf32>
      %gt3A = arith.constant -1.000000e+29 : f32
      %gt3A_969 = vector.broadcast %gt3A : f32 to vector<16xf32>
      %gt3A_970 = arith.cmpf ogt, %broadcast_in_dim3A_15, %gt3A_969 : vector<16xf32>
      %select_n3A_971 = arith.select %gt3A_970, %broadcast_in_dim3A_17, %broadcast_in_dim3A_13 : vector<16xi1>, vector<16xf32>
      %ge3A_972 = arith.cmpf oge, %broadcast_in_dim3A_15, %min3A_954 : vector<16xf32>
      %select_n3A_973 = arith.select %ge3A_972, %select_n3A_971, %broadcast_in_dim3A_13 : vector<16xi1>, vector<16xf32>
      %mul3A_974 = arith.constant 512 : i32
      %mul3A_975 = arith.muli %scan3A_12, %mul3A_974 : i32
      %add3A_976 = arith.constant 0 : i32
      %add3A_977 = arith.addi %mul3A_975, %add3A_976 : i32
      %swap3A = arith.index_cast %add3A_977 : i32 to index
      %swap3A_978 = tpu.vector_load %arg7[%swap3A] {strides = array<i32>} : memref<4096xf32, #tpu.memory_space<vmem>>, vector<16xf32>,
      %swap3A_979 = vector.shape_cast %swap3A_978 : vector<16xf32> to vector<16xf32>
      %swap3A_980 = vector.shape_cast %select_n3A_973 : vector<16xf32> to vector<16xf32>
      tpu.vector_store %arg7[%swap3A], %swap3A_980 {strides = array<i32>} : memref<4096xf32, #tpu.memory_space<vmem>>, vector<16xf32>,
      %gt3A_981 = arith.constant -1.000000e+29 : f32
      %gt3A_982 = vector.broadcast %gt3A_981 : f32 to vector<16xf32>
      %gt3A_983 = arith.cmpf ogt, %select_n3A_40, %gt3A_982 : vector<16xf32>
      %select_n3A_984 = arith.select %gt3A_983, %broadcast_in_dim3A_17, %broadcast_in_dim3A_13 : vector<16xi1>, vector<16xf32>
      %ge3A_985 = arith.cmpf oge, %select_n3A_40, %min3A_954 : vector<16xf32>
      %select_n3A_986 = arith.select %ge3A_985, %select_n3A_984, %broadcast_in_dim3A_13 : vector<16xi1>, vector<16xf32>
      %mul3A_987 = arith.constant 512 : i32
      %mul3A_988 = arith.muli %scan3A_12, %mul3A_987 : i32
      %add3A_989 = arith.constant 16 : i32
      %add3A_990 = arith.addi %mul3A_988, %add3A_989 : i32
      %swap3A_991 = arith.index_cast %add3A_990 : i32 to index
      %swap3A_992 = tpu.vector_load %arg7[%swap3A_991] {strides = array<i32>} : memref<4096xf32, #tpu.memory_space<vmem>>, vector<16xf32>,
      %swap3A_993 = vector.shape_cast %swap3A_992 : vector<16xf32> to vector<16xf32>
      %swap3A_994 = vector.shape_cast %select_n3A_986 : vector<16xf32> to vector<16xf32>
      tpu.vector_store %arg7[%swap3A_991], %swap3A_994 {strides = array<i32>} : memref<4096xf32, #tpu.memory_space<vmem>>, vector<16xf32>,
      %gt3A_995 = arith.constant -1.000000e+29 : f32
      %gt3A_996 = vector.broadcast %gt3A_995 : f32 to vector<16xf32>
      %gt3A_997 = arith.cmpf ogt, %select_n3A_55, %gt3A_996 : vector<16xf32>
      %select_n3A_998 = arith.select %gt3A_997, %broadcast_in_dim3A_17, %broadcast_in_dim3A_13 : vector<16xi1>, vector<16xf32>
      %ge3A_999 = arith.cmpf oge, %select_n3A_55, %min3A_954 : vector<16xf32>
      %select_n3A_1000 = arith.select %ge3A_999, %select_n3A_998, %broadcast_in_dim3A_13 : vector<16xi1>, vector<16xf32>
      %mul3A_1001 = arith.constant 512 : i32
      %mul3A_1002 = arith.muli %scan3A_12, %mul3A_1001 : i32
      %add3A_1003 = arith.constant 32 : i32
      %add3A_1004 = arith.addi %mul3A_1002, %add3A_1003 : i32
      %swap3A_1005 = arith.index_cast %add3A_1004 : i32 to index
      %swap3A_1006 = tpu.vector_load %arg7[%swap3A_1005] {strides = array<i32>} : memref<4096xf32, #tpu.memory_space<vmem>>, vector<16xf32>,
      %swap3A_1007 = vector.shape_cast %swap3A_1006 : vector<16xf32> to vector<16xf32>
      %swap3A_1008 = vector.shape_cast %select_n3A_1000 : vector<16xf32> to vector<16xf32>
      tpu.vector_store %arg7[%swap3A_1005], %swap3A_1008 {strides = array<i32>} : memref<4096xf32, #tpu.memory_space<vmem>>, vector<16xf32>,
      %gt3A_1009 = arith.constant -1.000000e+29 : f32
      %gt3A_1010 = vector.broadcast %gt3A_1009 : f32 to vector<16xf32>
      %gt3A_1011 = arith.cmpf ogt, %select_n3A_70, %gt3A_1010 : vector<16xf32>
      %select_n3A_1012 = arith.select %gt3A_1011, %broadcast_in_dim3A_17, %broadcast_in_dim3A_13 : vector<16xi1>, vector<16xf32>
      %ge3A_1013 = arith.cmpf oge, %select_n3A_70, %min3A_954 : vector<16xf32>
      %select_n3A_1014 = arith.select %ge3A_1013, %select_n3A_1012, %broadcast_in_dim3A_13 : vector<16xi1>, vector<16xf32>
      %mul3A_1015 = arith.constant 512 : i32
      %mul3A_1016 = arith.muli %scan3A_12, %mul3A_1015 : i32
      %add3A_1017 = arith.constant 48 : i32
      %add3A_1018 = arith.addi %mul3A_1016, %add3A_1017 : i32
      %swap3A_1019 = arith.index_cast %add3A_1018 : i32 to index
      %swap3A_1020 = tpu.vector_load %arg7[%swap3A_1019] {strides = array<i32>} : memref<4096xf32, #tpu.memory_space<vmem>>, vector<16xf32>,
      %swap3A_1021 = vector.shape_cast %swap3A_1020 : vector<16xf32> to vector<16xf32>
      %swap3A_1022 = vector.shape_cast %select_n3A_1014 : vector<16xf32> to vector<16xf32>
      tpu.vector_store %arg7[%swap3A_1019], %swap3A_1022 {strides = array<i32>} : memref<4096xf32, #tpu.memory_space<vmem>>, vector<16xf32>,
      %gt3A_1023 = arith.constant -1.000000e+29 : f32
      %gt3A_1024 = vector.broadcast %gt3A_1023 : f32 to vector<16xf32>
      %gt3A_1025 = arith.cmpf ogt, %select_n3A_85, %gt3A_1024 : vector<16xf32>
      %select_n3A_1026 = arith.select %gt3A_1025, %broadcast_in_dim3A_17, %broadcast_in_dim3A_13 : vector<16xi1>, vector<16xf32>
      %ge3A_1027 = arith.cmpf oge, %select_n3A_85, %min3A_954 : vector<16xf32>
      %select_n3A_1028 = arith.select %ge3A_1027, %select_n3A_1026, %broadcast_in_dim3A_13 : vector<16xi1>, vector<16xf32>
      %mul3A_1029 = arith.constant 512 : i32
      %mul3A_1030 = arith.muli %scan3A_12, %mul3A_1029 : i32
      %add3A_1031 = arith.constant 64 : i32
      %add3A_1032 = arith.addi %mul3A_1030, %add3A_1031 : i32
      %swap3A_1033 = arith.index_cast %add3A_1032 : i32 to index
      %swap3A_1034 = tpu.vector_load %arg7[%swap3A_1033] {strides = array<i32>} : memref<4096xf32, #tpu.memory_space<vmem>>, vector<16xf32>,
      %swap3A_1035 = vector.shape_cast %swap3A_1034 : vector<16xf32> to vector<16xf32>
      %swap3A_1036 = vector.shape_cast %select_n3A_1028 : vector<16xf32> to vector<16xf32>
      tpu.vector_store %arg7[%swap3A_1033], %swap3A_1036 {strides = array<i32>} : memref<4096xf32, #tpu.memory_space<vmem>>, vector<16xf32>,
      %gt3A_1037 = arith.constant -1.000000e+29 : f32
      %gt3A_1038 = vector.broadcast %gt3A_1037 : f32 to vector<16xf32>
      %gt3A_1039 = arith.cmpf ogt, %select_n3A_100, %gt3A_1038 : vector<16xf32>
      %select_n3A_1040 = arith.select %gt3A_1039, %broadcast_in_dim3A_17, %broadcast_in_dim3A_13 : vector<16xi1>, vector<16xf32>
      %ge3A_1041 = arith.cmpf oge, %select_n3A_100, %min3A_954 : vector<16xf32>
      %select_n3A_1042 = arith.select %ge3A_1041, %select_n3A_1040, %broadcast_in_dim3A_13 : vector<16xi1>, vector<16xf32>
      %mul3A_1043 = arith.constant 512 : i32
      %mul3A_1044 = arith.muli %scan3A_12, %mul3A_1043 : i32
      %add3A_1045 = arith.constant 80 : i32
      %add3A_1046 = arith.addi %mul3A_1044, %add3A_1045 : i32
      %swap3A_1047 = arith.index_cast %add3A_1046 : i32 to index
      %swap3A_1048 = tpu.vector_load %arg7[%swap3A_1047] {strides = array<i32>} : memref<4096xf32, #tpu.memory_space<vmem>>, vector<16xf32>,
      %swap3A_1049 = vector.shape_cast %swap3A_1048 : vector<16xf32> to vector<16xf32>
      %swap3A_1050 = vector.shape_cast %select_n3A_1042 : vector<16xf32> to vector<16xf32>
      tpu.vector_store %arg7[%swap3A_1047], %swap3A_1050 {strides = array<i32>} : memref<4096xf32, #tpu.memory_space<vmem>>, vector<16xf32>,
      %gt3A_1051 = arith.constant -1.000000e+29 : f32
      %gt3A_1052 = vector.broadcast %gt3A_1051 : f32 to vector<16xf32>
      %gt3A_1053 = arith.cmpf ogt, %select_n3A_115, %gt3A_1052 : vector<16xf32>
      %select_n3A_1054 = arith.select %gt3A_1053, %broadcast_in_dim3A_17, %broadcast_in_dim3A_13 : vector<16xi1>, vector<16xf32>
      %ge3A_1055 = arith.cmpf oge, %select_n3A_115, %min3A_954 : vector<16xf32>
      %select_n3A_1056 = arith.select %ge3A_1055, %select_n3A_1054, %broadcast_in_dim3A_13 : vector<16xi1>, vector<16xf32>
      %mul3A_1057 = arith.constant 512 : i32
      %mul3A_1058 = arith.muli %scan3A_12, %mul3A_1057 : i32
      %add3A_1059 = arith.constant 96 : i32
      %add3A_1060 = arith.addi %mul3A_1058, %add3A_1059 : i32
      %swap3A_1061 = arith.index_cast %add3A_1060 : i32 to index
      %swap3A_1062 = tpu.vector_load %arg7[%swap3A_1061] {strides = array<i32>} : memref<4096xf32, #tpu.memory_space<vmem>>, vector<16xf32>,
      %swap3A_1063 = vector.shape_cast %swap3A_1062 : vector<16xf32> to vector<16xf32>
      %swap3A_1064 = vector.shape_cast %select_n3A_1056 : vector<16xf32> to vector<16xf32>
      tpu.vector_store %arg7[%swap3A_1061], %swap3A_1064 {strides = array<i32>} : memref<4096xf32, #tpu.memory_space<vmem>>, vector<16xf32>,
      %gt3A_1065 = arith.constant -1.000000e+29 : f32
      %gt3A_1066 = vector.broadcast %gt3A_1065 : f32 to vector<16xf32>
      %gt3A_1067 = arith.cmpf ogt, %select_n3A_130, %gt3A_1066 : vector<16xf32>
      %select_n3A_1068 = arith.select %gt3A_1067, %broadcast_in_dim3A_17, %broadcast_in_dim3A_13 : vector<16xi1>, vector<16xf32>
      %ge3A_1069 = arith.cmpf oge, %select_n3A_130, %min3A_954 : vector<16xf32>
      %select_n3A_1070 = arith.select %ge3A_1069, %select_n3A_1068, %broadcast_in_dim3A_13 : vector<16xi1>, vector<16xf32>
      %mul3A_1071 = arith.constant 512 : i32
      %mul3A_1072 = arith.muli %scan3A_12, %mul3A_1071 : i32
      %add3A_1073 = arith.constant 112 : i32
      %add3A_1074 = arith.addi %mul3A_1072, %add3A_1073 : i32
      %swap3A_1075 = arith.index_cast %add3A_1074 : i32 to index
      %swap3A_1076 = tpu.vector_load %arg7[%swap3A_1075] {strides = array<i32>} : memref<4096xf32, #tpu.memory_space<vmem>>, vector<16xf32>,
      %swap3A_1077 = vector.shape_cast %swap3A_1076 : vector<16xf32> to vector<16xf32>
      %swap3A_1078 = vector.shape_cast %select_n3A_1070 : vector<16xf32> to vector<16xf32>
      tpu.vector_store %arg7[%swap3A_1075], %swap3A_1078 {strides = array<i32>} : memref<4096xf32, #tpu.memory_space<vmem>>, vector<16xf32>,
      %gt3A_1079 = arith.constant -1.000000e+29 : f32
      %gt3A_1080 = vector.broadcast %gt3A_1079 : f32 to vector<16xf32>
      %gt3A_1081 = arith.cmpf ogt, %select_n3A_145, %gt3A_1080 : vector<16xf32>
      %select_n3A_1082 = arith.select %gt3A_1081, %broadcast_in_dim3A_17, %broadcast_in_dim3A_13 : vector<16xi1>, vector<16xf32>
      %ge3A_1083 = arith.cmpf oge, %select_n3A_145, %min3A_954 : vector<16xf32>
      %select_n3A_1084 = arith.select %ge3A_1083, %select_n3A_1082, %broadcast_in_dim3A_13 : vector<16xi1>, vector<16xf32>
      %mul3A_1085 = arith.constant 512 : i32
      %mul3A_1086 = arith.muli %scan3A_12, %mul3A_1085 : i32
      %add3A_1087 = arith.constant 128 : i32
      %add3A_1088 = arith.addi %mul3A_1086, %add3A_1087 : i32
      %swap3A_1089 = arith.index_cast %add3A_1088 : i32 to index
      %swap3A_1090 = tpu.vector_load %arg7[%swap3A_1089] {strides = array<i32>} : memref<4096xf32, #tpu.memory_space<vmem>>, vector<16xf32>,
      %swap3A_1091 = vector.shape_cast %swap3A_1090 : vector<16xf32> to vector<16xf32>
      %swap3A_1092 = vector.shape_cast %select_n3A_1084 : vector<16xf32> to vector<16xf32>
      tpu.vector_store %arg7[%swap3A_1089], %swap3A_1092 {strides = array<i32>} : memref<4096xf32, #tpu.memory_space<vmem>>, vector<16xf32>,
      %gt3A_1093 = arith.constant -1.000000e+29 : f32
      %gt3A_1094 = vector.broadcast %gt3A_1093 : f32 to vector<16xf32>
      %gt3A_1095 = arith.cmpf ogt, %select_n3A_160, %gt3A_1094 : vector<16xf32>
      %select_n3A_1096 = arith.select %gt3A_1095, %broadcast_in_dim3A_17, %broadcast_in_dim3A_13 : vector<16xi1>, vector<16xf32>
      %ge3A_1097 = arith.cmpf oge, %select_n3A_160, %min3A_954 : vector<16xf32>
      %select_n3A_1098 = arith.select %ge3A_1097, %select_n3A_1096, %broadcast_in_dim3A_13 : vector<16xi1>, vector<16xf32>
      %mul3A_1099 = arith.constant 512 : i32
      %mul3A_1100 = arith.muli %scan3A_12, %mul3A_1099 : i32
      %add3A_1101 = arith.constant 144 : i32
      %add3A_1102 = arith.addi %mul3A_1100, %add3A_1101 : i32
      %swap3A_1103 = arith.index_cast %add3A_1102 : i32 to index
      %swap3A_1104 = tpu.vector_load %arg7[%swap3A_1103] {strides = array<i32>} : memref<4096xf32, #tpu.memory_space<vmem>>, vector<16xf32>,
      %swap3A_1105 = vector.shape_cast %swap3A_1104 : vector<16xf32> to vector<16xf32>
      %swap3A_1106 = vector.shape_cast %select_n3A_1098 : vector<16xf32> to vector<16xf32>
      tpu.vector_store %arg7[%swap3A_1103], %swap3A_1106 {strides = array<i32>} : memref<4096xf32, #tpu.memory_space<vmem>>, vector<16xf32>,
      %gt3A_1107 = arith.constant -1.000000e+29 : f32
      %gt3A_1108 = vector.broadcast %gt3A_1107 : f32 to vector<16xf32>
      %gt3A_1109 = arith.cmpf ogt, %select_n3A_175, %gt3A_1108 : vector<16xf32>
      %select_n3A_1110 = arith.select %gt3A_1109, %broadcast_in_dim3A_17, %broadcast_in_dim3A_13 : vector<16xi1>, vector<16xf32>
      %ge3A_1111 = arith.cmpf oge, %select_n3A_175, %min3A_954 : vector<16xf32>
      %select_n3A_1112 = arith.select %ge3A_1111, %select_n3A_1110, %broadcast_in_dim3A_13 : vector<16xi1>, vector<16xf32>
      %mul3A_1113 = arith.constant 512 : i32
      %mul3A_1114 = arith.muli %scan3A_12, %mul3A_1113 : i32
      %add3A_1115 = arith.constant 160 : i32
      %add3A_1116 = arith.addi %mul3A_1114, %add3A_1115 : i32
      %swap3A_1117 = arith.index_cast %add3A_1116 : i32 to index
      %swap3A_1118 = tpu.vector_load %arg7[%swap3A_1117] {strides = array<i32>} : memref<4096xf32, #tpu.memory_space<vmem>>, vector<16xf32>,
      %swap3A_1119 = vector.shape_cast %swap3A_1118 : vector<16xf32> to vector<16xf32>
      %swap3A_1120 = vector.shape_cast %select_n3A_1112 : vector<16xf32> to vector<16xf32>
      tpu.vector_store %arg7[%swap3A_1117], %swap3A_1120 {strides = array<i32>} : memref<4096xf32, #tpu.memory_space<vmem>>, vector<16xf32>,
      %gt3A_1121 = arith.constant -1.000000e+29 : f32
      %gt3A_1122 = vector.broadcast %gt3A_1121 : f32 to vector<16xf32>
      %gt3A_1123 = arith.cmpf ogt, %select_n3A_190, %gt3A_1122 : vector<16xf32>
      %select_n3A_1124 = arith.select %gt3A_1123, %broadcast_in_dim3A_17, %broadcast_in_dim3A_13 : vector<16xi1>, vector<16xf32>
      %ge3A_1125 = arith.cmpf oge, %select_n3A_190, %min3A_954 : vector<16xf32>
      %select_n3A_1126 = arith.select %ge3A_1125, %select_n3A_1124, %broadcast_in_dim3A_13 : vector<16xi1>, vector<16xf32>
      %mul3A_1127 = arith.constant 512 : i32
      %mul3A_1128 = arith.muli %scan3A_12, %mul3A_1127 : i32
      %add3A_1129 = arith.constant 176 : i32
      %add3A_1130 = arith.addi %mul3A_1128, %add3A_1129 : i32
      %swap3A_1131 = arith.index_cast %add3A_1130 : i32 to index
      %swap3A_1132 = tpu.vector_load %arg7[%swap3A_1131] {strides = array<i32>} : memref<4096xf32, #tpu.memory_space<vmem>>, vector<16xf32>,
      %swap3A_1133 = vector.shape_cast %swap3A_1132 : vector<16xf32> to vector<16xf32>
      %swap3A_1134 = vector.shape_cast %select_n3A_1126 : vector<16xf32> to vector<16xf32>
      tpu.vector_store %arg7[%swap3A_1131], %swap3A_1134 {strides = array<i32>} : memref<4096xf32, #tpu.memory_space<vmem>>, vector<16xf32>,
      %gt3A_1135 = arith.constant -1.000000e+29 : f32
      %gt3A_1136 = vector.broadcast %gt3A_1135 : f32 to vector<16xf32>
      %gt3A_1137 = arith.cmpf ogt, %select_n3A_205, %gt3A_1136 : vector<16xf32>
      %select_n3A_1138 = arith.select %gt3A_1137, %broadcast_in_dim3A_17, %broadcast_in_dim3A_13 : vector<16xi1>, vector<16xf32>
      %ge3A_1139 = arith.cmpf oge, %select_n3A_205, %min3A_954 : vector<16xf32>
      %select_n3A_1140 = arith.select %ge3A_1139, %select_n3A_1138, %broadcast_in_dim3A_13 : vector<16xi1>, vector<16xf32>
      %mul3A_1141 = arith.constant 512 : i32
      %mul3A_1142 = arith.muli %scan3A_12, %mul3A_1141 : i32
      %add3A_1143 = arith.constant 192 : i32
      %add3A_1144 = arith.addi %mul3A_1142, %add3A_1143 : i32
      %swap3A_1145 = arith.index_cast %add3A_1144 : i32 to index
      %swap3A_1146 = tpu.vector_load %arg7[%swap3A_1145] {strides = array<i32>} : memref<4096xf32, #tpu.memory_space<vmem>>, vector<16xf32>,
      %swap3A_1147 = vector.shape_cast %swap3A_1146 : vector<16xf32> to vector<16xf32>
      %swap3A_1148 = vector.shape_cast %select_n3A_1140 : vector<16xf32> to vector<16xf32>
      tpu.vector_store %arg7[%swap3A_1145], %swap3A_1148 {strides = array<i32>} : memref<4096xf32, #tpu.memory_space<vmem>>, vector<16xf32>,
      %gt3A_1149 = arith.constant -1.000000e+29 : f32
      %gt3A_1150 = vector.broadcast %gt3A_1149 : f32 to vector<16xf32>
      %gt3A_1151 = arith.cmpf ogt, %select_n3A_220, %gt3A_1150 : vector<16xf32>
      %select_n3A_1152 = arith.select %gt3A_1151, %broadcast_in_dim3A_17, %broadcast_in_dim3A_13 : vector<16xi1>, vector<16xf32>
      %ge3A_1153 = arith.cmpf oge, %select_n3A_220, %min3A_954 : vector<16xf32>
      %select_n3A_1154 = arith.select %ge3A_1153, %select_n3A_1152, %broadcast_in_dim3A_13 : vector<16xi1>, vector<16xf32>
      %mul3A_1155 = arith.constant 512 : i32
      %mul3A_1156 = arith.muli %scan3A_12, %mul3A_1155 : i32
      %add3A_1157 = arith.constant 208 : i32
      %add3A_1158 = arith.addi %mul3A_1156, %add3A_1157 : i32
      %swap3A_1159 = arith.index_cast %add3A_1158 : i32 to index
      %swap3A_1160 = tpu.vector_load %arg7[%swap3A_1159] {strides = array<i32>} : memref<4096xf32, #tpu.memory_space<vmem>>, vector<16xf32>,
      %swap3A_1161 = vector.shape_cast %swap3A_1160 : vector<16xf32> to vector<16xf32>
      %swap3A_1162 = vector.shape_cast %select_n3A_1154 : vector<16xf32> to vector<16xf32>
      tpu.vector_store %arg7[%swap3A_1159], %swap3A_1162 {strides = array<i32>} : memref<4096xf32, #tpu.memory_space<vmem>>, vector<16xf32>,
      %gt3A_1163 = arith.constant -1.000000e+29 : f32
      %gt3A_1164 = vector.broadcast %gt3A_1163 : f32 to vector<16xf32>
      %gt3A_1165 = arith.cmpf ogt, %select_n3A_235, %gt3A_1164 : vector<16xf32>
      %select_n3A_1166 = arith.select %gt3A_1165, %broadcast_in_dim3A_17, %broadcast_in_dim3A_13 : vector<16xi1>, vector<16xf32>
      %ge3A_1167 = arith.cmpf oge, %select_n3A_235, %min3A_954 : vector<16xf32>
      %select_n3A_1168 = arith.select %ge3A_1167, %select_n3A_1166, %broadcast_in_dim3A_13 : vector<16xi1>, vector<16xf32>
      %mul3A_1169 = arith.constant 512 : i32
      %mul3A_1170 = arith.muli %scan3A_12, %mul3A_1169 : i32
      %add3A_1171 = arith.constant 224 : i32
      %add3A_1172 = arith.addi %mul3A_1170, %add3A_1171 : i32
      %swap3A_1173 = arith.index_cast %add3A_1172 : i32 to index
      %swap3A_1174 = tpu.vector_load %arg7[%swap3A_1173] {strides = array<i32>} : memref<4096xf32, #tpu.memory_space<vmem>>, vector<16xf32>,
      %swap3A_1175 = vector.shape_cast %swap3A_1174 : vector<16xf32> to vector<16xf32>
      %swap3A_1176 = vector.shape_cast %select_n3A_1168 : vector<16xf32> to vector<16xf32>
      tpu.vector_store %arg7[%swap3A_1173], %swap3A_1176 {strides = array<i32>} : memref<4096xf32, #tpu.memory_space<vmem>>, vector<16xf32>,
      %gt3A_1177 = arith.constant -1.000000e+29 : f32
      %gt3A_1178 = vector.broadcast %gt3A_1177 : f32 to vector<16xf32>
      %gt3A_1179 = arith.cmpf ogt, %select_n3A_250, %gt3A_1178 : vector<16xf32>
      %select_n3A_1180 = arith.select %gt3A_1179, %broadcast_in_dim3A_17, %broadcast_in_dim3A_13 : vector<16xi1>, vector<16xf32>
      %ge3A_1181 = arith.cmpf oge, %select_n3A_250, %min3A_954 : vector<16xf32>
      %select_n3A_1182 = arith.select %ge3A_1181, %select_n3A_1180, %broadcast_in_dim3A_13 : vector<16xi1>, vector<16xf32>
      %mul3A_1183 = arith.constant 512 : i32
      %mul3A_1184 = arith.muli %scan3A_12, %mul3A_1183 : i32
      %add3A_1185 = arith.constant 240 : i32
      %add3A_1186 = arith.addi %mul3A_1184, %add3A_1185 : i32
      %swap3A_1187 = arith.index_cast %add3A_1186 : i32 to index
      %swap3A_1188 = tpu.vector_load %arg7[%swap3A_1187] {strides = array<i32>} : memref<4096xf32, #tpu.memory_space<vmem>>, vector<16xf32>,
      %swap3A_1189 = vector.shape_cast %swap3A_1188 : vector<16xf32> to vector<16xf32>
      %swap3A_1190 = vector.shape_cast %select_n3A_1182 : vector<16xf32> to vector<16xf32>
      tpu.vector_store %arg7[%swap3A_1187], %swap3A_1190 {strides = array<i32>} : memref<4096xf32, #tpu.memory_space<vmem>>, vector<16xf32>,
      %gt3A_1191 = arith.constant -1.000000e+29 : f32
      %gt3A_1192 = vector.broadcast %gt3A_1191 : f32 to vector<16xf32>
      %gt3A_1193 = arith.cmpf ogt, %select_n3A_265, %gt3A_1192 : vector<16xf32>
      %select_n3A_1194 = arith.select %gt3A_1193, %broadcast_in_dim3A_17, %broadcast_in_dim3A_13 : vector<16xi1>, vector<16xf32>
      %ge3A_1195 = arith.cmpf oge, %select_n3A_265, %min3A_954 : vector<16xf32>
      %select_n3A_1196 = arith.select %ge3A_1195, %select_n3A_1194, %broadcast_in_dim3A_13 : vector<16xi1>, vector<16xf32>
      %mul3A_1197 = arith.constant 512 : i32
      %mul3A_1198 = arith.muli %scan3A_12, %mul3A_1197 : i32
      %add3A_1199 = arith.constant 256 : i32
      %add3A_1200 = arith.addi %mul3A_1198, %add3A_1199 : i32
      %swap3A_1201 = arith.index_cast %add3A_1200 : i32 to index
      %swap3A_1202 = tpu.vector_load %arg7[%swap3A_1201] {strides = array<i32>} : memref<4096xf32, #tpu.memory_space<vmem>>, vector<16xf32>,
      %swap3A_1203 = vector.shape_cast %swap3A_1202 : vector<16xf32> to vector<16xf32>
      %swap3A_1204 = vector.shape_cast %select_n3A_1196 : vector<16xf32> to vector<16xf32>
      tpu.vector_store %arg7[%swap3A_1201], %swap3A_1204 {strides = array<i32>} : memref<4096xf32, #tpu.memory_space<vmem>>, vector<16xf32>,
      %gt3A_1205 = arith.constant -1.000000e+29 : f32
      %gt3A_1206 = vector.broadcast %gt3A_1205 : f32 to vector<16xf32>
      %gt3A_1207 = arith.cmpf ogt, %select_n3A_280, %gt3A_1206 : vector<16xf32>
      %select_n3A_1208 = arith.select %gt3A_1207, %broadcast_in_dim3A_17, %broadcast_in_dim3A_13 : vector<16xi1>, vector<16xf32>
      %ge3A_1209 = arith.cmpf oge, %select_n3A_280, %min3A_954 : vector<16xf32>
      %select_n3A_1210 = arith.select %ge3A_1209, %select_n3A_1208, %broadcast_in_dim3A_13 : vector<16xi1>, vector<16xf32>
      %mul3A_1211 = arith.constant 512 : i32
      %mul3A_1212 = arith.muli %scan3A_12, %mul3A_1211 : i32
      %add3A_1213 = arith.constant 272 : i32
      %add3A_1214 = arith.addi %mul3A_1212, %add3A_1213 : i32
      %swap3A_1215 = arith.index_cast %add3A_1214 : i32 to index
      %swap3A_1216 = tpu.vector_load %arg7[%swap3A_1215] {strides = array<i32>} : memref<4096xf32, #tpu.memory_space<vmem>>, vector<16xf32>,
      %swap3A_1217 = vector.shape_cast %swap3A_1216 : vector<16xf32> to vector<16xf32>
      %swap3A_1218 = vector.shape_cast %select_n3A_1210 : vector<16xf32> to vector<16xf32>
      tpu.vector_store %arg7[%swap3A_1215], %swap3A_1218 {strides = array<i32>} : memref<4096xf32, #tpu.memory_space<vmem>>, vector<16xf32>,
      %gt3A_1219 = arith.constant -1.000000e+29 : f32
      %gt3A_1220 = vector.broadcast %gt3A_1219 : f32 to vector<16xf32>
      %gt3A_1221 = arith.cmpf ogt, %select_n3A_295, %gt3A_1220 : vector<16xf32>
      %select_n3A_1222 = arith.select %gt3A_1221, %broadcast_in_dim3A_17, %broadcast_in_dim3A_13 : vector<16xi1>, vector<16xf32>
      %ge3A_1223 = arith.cmpf oge, %select_n3A_295, %min3A_954 : vector<16xf32>
      %select_n3A_1224 = arith.select %ge3A_1223, %select_n3A_1222, %broadcast_in_dim3A_13 : vector<16xi1>, vector<16xf32>
      %mul3A_1225 = arith.constant 512 : i32
      %mul3A_1226 = arith.muli %scan3A_12, %mul3A_1225 : i32
      %add3A_1227 = arith.constant 288 : i32
      %add3A_1228 = arith.addi %mul3A_1226, %add3A_1227 : i32
      %swap3A_1229 = arith.index_cast %add3A_1228 : i32 to index
      %swap3A_1230 = tpu.vector_load %arg7[%swap3A_1229] {strides = array<i32>} : memref<4096xf32, #tpu.memory_space<vmem>>, vector<16xf32>,
      %swap3A_1231 = vector.shape_cast %swap3A_1230 : vector<16xf32> to vector<16xf32>
      %swap3A_1232 = vector.shape_cast %select_n3A_1224 : vector<16xf32> to vector<16xf32>
      tpu.vector_store %arg7[%swap3A_1229], %swap3A_1232 {strides = array<i32>} : memref<4096xf32, #tpu.memory_space<vmem>>, vector<16xf32>,
      %gt3A_1233 = arith.constant -1.000000e+29 : f32
      %gt3A_1234 = vector.broadcast %gt3A_1233 : f32 to vector<16xf32>
      %gt3A_1235 = arith.cmpf ogt, %select_n3A_310, %gt3A_1234 : vector<16xf32>
      %select_n3A_1236 = arith.select %gt3A_1235, %broadcast_in_dim3A_17, %broadcast_in_dim3A_13 : vector<16xi1>, vector<16xf32>
      %ge3A_1237 = arith.cmpf oge, %select_n3A_310, %min3A_954 : vector<16xf32>
      %select_n3A_1238 = arith.select %ge3A_1237, %select_n3A_1236, %broadcast_in_dim3A_13 : vector<16xi1>, vector<16xf32>
      %mul3A_1239 = arith.constant 512 : i32
      %mul3A_1240 = arith.muli %scan3A_12, %mul3A_1239 : i32
      %add3A_1241 = arith.constant 304 : i32
      %add3A_1242 = arith.addi %mul3A_1240, %add3A_1241 : i32
      %swap3A_1243 = arith.index_cast %add3A_1242 : i32 to index
      %swap3A_1244 = tpu.vector_load %arg7[%swap3A_1243] {strides = array<i32>} : memref<4096xf32, #tpu.memory_space<vmem>>, vector<16xf32>,
      %swap3A_1245 = vector.shape_cast %swap3A_1244 : vector<16xf32> to vector<16xf32>
      %swap3A_1246 = vector.shape_cast %select_n3A_1238 : vector<16xf32> to vector<16xf32>
      tpu.vector_store %arg7[%swap3A_1243], %swap3A_1246 {strides = array<i32>} : memref<4096xf32, #tpu.memory_space<vmem>>, vector<16xf32>,
      %gt3A_1247 = arith.constant -1.000000e+29 : f32
      %gt3A_1248 = vector.broadcast %gt3A_1247 : f32 to vector<16xf32>
      %gt3A_1249 = arith.cmpf ogt, %select_n3A_325, %gt3A_1248 : vector<16xf32>
      %select_n3A_1250 = arith.select %gt3A_1249, %broadcast_in_dim3A_17, %broadcast_in_dim3A_13 : vector<16xi1>, vector<16xf32>
      %ge3A_1251 = arith.cmpf oge, %select_n3A_325, %min3A_954 : vector<16xf32>
      %select_n3A_1252 = arith.select %ge3A_1251, %select_n3A_1250, %broadcast_in_dim3A_13 : vector<16xi1>, vector<16xf32>
      %mul3A_1253 = arith.constant 512 : i32
      %mul3A_1254 = arith.muli %scan3A_12, %mul3A_1253 : i32
      %add3A_1255 = arith.constant 320 : i32
      %add3A_1256 = arith.addi %mul3A_1254, %add3A_1255 : i32
      %swap3A_1257 = arith.index_cast %add3A_1256 : i32 to index
      %swap3A_1258 = tpu.vector_load %arg7[%swap3A_1257] {strides = array<i32>} : memref<4096xf32, #tpu.memory_space<vmem>>, vector<16xf32>,
      %swap3A_1259 = vector.shape_cast %swap3A_1258 : vector<16xf32> to vector<16xf32>
      %swap3A_1260 = vector.shape_cast %select_n3A_1252 : vector<16xf32> to vector<16xf32>
      tpu.vector_store %arg7[%swap3A_1257], %swap3A_1260 {strides = array<i32>} : memref<4096xf32, #tpu.memory_space<vmem>>, vector<16xf32>,
      %gt3A_1261 = arith.constant -1.000000e+29 : f32
      %gt3A_1262 = vector.broadcast %gt3A_1261 : f32 to vector<16xf32>
      %gt3A_1263 = arith.cmpf ogt, %select_n3A_340, %gt3A_1262 : vector<16xf32>
      %select_n3A_1264 = arith.select %gt3A_1263, %broadcast_in_dim3A_17, %broadcast_in_dim3A_13 : vector<16xi1>, vector<16xf32>
      %ge3A_1265 = arith.cmpf oge, %select_n3A_340, %min3A_954 : vector<16xf32>
      %select_n3A_1266 = arith.select %ge3A_1265, %select_n3A_1264, %broadcast_in_dim3A_13 : vector<16xi1>, vector<16xf32>
      %mul3A_1267 = arith.constant 512 : i32
      %mul3A_1268 = arith.muli %scan3A_12, %mul3A_1267 : i32
      %add3A_1269 = arith.constant 336 : i32
      %add3A_1270 = arith.addi %mul3A_1268, %add3A_1269 : i32
      %swap3A_1271 = arith.index_cast %add3A_1270 : i32 to index
      %swap3A_1272 = tpu.vector_load %arg7[%swap3A_1271] {strides = array<i32>} : memref<4096xf32, #tpu.memory_space<vmem>>, vector<16xf32>,
      %swap3A_1273 = vector.shape_cast %swap3A_1272 : vector<16xf32> to vector<16xf32>
      %swap3A_1274 = vector.shape_cast %select_n3A_1266 : vector<16xf32> to vector<16xf32>
      tpu.vector_store %arg7[%swap3A_1271], %swap3A_1274 {strides = array<i32>} : memref<4096xf32, #tpu.memory_space<vmem>>, vector<16xf32>,
      %gt3A_1275 = arith.constant -1.000000e+29 : f32
      %gt3A_1276 = vector.broadcast %gt3A_1275 : f32 to vector<16xf32>
      %gt3A_1277 = arith.cmpf ogt, %select_n3A_355, %gt3A_1276 : vector<16xf32>
      %select_n3A_1278 = arith.select %gt3A_1277, %broadcast_in_dim3A_17, %broadcast_in_dim3A_13 : vector<16xi1>, vector<16xf32>
      %ge3A_1279 = arith.cmpf oge, %select_n3A_355, %min3A_954 : vector<16xf32>
      %select_n3A_1280 = arith.select %ge3A_1279, %select_n3A_1278, %broadcast_in_dim3A_13 : vector<16xi1>, vector<16xf32>
      %mul3A_1281 = arith.constant 512 : i32
      %mul3A_1282 = arith.muli %scan3A_12, %mul3A_1281 : i32
      %add3A_1283 = arith.constant 352 : i32
      %add3A_1284 = arith.addi %mul3A_1282, %add3A_1283 : i32
      %swap3A_1285 = arith.index_cast %add3A_1284 : i32 to index
      %swap3A_1286 = tpu.vector_load %arg7[%swap3A_1285] {strides = array<i32>} : memref<4096xf32, #tpu.memory_space<vmem>>, vector<16xf32>,
      %swap3A_1287 = vector.shape_cast %swap3A_1286 : vector<16xf32> to vector<16xf32>
      %swap3A_1288 = vector.shape_cast %select_n3A_1280 : vector<16xf32> to vector<16xf32>
      tpu.vector_store %arg7[%swap3A_1285], %swap3A_1288 {strides = array<i32>} : memref<4096xf32, #tpu.memory_space<vmem>>, vector<16xf32>,
      %gt3A_1289 = arith.constant -1.000000e+29 : f32
      %gt3A_1290 = vector.broadcast %gt3A_1289 : f32 to vector<16xf32>
      %gt3A_1291 = arith.cmpf ogt, %select_n3A_370, %gt3A_1290 : vector<16xf32>
      %select_n3A_1292 = arith.select %gt3A_1291, %broadcast_in_dim3A_17, %broadcast_in_dim3A_13 : vector<16xi1>, vector<16xf32>
      %ge3A_1293 = arith.cmpf oge, %select_n3A_370, %min3A_954 : vector<16xf32>
      %select_n3A_1294 = arith.select %ge3A_1293, %select_n3A_1292, %broadcast_in_dim3A_13 : vector<16xi1>, vector<16xf32>
      %mul3A_1295 = arith.constant 512 : i32
      %mul3A_1296 = arith.muli %scan3A_12, %mul3A_1295 : i32
      %add3A_1297 = arith.constant 368 : i32
      %add3A_1298 = arith.addi %mul3A_1296, %add3A_1297 : i32
      %swap3A_1299 = arith.index_cast %add3A_1298 : i32 to index
      %swap3A_1300 = tpu.vector_load %arg7[%swap3A_1299] {strides = array<i32>} : memref<4096xf32, #tpu.memory_space<vmem>>, vector<16xf32>,
      %swap3A_1301 = vector.shape_cast %swap3A_1300 : vector<16xf32> to vector<16xf32>
      %swap3A_1302 = vector.shape_cast %select_n3A_1294 : vector<16xf32> to vector<16xf32>
      tpu.vector_store %arg7[%swap3A_1299], %swap3A_1302 {strides = array<i32>} : memref<4096xf32, #tpu.memory_space<vmem>>, vector<16xf32>,
      %gt3A_1303 = arith.constant -1.000000e+29 : f32
      %gt3A_1304 = vector.broadcast %gt3A_1303 : f32 to vector<16xf32>
      %gt3A_1305 = arith.cmpf ogt, %select_n3A_385, %gt3A_1304 : vector<16xf32>
      %select_n3A_1306 = arith.select %gt3A_1305, %broadcast_in_dim3A_17, %broadcast_in_dim3A_13 : vector<16xi1>, vector<16xf32>
      %ge3A_1307 = arith.cmpf oge, %select_n3A_385, %min3A_954 : vector<16xf32>
      %select_n3A_1308 = arith.select %ge3A_1307, %select_n3A_1306, %broadcast_in_dim3A_13 : vector<16xi1>, vector<16xf32>
      %mul3A_1309 = arith.constant 512 : i32
      %mul3A_1310 = arith.muli %scan3A_12, %mul3A_1309 : i32
      %add3A_1311 = arith.constant 384 : i32
      %add3A_1312 = arith.addi %mul3A_1310, %add3A_1311 : i32
      %swap3A_1313 = arith.index_cast %add3A_1312 : i32 to index
      %swap3A_1314 = tpu.vector_load %arg7[%swap3A_1313] {strides = array<i32>} : memref<4096xf32, #tpu.memory_space<vmem>>, vector<16xf32>,
      %swap3A_1315 = vector.shape_cast %swap3A_1314 : vector<16xf32> to vector<16xf32>
      %swap3A_1316 = vector.shape_cast %select_n3A_1308 : vector<16xf32> to vector<16xf32>
      tpu.vector_store %arg7[%swap3A_1313], %swap3A_1316 {strides = array<i32>} : memref<4096xf32, #tpu.memory_space<vmem>>, vector<16xf32>,
      %gt3A_1317 = arith.constant -1.000000e+29 : f32
      %gt3A_1318 = vector.broadcast %gt3A_1317 : f32 to vector<16xf32>
      %gt3A_1319 = arith.cmpf ogt, %select_n3A_400, %gt3A_1318 : vector<16xf32>
      %select_n3A_1320 = arith.select %gt3A_1319, %broadcast_in_dim3A_17, %broadcast_in_dim3A_13 : vector<16xi1>, vector<16xf32>
      %ge3A_1321 = arith.cmpf oge, %select_n3A_400, %min3A_954 : vector<16xf32>
      %select_n3A_1322 = arith.select %ge3A_1321, %select_n3A_1320, %broadcast_in_dim3A_13 : vector<16xi1>, vector<16xf32>
      %mul3A_1323 = arith.constant 512 : i32
      %mul3A_1324 = arith.muli %scan3A_12, %mul3A_1323 : i32
      %add3A_1325 = arith.constant 400 : i32
      %add3A_1326 = arith.addi %mul3A_1324, %add3A_1325 : i32
      %swap3A_1327 = arith.index_cast %add3A_1326 : i32 to index
      %swap3A_1328 = tpu.vector_load %arg7[%swap3A_1327] {strides = array<i32>} : memref<4096xf32, #tpu.memory_space<vmem>>, vector<16xf32>,
      %swap3A_1329 = vector.shape_cast %swap3A_1328 : vector<16xf32> to vector<16xf32>
      %swap3A_1330 = vector.shape_cast %select_n3A_1322 : vector<16xf32> to vector<16xf32>
      tpu.vector_store %arg7[%swap3A_1327], %swap3A_1330 {strides = array<i32>} : memref<4096xf32, #tpu.memory_space<vmem>>, vector<16xf32>,
      %gt3A_1331 = arith.constant -1.000000e+29 : f32
      %gt3A_1332 = vector.broadcast %gt3A_1331 : f32 to vector<16xf32>
      %gt3A_1333 = arith.cmpf ogt, %select_n3A_415, %gt3A_1332 : vector<16xf32>
      %select_n3A_1334 = arith.select %gt3A_1333, %broadcast_in_dim3A_17, %broadcast_in_dim3A_13 : vector<16xi1>, vector<16xf32>
      %ge3A_1335 = arith.cmpf oge, %select_n3A_415, %min3A_954 : vector<16xf32>
      %select_n3A_1336 = arith.select %ge3A_1335, %select_n3A_1334, %broadcast_in_dim3A_13 : vector<16xi1>, vector<16xf32>
      %mul3A_1337 = arith.constant 512 : i32
      %mul3A_1338 = arith.muli %scan3A_12, %mul3A_1337 : i32
      %add3A_1339 = arith.constant 416 : i32
      %add3A_1340 = arith.addi %mul3A_1338, %add3A_1339 : i32
      %swap3A_1341 = arith.index_cast %add3A_1340 : i32 to index
      %swap3A_1342 = tpu.vector_load %arg7[%swap3A_1341] {strides = array<i32>} : memref<4096xf32, #tpu.memory_space<vmem>>, vector<16xf32>,
      %swap3A_1343 = vector.shape_cast %swap3A_1342 : vector<16xf32> to vector<16xf32>
      %swap3A_1344 = vector.shape_cast %select_n3A_1336 : vector<16xf32> to vector<16xf32>
      tpu.vector_store %arg7[%swap3A_1341], %swap3A_1344 {strides = array<i32>} : memref<4096xf32, #tpu.memory_space<vmem>>, vector<16xf32>,
      %gt3A_1345 = arith.constant -1.000000e+29 : f32
      %gt3A_1346 = vector.broadcast %gt3A_1345 : f32 to vector<16xf32>
      %gt3A_1347 = arith.cmpf ogt, %select_n3A_430, %gt3A_1346 : vector<16xf32>
      %select_n3A_1348 = arith.select %gt3A_1347, %broadcast_in_dim3A_17, %broadcast_in_dim3A_13 : vector<16xi1>, vector<16xf32>
      %ge3A_1349 = arith.cmpf oge, %select_n3A_430, %min3A_954 : vector<16xf32>
      %select_n3A_1350 = arith.select %ge3A_1349, %select_n3A_1348, %broadcast_in_dim3A_13 : vector<16xi1>, vector<16xf32>
      %mul3A_1351 = arith.constant 512 : i32
      %mul3A_1352 = arith.muli %scan3A_12, %mul3A_1351 : i32
      %add3A_1353 = arith.constant 432 : i32
      %add3A_1354 = arith.addi %mul3A_1352, %add3A_1353 : i32
      %swap3A_1355 = arith.index_cast %add3A_1354 : i32 to index
      %swap3A_1356 = tpu.vector_load %arg7[%swap3A_1355] {strides = array<i32>} : memref<4096xf32, #tpu.memory_space<vmem>>, vector<16xf32>,
      %swap3A_1357 = vector.shape_cast %swap3A_1356 : vector<16xf32> to vector<16xf32>
      %swap3A_1358 = vector.shape_cast %select_n3A_1350 : vector<16xf32> to vector<16xf32>
      tpu.vector_store %arg7[%swap3A_1355], %swap3A_1358 {strides = array<i32>} : memref<4096xf32, #tpu.memory_space<vmem>>, vector<16xf32>,
      %gt3A_1359 = arith.constant -1.000000e+29 : f32
      %gt3A_1360 = vector.broadcast %gt3A_1359 : f32 to vector<16xf32>
      %gt3A_1361 = arith.cmpf ogt, %select_n3A_445, %gt3A_1360 : vector<16xf32>
      %select_n3A_1362 = arith.select %gt3A_1361, %broadcast_in_dim3A_17, %broadcast_in_dim3A_13 : vector<16xi1>, vector<16xf32>
      %ge3A_1363 = arith.cmpf oge, %select_n3A_445, %min3A_954 : vector<16xf32>
      %select_n3A_1364 = arith.select %ge3A_1363, %select_n3A_1362, %broadcast_in_dim3A_13 : vector<16xi1>, vector<16xf32>
      %mul3A_1365 = arith.constant 512 : i32
      %mul3A_1366 = arith.muli %scan3A_12, %mul3A_1365 : i32
      %add3A_1367 = arith.constant 448 : i32
      %add3A_1368 = arith.addi %mul3A_1366, %add3A_1367 : i32
      %swap3A_1369 = arith.index_cast %add3A_1368 : i32 to index
      %swap3A_1370 = tpu.vector_load %arg7[%swap3A_1369] {strides = array<i32>} : memref<4096xf32, #tpu.memory_space<vmem>>, vector<16xf32>,
      %swap3A_1371 = vector.shape_cast %swap3A_1370 : vector<16xf32> to vector<16xf32>
      %swap3A_1372 = vector.shape_cast %select_n3A_1364 : vector<16xf32> to vector<16xf32>
      tpu.vector_store %arg7[%swap3A_1369], %swap3A_1372 {strides = array<i32>} : memref<4096xf32, #tpu.memory_space<vmem>>, vector<16xf32>,
      %gt3A_1373 = arith.constant -1.000000e+29 : f32
      %gt3A_1374 = vector.broadcast %gt3A_1373 : f32 to vector<16xf32>
      %gt3A_1375 = arith.cmpf ogt, %select_n3A_460, %gt3A_1374 : vector<16xf32>
      %select_n3A_1376 = arith.select %gt3A_1375, %broadcast_in_dim3A_17, %broadcast_in_dim3A_13 : vector<16xi1>, vector<16xf32>
      %ge3A_1377 = arith.cmpf oge, %select_n3A_460, %min3A_954 : vector<16xf32>
      %select_n3A_1378 = arith.select %ge3A_1377, %select_n3A_1376, %broadcast_in_dim3A_13 : vector<16xi1>, vector<16xf32>
      %mul3A_1379 = arith.constant 512 : i32
      %mul3A_1380 = arith.muli %scan3A_12, %mul3A_1379 : i32
      %add3A_1381 = arith.constant 464 : i32
      %add3A_1382 = arith.addi %mul3A_1380, %add3A_1381 : i32
      %swap3A_1383 = arith.index_cast %add3A_1382 : i32 to index
      %swap3A_1384 = tpu.vector_load %arg7[%swap3A_1383] {strides = array<i32>} : memref<4096xf32, #tpu.memory_space<vmem>>, vector<16xf32>,
      %swap3A_1385 = vector.shape_cast %swap3A_1384 : vector<16xf32> to vector<16xf32>
      %swap3A_1386 = vector.shape_cast %select_n3A_1378 : vector<16xf32> to vector<16xf32>
      tpu.vector_store %arg7[%swap3A_1383], %swap3A_1386 {strides = array<i32>} : memref<4096xf32, #tpu.memory_space<vmem>>, vector<16xf32>,
      %gt3A_1387 = arith.constant -1.000000e+29 : f32
      %gt3A_1388 = vector.broadcast %gt3A_1387 : f32 to vector<16xf32>
      %gt3A_1389 = arith.cmpf ogt, %select_n3A_475, %gt3A_1388 : vector<16xf32>
      %select_n3A_1390 = arith.select %gt3A_1389, %broadcast_in_dim3A_17, %broadcast_in_dim3A_13 : vector<16xi1>, vector<16xf32>
      %ge3A_1391 = arith.cmpf oge, %select_n3A_475, %min3A_954 : vector<16xf32>
      %select_n3A_1392 = arith.select %ge3A_1391, %select_n3A_1390, %broadcast_in_dim3A_13 : vector<16xi1>, vector<16xf32>
      %mul3A_1393 = arith.constant 512 : i32
      %mul3A_1394 = arith.muli %scan3A_12, %mul3A_1393 : i32
      %add3A_1395 = arith.constant 480 : i32
      %add3A_1396 = arith.addi %mul3A_1394, %add3A_1395 : i32
      %swap3A_1397 = arith.index_cast %add3A_1396 : i32 to index
      %swap3A_1398 = tpu.vector_load %arg7[%swap3A_1397] {strides = array<i32>} : memref<4096xf32, #tpu.memory_space<vmem>>, vector<16xf32>,
      %swap3A_1399 = vector.shape_cast %swap3A_1398 : vector<16xf32> to vector<16xf32>
      %swap3A_1400 = vector.shape_cast %select_n3A_1392 : vector<16xf32> to vector<16xf32>
      tpu.vector_store %arg7[%swap3A_1397], %swap3A_1400 {strides = array<i32>} : memref<4096xf32, #tpu.memory_space<vmem>>, vector<16xf32>,
      %gt3A_1401 = arith.constant -1.000000e+29 : f32
      %gt3A_1402 = vector.broadcast %gt3A_1401 : f32 to vector<16xf32>
      %gt3A_1403 = arith.cmpf ogt, %select_n3A_490, %gt3A_1402 : vector<16xf32>
      %select_n3A_1404 = arith.select %gt3A_1403, %broadcast_in_dim3A_17, %broadcast_in_dim3A_13 : vector<16xi1>, vector<16xf32>
      %ge3A_1405 = arith.cmpf oge, %select_n3A_490, %min3A_954 : vector<16xf32>
      %select_n3A_1406 = arith.select %ge3A_1405, %select_n3A_1404, %broadcast_in_dim3A_13 : vector<16xi1>, vector<16xf32>
      %mul3A_1407 = arith.constant 512 : i32
      %mul3A_1408 = arith.muli %scan3A_12, %mul3A_1407 : i32
      %add3A_1409 = arith.constant 496 : i32
      %add3A_1410 = arith.addi %mul3A_1408, %add3A_1409 : i32
      %swap3A_1411 = arith.index_cast %add3A_1410 : i32 to index
      %swap3A_1412 = tpu.vector_load %arg7[%swap3A_1411] {strides = array<i32>} : memref<4096xf32, #tpu.memory_space<vmem>>, vector<16xf32>,
      %swap3A_1413 = vector.shape_cast %swap3A_1412 : vector<16xf32> to vector<16xf32>
      %swap3A_1414 = vector.shape_cast %select_n3A_1406 : vector<16xf32> to vector<16xf32>
      tpu.vector_store %arg7[%swap3A_1411], %swap3A_1414 {strides = array<i32>} : memref<4096xf32, #tpu.memory_space<vmem>>, vector<16xf32>,
    }
    %scan3A_11 = arith.constant 8 : i32
    "tpu.region"() ({
      %run_scoped3A = tpu.sem_alloc : memref<!tpu.dma_semaphore, #tpu.memory_space<semaphore_mem>>
      %dma_start3A = tpu.memref_slice %arg4[%mul3A_2] : memref<131072xf32, #tpu.memory_space<hbm>> -> memref<4096xf32, #tpu.memory_space<hbm>>
      %dma_start3A_12 = tpu.memref_slice %arg4[%mul3A_2] : memref<131072xf32, #tpu.memory_space<hbm>> -> memref<4096xf32, #tpu.memory_space<hbm>>
      tpu.enqueue_dma source(%arg7 : memref<4096xf32, #tpu.memory_space<vmem>>) target(%dma_start3A_12 : memref<4096xf32, #tpu.memory_space<hbm>>) target_semaphore(%run_scoped3A : memref<!tpu.dma_semaphore, #tpu.memory_space<semaphore_mem>>)
      %dma_wait3A = tpu.memref_slice %arg4[%mul3A_2] : memref<131072xf32, #tpu.memory_space<hbm>> -> memref<4096xf32, #tpu.memory_space<hbm>>
      %dma_wait3A_13 = tpu.memref_slice %arg4[%mul3A_2] : memref<131072xf32, #tpu.memory_space<hbm>> -> memref<4096xf32, #tpu.memory_space<hbm>>
      tpu.wait_dma2 semaphore(%run_scoped3A : memref<!tpu.dma_semaphore, #tpu.memory_space<semaphore_mem>>) src(%arg7 : memref<4096xf32, #tpu.memory_space<vmem>>) dst(%dma_wait3A_13 : memref<4096xf32, #tpu.memory_space<hbm>>)
      tpu.yield
    }) : () -> ()
    return
  }
}

module attributes {stable_mosaic.version = 14 : i64} {
  func.func @_proj_kernel(%arg0: i32, %arg1: memref<256x768xf32, #tpu.memory_space<vmem>>, %arg2: memref<768x768xf32, #tpu.memory_space<vmem>>, %arg3: memref<768x128xf32, #tpu.memory_space<vmem>>, %arg4: memref<768x128xf32, #tpu.memory_space<vmem>>, %arg5: memref<768x8xf32, #tpu.memory_space<vmem>>, %arg6: memref<256x32xf32, #tpu.memory_space<vmem>>, %arg7: memref<256x32xf32, #tpu.memory_space<vmem>>, %arg8: memref<12x256x64xf32, #tpu.memory_space<vmem>>, %arg9: memref<256x192xf32, #tpu.memory_space<vmem>>, %arg10: memref<256x128xf32, #tpu.memory_space<vmem>>, %arg11: memref<256x8xf32, #tpu.memory_space<vmem>>) attributes {dimension_semantics = [#tpu.dimension_semantics<parallel>], iteration_bounds = array<i64: 8>, scalar_prefetch = 0 : i64, scratch_operands = 0 : i64, tpu.core_type = #tpu.core_type<tc>, window_params = [{transform_indices = @transform_0, window_bounds = array<i64: 256, 768>}, {pipeline_mode = #tpu.pipeline_mode<synchronous>, transform_indices = @transform_1, window_bounds = array<i64: 768, 768>}, {pipeline_mode = #tpu.pipeline_mode<synchronous>, transform_indices = @transform_2, window_bounds = array<i64: 768, 128>}, {pipeline_mode = #tpu.pipeline_mode<synchronous>, transform_indices = @transform_3, window_bounds = array<i64: 768, 128>}, {pipeline_mode = #tpu.pipeline_mode<synchronous>, transform_indices = @transform_4, window_bounds = array<i64: 768, 8>}, {transform_indices = @transform_5, window_bounds = array<i64: 256, 32>}, {transform_indices = @transform_6, window_bounds = array<i64: 256, 32>}, {transform_indices = @transform_7, window_bounds = array<i64: 12, 256, 64>}, {transform_indices = @transform_8, window_bounds = array<i64: 256, 192>}, {transform_indices = @transform_9, window_bounds = array<i64: 256, 128>}, {transform_indices = @transform_10, window_bounds = array<i64: 256, 8>}]} {
    %get3A = arith.constant 0 : index
    %get3A_0 = arith.constant 0 : index
    %get3A_1 = vector.load %arg1[%get3A, %get3A_0] : memref<256x768xf32, #tpu.memory_space<vmem>>, vector<256x768xf32>
    %mul3A = arith.constant 256 : i32
    %mul3A_2 = arith.muli %arg0, %mul3A : i32
    %get3A_3 = arith.constant 0 : index
    %get3A_4 = arith.constant 0 : index
    %get3A_5 = vector.load %arg2[%get3A_3, %get3A_4] : memref<768x768xf32, #tpu.memory_space<vmem>>, vector<768x768xf32>
    %dot_general3A = arith.constant dense<0.000000e+00> : vector<256x768xf32>
    %dot_general3A_6 = tpu.matmul %get3A_1, %get3A_5, %dot_general3A {dimension_numbers = #tpu.dot_dimension_numbers<[1], [0], [0], [1], [0, 0, 1, 1], [], []>, transpose_lhs_hint = false} : vector<256x768xf32>, vector<768x768xf32>, vector<256x768xf32> -> vector<256x768xf32>
    %get3A_7 = arith.constant 0 : index
    %get3A_8 = arith.constant 0 : index
    %get3A_9 = vector.load %arg3[%get3A_7, %get3A_8] : memref<768x128xf32, #tpu.memory_space<vmem>>, vector<768x128xf32>
    %dot_general3A_10 = arith.constant dense<0.000000e+00> : vector<256x128xf32>
    %dot_general3A_11 = tpu.matmul %get3A_1, %get3A_9, %dot_general3A_10 {dimension_numbers = #tpu.dot_dimension_numbers<[1], [0], [0], [1], [0, 0, 1, 1], [], []>, transpose_lhs_hint = false} : vector<256x768xf32>, vector<768x128xf32>, vector<256x128xf32> -> vector<256x128xf32>
    %get3A_12 = arith.constant 0 : index
    %get3A_13 = arith.constant 0 : index
    %get3A_14 = vector.load %arg4[%get3A_12, %get3A_13] : memref<768x128xf32, #tpu.memory_space<vmem>>, vector<768x128xf32>
    %dot_general3A_15 = arith.constant dense<0.000000e+00> : vector<256x128xf32>
    %dot_general3A_16 = tpu.matmul %get3A_1, %get3A_14, %dot_general3A_15 {dimension_numbers = #tpu.dot_dimension_numbers<[1], [0], [0], [1], [0, 0, 1, 1], [], []>, transpose_lhs_hint = false} : vector<256x768xf32>, vector<768x128xf32>, vector<256x128xf32> -> vector<256x128xf32>
    %swap3A = arith.constant 0 : index
    %swap3A_17 = arith.constant 0 : index
    %swap3A_18 = vector.load %arg10[%swap3A, %swap3A_17] : memref<256x128xf32, #tpu.memory_space<vmem>>, vector<256x128xf32>
    tpu.vector_store %arg10[%swap3A, %swap3A_17], %dot_general3A_16 {strides = array<i32>} : memref<256x128xf32, #tpu.memory_space<vmem>>, vector<256x128xf32>,
    %get3A_19 = arith.constant 0 : index
    %get3A_20 = arith.constant 0 : index
    %get3A_21 = vector.load %arg5[%get3A_19, %get3A_20] : memref<768x8xf32, #tpu.memory_space<vmem>>, vector<768x8xf32>
    %dot_general3A_22 = arith.constant dense<0.000000e+00> : vector<256x8xf32>
    %dot_general3A_23 = tpu.matmul %get3A_1, %get3A_21, %dot_general3A_22 {dimension_numbers = #tpu.dot_dimension_numbers<[1], [0], [0], [1], [0, 0, 1, 1], [], []>, transpose_lhs_hint = false} : vector<256x768xf32>, vector<768x8xf32>, vector<256x8xf32> -> vector<256x8xf32>
    %logistic3A = arith.negf %dot_general3A_23 : vector<256x8xf32>
    %logistic3A_24 = math.exp %logistic3A : vector<256x8xf32>
    %logistic3A_25 = arith.constant 1.000000e+00 : f32
    %logistic3A_26 = vector.broadcast %logistic3A_25 : f32 to vector<256x8xf32>
    %logistic3A_27 = arith.addf %logistic3A_26, %logistic3A_24 : vector<256x8xf32>
    %logistic3A_28 = arith.divf %logistic3A_26, %logistic3A_27 : vector<256x8xf32>
    %swap3A_29 = arith.constant 0 : index
    %swap3A_30 = arith.constant 0 : index
    %swap3A_31 = vector.load %arg11[%swap3A_29, %swap3A_30] : memref<256x8xf32, #tpu.memory_space<vmem>>, vector<256x8xf32>
    tpu.vector_store %arg11[%swap3A_29, %swap3A_30], %logistic3A_28 {strides = array<i32>} : memref<256x8xf32, #tpu.memory_space<vmem>>, vector<256x8xf32>,
    %get3A_32 = arith.constant 0 : index
    %get3A_33 = arith.constant 0 : index
    %get3A_34 = vector.load %arg6[%get3A_32, %get3A_33] : memref<256x32xf32, #tpu.memory_space<vmem>>, vector<256x32xf32>
    %get3A_35 = arith.constant 0 : index
    %get3A_36 = arith.constant 0 : index
    %get3A_37 = vector.load %arg7[%get3A_35, %get3A_36] : memref<256x32xf32, #tpu.memory_space<vmem>>, vector<256x32xf32>
    %slice3A = vector.extract_strided_slice %dot_general3A_6 {offsets = [0, 0], sizes = [256, 32], strides = [1, 1]} : vector<256x768xf32> to vector<256x32xf32>
    %slice3A_38 = vector.extract_strided_slice %dot_general3A_6 {offsets = [0, 32], sizes = [256, 32], strides = [1, 1]} : vector<256x768xf32> to vector<256x32xf32>
    %mul3A_39 = arith.mulf %slice3A, %get3A_34 : vector<256x32xf32>
    %mul3A_40 = arith.mulf %slice3A_38, %get3A_37 : vector<256x32xf32>
    %sub3A = arith.subf %mul3A_39, %mul3A_40 : vector<256x32xf32>
    %mul3A_41 = arith.mulf %slice3A_38, %get3A_34 : vector<256x32xf32>
    %mul3A_42 = arith.mulf %slice3A, %get3A_37 : vector<256x32xf32>
    %add3A = arith.addf %mul3A_41, %mul3A_42 : vector<256x32xf32>
    %concatenate3A = tpu.concatenate %sub3A, %add3A in 1 : vector<256x32xf32>, vector<256x32xf32> -> vector<256x64xf32>
    %swap3A_43 = arith.constant 0 : index
    %swap3A_44 = arith.constant 0 : index
    %swap3A_45 = arith.constant 0 : index
    %swap3A_46 = vector.load %arg8[%swap3A_43, %swap3A_44, %swap3A_45] : memref<12x256x64xf32, #tpu.memory_space<vmem>>, vector<1x256x64xf32>
    %swap3A_47 = vector.shape_cast %swap3A_46 : vector<1x256x64xf32> to vector<256x64xf32>
    %swap3A_48 = vector.shape_cast %concatenate3A : vector<256x64xf32> to vector<1x256x64xf32>
    tpu.vector_store %arg8[%swap3A_43, %swap3A_44, %swap3A_45], %swap3A_48 {strides = array<i32>} : memref<12x256x64xf32, #tpu.memory_space<vmem>>, vector<1x256x64xf32>,
    %slice3A_49 = vector.extract_strided_slice %dot_general3A_6 {offsets = [0, 64], sizes = [256, 32], strides = [1, 1]} : vector<256x768xf32> to vector<256x32xf32>
    %slice3A_50 = vector.extract_strided_slice %dot_general3A_6 {offsets = [0, 96], sizes = [256, 32], strides = [1, 1]} : vector<256x768xf32> to vector<256x32xf32>
    %mul3A_51 = arith.mulf %slice3A_49, %get3A_34 : vector<256x32xf32>
    %mul3A_52 = arith.mulf %slice3A_50, %get3A_37 : vector<256x32xf32>
    %sub3A_53 = arith.subf %mul3A_51, %mul3A_52 : vector<256x32xf32>
    %mul3A_54 = arith.mulf %slice3A_50, %get3A_34 : vector<256x32xf32>
    %mul3A_55 = arith.mulf %slice3A_49, %get3A_37 : vector<256x32xf32>
    %add3A_56 = arith.addf %mul3A_54, %mul3A_55 : vector<256x32xf32>
    %concatenate3A_57 = tpu.concatenate %sub3A_53, %add3A_56 in 1 : vector<256x32xf32>, vector<256x32xf32> -> vector<256x64xf32>
    %swap3A_58 = arith.constant 1 : index
    %swap3A_59 = arith.constant 0 : index
    %swap3A_60 = arith.constant 0 : index
    %swap3A_61 = vector.load %arg8[%swap3A_58, %swap3A_59, %swap3A_60] : memref<12x256x64xf32, #tpu.memory_space<vmem>>, vector<1x256x64xf32>
    %swap3A_62 = vector.shape_cast %swap3A_61 : vector<1x256x64xf32> to vector<256x64xf32>
    %swap3A_63 = vector.shape_cast %concatenate3A_57 : vector<256x64xf32> to vector<1x256x64xf32>
    tpu.vector_store %arg8[%swap3A_58, %swap3A_59, %swap3A_60], %swap3A_63 {strides = array<i32>} : memref<12x256x64xf32, #tpu.memory_space<vmem>>, vector<1x256x64xf32>,
    %slice3A_64 = vector.extract_strided_slice %dot_general3A_6 {offsets = [0, 128], sizes = [256, 32], strides = [1, 1]} : vector<256x768xf32> to vector<256x32xf32>
    %slice3A_65 = vector.extract_strided_slice %dot_general3A_6 {offsets = [0, 160], sizes = [256, 32], strides = [1, 1]} : vector<256x768xf32> to vector<256x32xf32>
    %mul3A_66 = arith.mulf %slice3A_64, %get3A_34 : vector<256x32xf32>
    %mul3A_67 = arith.mulf %slice3A_65, %get3A_37 : vector<256x32xf32>
    %sub3A_68 = arith.subf %mul3A_66, %mul3A_67 : vector<256x32xf32>
    %mul3A_69 = arith.mulf %slice3A_65, %get3A_34 : vector<256x32xf32>
    %mul3A_70 = arith.mulf %slice3A_64, %get3A_37 : vector<256x32xf32>
    %add3A_71 = arith.addf %mul3A_69, %mul3A_70 : vector<256x32xf32>
    %concatenate3A_72 = tpu.concatenate %sub3A_68, %add3A_71 in 1 : vector<256x32xf32>, vector<256x32xf32> -> vector<256x64xf32>
    %swap3A_73 = arith.constant 2 : index
    %swap3A_74 = arith.constant 0 : index
    %swap3A_75 = arith.constant 0 : index
    %swap3A_76 = vector.load %arg8[%swap3A_73, %swap3A_74, %swap3A_75] : memref<12x256x64xf32, #tpu.memory_space<vmem>>, vector<1x256x64xf32>
    %swap3A_77 = vector.shape_cast %swap3A_76 : vector<1x256x64xf32> to vector<256x64xf32>
    %swap3A_78 = vector.shape_cast %concatenate3A_72 : vector<256x64xf32> to vector<1x256x64xf32>
    tpu.vector_store %arg8[%swap3A_73, %swap3A_74, %swap3A_75], %swap3A_78 {strides = array<i32>} : memref<12x256x64xf32, #tpu.memory_space<vmem>>, vector<1x256x64xf32>,
    %slice3A_79 = vector.extract_strided_slice %dot_general3A_6 {offsets = [0, 192], sizes = [256, 32], strides = [1, 1]} : vector<256x768xf32> to vector<256x32xf32>
    %slice3A_80 = vector.extract_strided_slice %dot_general3A_6 {offsets = [0, 224], sizes = [256, 32], strides = [1, 1]} : vector<256x768xf32> to vector<256x32xf32>
    %mul3A_81 = arith.mulf %slice3A_79, %get3A_34 : vector<256x32xf32>
    %mul3A_82 = arith.mulf %slice3A_80, %get3A_37 : vector<256x32xf32>
    %sub3A_83 = arith.subf %mul3A_81, %mul3A_82 : vector<256x32xf32>
    %mul3A_84 = arith.mulf %slice3A_80, %get3A_34 : vector<256x32xf32>
    %mul3A_85 = arith.mulf %slice3A_79, %get3A_37 : vector<256x32xf32>
    %add3A_86 = arith.addf %mul3A_84, %mul3A_85 : vector<256x32xf32>
    %concatenate3A_87 = tpu.concatenate %sub3A_83, %add3A_86 in 1 : vector<256x32xf32>, vector<256x32xf32> -> vector<256x64xf32>
    %swap3A_88 = arith.constant 3 : index
    %swap3A_89 = arith.constant 0 : index
    %swap3A_90 = arith.constant 0 : index
    %swap3A_91 = vector.load %arg8[%swap3A_88, %swap3A_89, %swap3A_90] : memref<12x256x64xf32, #tpu.memory_space<vmem>>, vector<1x256x64xf32>
    %swap3A_92 = vector.shape_cast %swap3A_91 : vector<1x256x64xf32> to vector<256x64xf32>
    %swap3A_93 = vector.shape_cast %concatenate3A_87 : vector<256x64xf32> to vector<1x256x64xf32>
    tpu.vector_store %arg8[%swap3A_88, %swap3A_89, %swap3A_90], %swap3A_93 {strides = array<i32>} : memref<12x256x64xf32, #tpu.memory_space<vmem>>, vector<1x256x64xf32>,
    %slice3A_94 = vector.extract_strided_slice %dot_general3A_6 {offsets = [0, 256], sizes = [256, 32], strides = [1, 1]} : vector<256x768xf32> to vector<256x32xf32>
    %slice3A_95 = vector.extract_strided_slice %dot_general3A_6 {offsets = [0, 288], sizes = [256, 32], strides = [1, 1]} : vector<256x768xf32> to vector<256x32xf32>
    %mul3A_96 = arith.mulf %slice3A_94, %get3A_34 : vector<256x32xf32>
    %mul3A_97 = arith.mulf %slice3A_95, %get3A_37 : vector<256x32xf32>
    %sub3A_98 = arith.subf %mul3A_96, %mul3A_97 : vector<256x32xf32>
    %mul3A_99 = arith.mulf %slice3A_95, %get3A_34 : vector<256x32xf32>
    %mul3A_100 = arith.mulf %slice3A_94, %get3A_37 : vector<256x32xf32>
    %add3A_101 = arith.addf %mul3A_99, %mul3A_100 : vector<256x32xf32>
    %concatenate3A_102 = tpu.concatenate %sub3A_98, %add3A_101 in 1 : vector<256x32xf32>, vector<256x32xf32> -> vector<256x64xf32>
    %swap3A_103 = arith.constant 4 : index
    %swap3A_104 = arith.constant 0 : index
    %swap3A_105 = arith.constant 0 : index
    %swap3A_106 = vector.load %arg8[%swap3A_103, %swap3A_104, %swap3A_105] : memref<12x256x64xf32, #tpu.memory_space<vmem>>, vector<1x256x64xf32>
    %swap3A_107 = vector.shape_cast %swap3A_106 : vector<1x256x64xf32> to vector<256x64xf32>
    %swap3A_108 = vector.shape_cast %concatenate3A_102 : vector<256x64xf32> to vector<1x256x64xf32>
    tpu.vector_store %arg8[%swap3A_103, %swap3A_104, %swap3A_105], %swap3A_108 {strides = array<i32>} : memref<12x256x64xf32, #tpu.memory_space<vmem>>, vector<1x256x64xf32>,
    %slice3A_109 = vector.extract_strided_slice %dot_general3A_6 {offsets = [0, 320], sizes = [256, 32], strides = [1, 1]} : vector<256x768xf32> to vector<256x32xf32>
    %slice3A_110 = vector.extract_strided_slice %dot_general3A_6 {offsets = [0, 352], sizes = [256, 32], strides = [1, 1]} : vector<256x768xf32> to vector<256x32xf32>
    %mul3A_111 = arith.mulf %slice3A_109, %get3A_34 : vector<256x32xf32>
    %mul3A_112 = arith.mulf %slice3A_110, %get3A_37 : vector<256x32xf32>
    %sub3A_113 = arith.subf %mul3A_111, %mul3A_112 : vector<256x32xf32>
    %mul3A_114 = arith.mulf %slice3A_110, %get3A_34 : vector<256x32xf32>
    %mul3A_115 = arith.mulf %slice3A_109, %get3A_37 : vector<256x32xf32>
    %add3A_116 = arith.addf %mul3A_114, %mul3A_115 : vector<256x32xf32>
    %concatenate3A_117 = tpu.concatenate %sub3A_113, %add3A_116 in 1 : vector<256x32xf32>, vector<256x32xf32> -> vector<256x64xf32>
    %swap3A_118 = arith.constant 5 : index
    %swap3A_119 = arith.constant 0 : index
    %swap3A_120 = arith.constant 0 : index
    %swap3A_121 = vector.load %arg8[%swap3A_118, %swap3A_119, %swap3A_120] : memref<12x256x64xf32, #tpu.memory_space<vmem>>, vector<1x256x64xf32>
    %swap3A_122 = vector.shape_cast %swap3A_121 : vector<1x256x64xf32> to vector<256x64xf32>
    %swap3A_123 = vector.shape_cast %concatenate3A_117 : vector<256x64xf32> to vector<1x256x64xf32>
    tpu.vector_store %arg8[%swap3A_118, %swap3A_119, %swap3A_120], %swap3A_123 {strides = array<i32>} : memref<12x256x64xf32, #tpu.memory_space<vmem>>, vector<1x256x64xf32>,
    %slice3A_124 = vector.extract_strided_slice %dot_general3A_6 {offsets = [0, 384], sizes = [256, 32], strides = [1, 1]} : vector<256x768xf32> to vector<256x32xf32>
    %slice3A_125 = vector.extract_strided_slice %dot_general3A_6 {offsets = [0, 416], sizes = [256, 32], strides = [1, 1]} : vector<256x768xf32> to vector<256x32xf32>
    %mul3A_126 = arith.mulf %slice3A_124, %get3A_34 : vector<256x32xf32>
    %mul3A_127 = arith.mulf %slice3A_125, %get3A_37 : vector<256x32xf32>
    %sub3A_128 = arith.subf %mul3A_126, %mul3A_127 : vector<256x32xf32>
    %mul3A_129 = arith.mulf %slice3A_125, %get3A_34 : vector<256x32xf32>
    %mul3A_130 = arith.mulf %slice3A_124, %get3A_37 : vector<256x32xf32>
    %add3A_131 = arith.addf %mul3A_129, %mul3A_130 : vector<256x32xf32>
    %concatenate3A_132 = tpu.concatenate %sub3A_128, %add3A_131 in 1 : vector<256x32xf32>, vector<256x32xf32> -> vector<256x64xf32>
    %swap3A_133 = arith.constant 6 : index
    %swap3A_134 = arith.constant 0 : index
    %swap3A_135 = arith.constant 0 : index
    %swap3A_136 = vector.load %arg8[%swap3A_133, %swap3A_134, %swap3A_135] : memref<12x256x64xf32, #tpu.memory_space<vmem>>, vector<1x256x64xf32>
    %swap3A_137 = vector.shape_cast %swap3A_136 : vector<1x256x64xf32> to vector<256x64xf32>
    %swap3A_138 = vector.shape_cast %concatenate3A_132 : vector<256x64xf32> to vector<1x256x64xf32>
    tpu.vector_store %arg8[%swap3A_133, %swap3A_134, %swap3A_135], %swap3A_138 {strides = array<i32>} : memref<12x256x64xf32, #tpu.memory_space<vmem>>, vector<1x256x64xf32>,
    %slice3A_139 = vector.extract_strided_slice %dot_general3A_6 {offsets = [0, 448], sizes = [256, 32], strides = [1, 1]} : vector<256x768xf32> to vector<256x32xf32>
    %slice3A_140 = vector.extract_strided_slice %dot_general3A_6 {offsets = [0, 480], sizes = [256, 32], strides = [1, 1]} : vector<256x768xf32> to vector<256x32xf32>
    %mul3A_141 = arith.mulf %slice3A_139, %get3A_34 : vector<256x32xf32>
    %mul3A_142 = arith.mulf %slice3A_140, %get3A_37 : vector<256x32xf32>
    %sub3A_143 = arith.subf %mul3A_141, %mul3A_142 : vector<256x32xf32>
    %mul3A_144 = arith.mulf %slice3A_140, %get3A_34 : vector<256x32xf32>
    %mul3A_145 = arith.mulf %slice3A_139, %get3A_37 : vector<256x32xf32>
    %add3A_146 = arith.addf %mul3A_144, %mul3A_145 : vector<256x32xf32>
    %concatenate3A_147 = tpu.concatenate %sub3A_143, %add3A_146 in 1 : vector<256x32xf32>, vector<256x32xf32> -> vector<256x64xf32>
    %swap3A_148 = arith.constant 7 : index
    %swap3A_149 = arith.constant 0 : index
    %swap3A_150 = arith.constant 0 : index
    %swap3A_151 = vector.load %arg8[%swap3A_148, %swap3A_149, %swap3A_150] : memref<12x256x64xf32, #tpu.memory_space<vmem>>, vector<1x256x64xf32>
    %swap3A_152 = vector.shape_cast %swap3A_151 : vector<1x256x64xf32> to vector<256x64xf32>
    %swap3A_153 = vector.shape_cast %concatenate3A_147 : vector<256x64xf32> to vector<1x256x64xf32>
    tpu.vector_store %arg8[%swap3A_148, %swap3A_149, %swap3A_150], %swap3A_153 {strides = array<i32>} : memref<12x256x64xf32, #tpu.memory_space<vmem>>, vector<1x256x64xf32>,
    %slice3A_154 = vector.extract_strided_slice %dot_general3A_6 {offsets = [0, 512], sizes = [256, 32], strides = [1, 1]} : vector<256x768xf32> to vector<256x32xf32>
    %slice3A_155 = vector.extract_strided_slice %dot_general3A_6 {offsets = [0, 544], sizes = [256, 32], strides = [1, 1]} : vector<256x768xf32> to vector<256x32xf32>
    %mul3A_156 = arith.mulf %slice3A_154, %get3A_34 : vector<256x32xf32>
    %mul3A_157 = arith.mulf %slice3A_155, %get3A_37 : vector<256x32xf32>
    %sub3A_158 = arith.subf %mul3A_156, %mul3A_157 : vector<256x32xf32>
    %mul3A_159 = arith.mulf %slice3A_155, %get3A_34 : vector<256x32xf32>
    %mul3A_160 = arith.mulf %slice3A_154, %get3A_37 : vector<256x32xf32>
    %add3A_161 = arith.addf %mul3A_159, %mul3A_160 : vector<256x32xf32>
    %concatenate3A_162 = tpu.concatenate %sub3A_158, %add3A_161 in 1 : vector<256x32xf32>, vector<256x32xf32> -> vector<256x64xf32>
    %swap3A_163 = arith.constant 8 : index
    %swap3A_164 = arith.constant 0 : index
    %swap3A_165 = arith.constant 0 : index
    %swap3A_166 = vector.load %arg8[%swap3A_163, %swap3A_164, %swap3A_165] : memref<12x256x64xf32, #tpu.memory_space<vmem>>, vector<1x256x64xf32>
    %swap3A_167 = vector.shape_cast %swap3A_166 : vector<1x256x64xf32> to vector<256x64xf32>
    %swap3A_168 = vector.shape_cast %concatenate3A_162 : vector<256x64xf32> to vector<1x256x64xf32>
    tpu.vector_store %arg8[%swap3A_163, %swap3A_164, %swap3A_165], %swap3A_168 {strides = array<i32>} : memref<12x256x64xf32, #tpu.memory_space<vmem>>, vector<1x256x64xf32>,
    %slice3A_169 = vector.extract_strided_slice %dot_general3A_6 {offsets = [0, 576], sizes = [256, 32], strides = [1, 1]} : vector<256x768xf32> to vector<256x32xf32>
    %slice3A_170 = vector.extract_strided_slice %dot_general3A_6 {offsets = [0, 608], sizes = [256, 32], strides = [1, 1]} : vector<256x768xf32> to vector<256x32xf32>
    %mul3A_171 = arith.mulf %slice3A_169, %get3A_34 : vector<256x32xf32>
    %mul3A_172 = arith.mulf %slice3A_170, %get3A_37 : vector<256x32xf32>
    %sub3A_173 = arith.subf %mul3A_171, %mul3A_172 : vector<256x32xf32>
    %mul3A_174 = arith.mulf %slice3A_170, %get3A_34 : vector<256x32xf32>
    %mul3A_175 = arith.mulf %slice3A_169, %get3A_37 : vector<256x32xf32>
    %add3A_176 = arith.addf %mul3A_174, %mul3A_175 : vector<256x32xf32>
    %concatenate3A_177 = tpu.concatenate %sub3A_173, %add3A_176 in 1 : vector<256x32xf32>, vector<256x32xf32> -> vector<256x64xf32>
    %swap3A_178 = arith.constant 9 : index
    %swap3A_179 = arith.constant 0 : index
    %swap3A_180 = arith.constant 0 : index
    %swap3A_181 = vector.load %arg8[%swap3A_178, %swap3A_179, %swap3A_180] : memref<12x256x64xf32, #tpu.memory_space<vmem>>, vector<1x256x64xf32>
    %swap3A_182 = vector.shape_cast %swap3A_181 : vector<1x256x64xf32> to vector<256x64xf32>
    %swap3A_183 = vector.shape_cast %concatenate3A_177 : vector<256x64xf32> to vector<1x256x64xf32>
    tpu.vector_store %arg8[%swap3A_178, %swap3A_179, %swap3A_180], %swap3A_183 {strides = array<i32>} : memref<12x256x64xf32, #tpu.memory_space<vmem>>, vector<1x256x64xf32>,
    %slice3A_184 = vector.extract_strided_slice %dot_general3A_6 {offsets = [0, 640], sizes = [256, 32], strides = [1, 1]} : vector<256x768xf32> to vector<256x32xf32>
    %slice3A_185 = vector.extract_strided_slice %dot_general3A_6 {offsets = [0, 672], sizes = [256, 32], strides = [1, 1]} : vector<256x768xf32> to vector<256x32xf32>
    %mul3A_186 = arith.mulf %slice3A_184, %get3A_34 : vector<256x32xf32>
    %mul3A_187 = arith.mulf %slice3A_185, %get3A_37 : vector<256x32xf32>
    %sub3A_188 = arith.subf %mul3A_186, %mul3A_187 : vector<256x32xf32>
    %mul3A_189 = arith.mulf %slice3A_185, %get3A_34 : vector<256x32xf32>
    %mul3A_190 = arith.mulf %slice3A_184, %get3A_37 : vector<256x32xf32>
    %add3A_191 = arith.addf %mul3A_189, %mul3A_190 : vector<256x32xf32>
    %concatenate3A_192 = tpu.concatenate %sub3A_188, %add3A_191 in 1 : vector<256x32xf32>, vector<256x32xf32> -> vector<256x64xf32>
    %swap3A_193 = arith.constant 10 : index
    %swap3A_194 = arith.constant 0 : index
    %swap3A_195 = arith.constant 0 : index
    %swap3A_196 = vector.load %arg8[%swap3A_193, %swap3A_194, %swap3A_195] : memref<12x256x64xf32, #tpu.memory_space<vmem>>, vector<1x256x64xf32>
    %swap3A_197 = vector.shape_cast %swap3A_196 : vector<1x256x64xf32> to vector<256x64xf32>
    %swap3A_198 = vector.shape_cast %concatenate3A_192 : vector<256x64xf32> to vector<1x256x64xf32>
    tpu.vector_store %arg8[%swap3A_193, %swap3A_194, %swap3A_195], %swap3A_198 {strides = array<i32>} : memref<12x256x64xf32, #tpu.memory_space<vmem>>, vector<1x256x64xf32>,
    %slice3A_199 = vector.extract_strided_slice %dot_general3A_6 {offsets = [0, 704], sizes = [256, 32], strides = [1, 1]} : vector<256x768xf32> to vector<256x32xf32>
    %slice3A_200 = vector.extract_strided_slice %dot_general3A_6 {offsets = [0, 736], sizes = [256, 32], strides = [1, 1]} : vector<256x768xf32> to vector<256x32xf32>
    %mul3A_201 = arith.mulf %slice3A_199, %get3A_34 : vector<256x32xf32>
    %mul3A_202 = arith.mulf %slice3A_200, %get3A_37 : vector<256x32xf32>
    %sub3A_203 = arith.subf %mul3A_201, %mul3A_202 : vector<256x32xf32>
    %mul3A_204 = arith.mulf %slice3A_200, %get3A_34 : vector<256x32xf32>
    %mul3A_205 = arith.mulf %slice3A_199, %get3A_37 : vector<256x32xf32>
    %add3A_206 = arith.addf %mul3A_204, %mul3A_205 : vector<256x32xf32>
    %concatenate3A_207 = tpu.concatenate %sub3A_203, %add3A_206 in 1 : vector<256x32xf32>, vector<256x32xf32> -> vector<256x64xf32>
    %swap3A_208 = arith.constant 11 : index
    %swap3A_209 = arith.constant 0 : index
    %swap3A_210 = arith.constant 0 : index
    %swap3A_211 = vector.load %arg8[%swap3A_208, %swap3A_209, %swap3A_210] : memref<12x256x64xf32, #tpu.memory_space<vmem>>, vector<1x256x64xf32>
    %swap3A_212 = vector.shape_cast %swap3A_211 : vector<1x256x64xf32> to vector<256x64xf32>
    %swap3A_213 = vector.shape_cast %concatenate3A_207 : vector<256x64xf32> to vector<1x256x64xf32>
    tpu.vector_store %arg8[%swap3A_208, %swap3A_209, %swap3A_210], %swap3A_213 {strides = array<i32>} : memref<12x256x64xf32, #tpu.memory_space<vmem>>, vector<1x256x64xf32>,
    %iota3A = tpu.iota {dimensions = array<i32: 0>} : vector<256x32xi32>
    %add3A_214 = vector.broadcast %mul3A_2 : i32 to vector<256x32xi32>
    %add3A_215 = arith.addi %add3A_214, %iota3A : vector<256x32xi32>
    %iota3A_216 = tpu.iota {dimensions = array<i32: 1>} : vector<256x32xi32>
    %jit3A = arith.constant 64 : i32
    %div3A = vector.broadcast %jit3A : i32 to vector<256x32xi32>
    %div3A_217 = arith.divsi %add3A_215, %div3A : vector<256x32xi32>
    %sign3A = arith.constant 0 : i32
    %sign3A_218 = vector.broadcast %sign3A : i32 to vector<256x32xi32>
    %sign3A_219 = arith.cmpi sgt, %add3A_215, %sign3A_218 : vector<256x32xi32>
    %sign3A_220 = arith.extui %sign3A_219 : vector<256x32xi1> to vector<256x32xi32>
    %sign3A_221 = arith.constant 0 : i32
    %sign3A_222 = vector.broadcast %sign3A_221 : i32 to vector<256x32xi32>
    %sign3A_223 = arith.cmpi slt, %add3A_215, %sign3A_222 : vector<256x32xi32>
    %sign3A_224 = arith.extui %sign3A_223 : vector<256x32xi1> to vector<256x32xi32>
    %sign3A_225 = arith.subi %sign3A_220, %sign3A_224 : vector<256x32xi32>
    %sign3A_226 = arith.constant 0 : i32
    %sign3A_227 = arith.cmpi sgt, %jit3A, %sign3A_226 : i32
    %sign3A_228 = arith.extui %sign3A_227 : i1 to i32
    %sign3A_229 = arith.constant 0 : i32
    %sign3A_230 = arith.cmpi slt, %jit3A, %sign3A_229 : i32
    %sign3A_231 = arith.extui %sign3A_230 : i1 to i32
    %sign3A_232 = arith.subi %sign3A_228, %sign3A_231 : i32
    %ne3A = vector.broadcast %sign3A_232 : i32 to vector<256x32xi32>
    %ne3A_233 = arith.cmpi ne, %sign3A_225, %ne3A : vector<256x32xi32>
    %rem3A = vector.broadcast %jit3A : i32 to vector<256x32xi32>
    %rem3A_234 = arith.remsi %add3A_215, %rem3A : vector<256x32xi32>
    %ne3A_235 = arith.constant 0 : i32
    %ne3A_236 = vector.broadcast %ne3A_235 : i32 to vector<256x32xi32>
    %ne3A_237 = arith.cmpi ne, %rem3A_234, %ne3A_236 : vector<256x32xi32>
    %and3A = arith.andi %ne3A_233, %ne3A_237 : vector<256x32xi1>
    %sub3A_238 = arith.constant 1 : i32
    %sub3A_239 = vector.broadcast %sub3A_238 : i32 to vector<256x32xi32>
    %sub3A_240 = arith.subi %div3A_217, %sub3A_239 : vector<256x32xi32>
    %select_n3A = arith.select %and3A, %sub3A_240, %div3A_217 : vector<256x32xi1>, vector<256x32xi32>
    %eq3A = arith.cmpi eq, %select_n3A, %iota3A_216 : vector<256x32xi32>
    %convert_element_type3A = arith.extui %eq3A : vector<256x32xi1> to vector<256x32xi32>
    %convert_element_type3A_241 = arith.sitofp %convert_element_type3A : vector<256x32xi32> to vector<256x32xf32>
    %slice3A_242 = vector.extract_strided_slice %dot_general3A_11 {offsets = [0, 0], sizes = [256, 32], strides = [1, 1]} : vector<256x128xf32> to vector<256x32xf32>
    %slice3A_243 = vector.extract_strided_slice %dot_general3A_11 {offsets = [0, 32], sizes = [256, 32], strides = [1, 1]} : vector<256x128xf32> to vector<256x32xf32>
    %mul3A_244 = arith.mulf %slice3A_242, %get3A_34 : vector<256x32xf32>
    %mul3A_245 = arith.mulf %slice3A_243, %get3A_37 : vector<256x32xf32>
    %sub3A_246 = arith.subf %mul3A_244, %mul3A_245 : vector<256x32xf32>
    %mul3A_247 = arith.mulf %slice3A_243, %get3A_34 : vector<256x32xf32>
    %mul3A_248 = arith.mulf %slice3A_242, %get3A_37 : vector<256x32xf32>
    %add3A_249 = arith.addf %mul3A_247, %mul3A_248 : vector<256x32xf32>
    %slice3A_250 = vector.extract_strided_slice %dot_general3A_11 {offsets = [0, 64], sizes = [256, 32], strides = [1, 1]} : vector<256x128xf32> to vector<256x32xf32>
    %slice3A_251 = vector.extract_strided_slice %dot_general3A_11 {offsets = [0, 96], sizes = [256, 32], strides = [1, 1]} : vector<256x128xf32> to vector<256x32xf32>
    %mul3A_252 = arith.mulf %slice3A_250, %get3A_34 : vector<256x32xf32>
    %mul3A_253 = arith.mulf %slice3A_251, %get3A_37 : vector<256x32xf32>
    %sub3A_254 = arith.subf %mul3A_252, %mul3A_253 : vector<256x32xf32>
    %mul3A_255 = arith.mulf %slice3A_251, %get3A_34 : vector<256x32xf32>
    %mul3A_256 = arith.mulf %slice3A_250, %get3A_37 : vector<256x32xf32>
    %add3A_257 = arith.addf %mul3A_255, %mul3A_256 : vector<256x32xf32>
    %concatenate3A_258 = tpu.concatenate %sub3A_246, %add3A_249, %convert_element_type3A_241, %sub3A_254, %add3A_257, %convert_element_type3A_241 in 1 : vector<256x32xf32>, vector<256x32xf32>, vector<256x32xf32>, vector<256x32xf32>, vector<256x32xf32>, vector<256x32xf32> -> vector<256x192xf32>
    %swap3A_259 = arith.constant 0 : index
    %swap3A_260 = arith.constant 0 : index
    %swap3A_261 = vector.load %arg9[%swap3A_259, %swap3A_260] : memref<256x192xf32, #tpu.memory_space<vmem>>, vector<256x192xf32>
    tpu.vector_store %arg9[%swap3A_259, %swap3A_260], %concatenate3A_258 {strides = array<i32>} : memref<256x192xf32, #tpu.memory_space<vmem>>, vector<256x192xf32>,
    return
  }
  func.func @transform_0(%arg0: i32) -> (i32, i32) {
    %c0_i32 = arith.constant 0 : i32
    %c0_i32_0 = arith.constant 0 : i32
    return %arg0, %c0_i32 : i32, i32
  }
  func.func @transform_1(%arg0: i32) -> (i32, i32) {
    %c0_i32 = arith.constant 0 : i32
    %c0_i32_0 = arith.constant 0 : i32
    %c0_i32_1 = arith.constant 0 : i32
    return %c0_i32, %c0_i32_0 : i32, i32
  }
  func.func @transform_2(%arg0: i32) -> (i32, i32) {
    %c0_i32 = arith.constant 0 : i32
    %c0_i32_0 = arith.constant 0 : i32
    %c0_i32_1 = arith.constant 0 : i32
    return %c0_i32, %c0_i32_0 : i32, i32
  }
  func.func @transform_3(%arg0: i32) -> (i32, i32) {
    %c0_i32 = arith.constant 0 : i32
    %c0_i32_0 = arith.constant 0 : i32
    %c0_i32_1 = arith.constant 0 : i32
    return %c0_i32, %c0_i32_0 : i32, i32
  }
  func.func @transform_4(%arg0: i32) -> (i32, i32) {
    %c0_i32 = arith.constant 0 : i32
    %c0_i32_0 = arith.constant 0 : i32
    %c0_i32_1 = arith.constant 0 : i32
    return %c0_i32, %c0_i32_0 : i32, i32
  }
  func.func @transform_5(%arg0: i32) -> (i32, i32) {
    %c0_i32 = arith.constant 0 : i32
    %c0_i32_0 = arith.constant 0 : i32
    return %arg0, %c0_i32 : i32, i32
  }
  func.func @transform_6(%arg0: i32) -> (i32, i32) {
    %c0_i32 = arith.constant 0 : i32
    %c0_i32_0 = arith.constant 0 : i32
    return %arg0, %c0_i32 : i32, i32
  }
  func.func @transform_7(%arg0: i32) -> (i32, i32, i32) {
    %c0_i32 = arith.constant 0 : i32
    %c0_i32_0 = arith.constant 0 : i32
    %c0_i32_1 = arith.constant 0 : i32
    return %c0_i32, %arg0, %c0_i32_0 : i32, i32, i32
  }
  func.func @transform_8(%arg0: i32) -> (i32, i32) {
    %c0_i32 = arith.constant 0 : i32
    %c0_i32_0 = arith.constant 0 : i32
    return %arg0, %c0_i32 : i32, i32
  }
  func.func @transform_9(%arg0: i32) -> (i32, i32) {
    %c0_i32 = arith.constant 0 : i32
    %c0_i32_0 = arith.constant 0 : i32
    return %arg0, %c0_i32 : i32, i32
  }
  func.func @transform_10(%arg0: i32) -> (i32, i32) {
    %c0_i32 = arith.constant 0 : i32
    %c0_i32_0 = arith.constant 0 : i32
    return %arg0, %c0_i32 : i32, i32
  }
}

module attributes {stable_mosaic.version = 14 : i64} {
  func.func @_score_kernel(%arg0: i32, %arg1: memref<12x256x64xf32, #tpu.memory_space<vmem>>, %arg2: memref<2x128x1024xf32, #tpu.memory_space<vmem>>, %arg3: memref<2x128x1024xf32, #tpu.memory_space<vmem>>, %arg4: memref<2x2048x64xf32, #tpu.memory_space<vmem>>, %arg5: memref<2x2048x64xf32, #tpu.memory_space<vmem>>, %arg6: memref<2x6x256x64xf32, #tpu.memory_space<vmem>>, %arg7: memref<2x16x32x16xf32, #tpu.memory_space<vmem>>) attributes {dimension_semantics = [#tpu.dimension_semantics<parallel>], iteration_bounds = array<i64: 8>, scalar_prefetch = 0 : i64, scratch_operands = 0 : i64, tpu.core_type = #tpu.core_type<tc>, window_params = [{transform_indices = @transform_0, window_bounds = array<i64: 12, 256, 64>}, {pipeline_mode = #tpu.pipeline_mode<synchronous>, transform_indices = @transform_1, window_bounds = array<i64: 2, 128, 1024>}, {pipeline_mode = #tpu.pipeline_mode<synchronous>, transform_indices = @transform_2, window_bounds = array<i64: 2, 128, 1024>}, {pipeline_mode = #tpu.pipeline_mode<synchronous>, transform_indices = @transform_3, window_bounds = array<i64: 2, 2048, 64>}, {pipeline_mode = #tpu.pipeline_mode<synchronous>, transform_indices = @transform_4, window_bounds = array<i64: 2, 2048, 64>}, {transform_indices = @transform_5, window_bounds = array<i64: 2, 6, 256, 64>}, {transform_indices = @transform_6, window_bounds = array<i64: 2, 16, 32, 16>}]} {
    %mul3A = arith.constant 256 : i32
    %mul3A_0 = arith.muli %arg0, %mul3A : i32
    %iota3A = tpu.iota {dimensions = array<i32: 0>} : vector<256x1xi32>
    %add3A = vector.broadcast %mul3A_0 : i32 to vector<256x1xi32>
    %add3A_1 = arith.addi %add3A, %iota3A : vector<256x1xi32>
    %iota3A_2 = tpu.iota {dimensions = array<i32: 1>} : vector<256x128xi32>
    %mul3A_3 = arith.constant 16 : i32
    %mul3A_4 = vector.broadcast %mul3A_3 : i32 to vector<256x128xi32>
    %mul3A_5 = arith.muli %mul3A_4, %iota3A_2 : vector<256x128xi32>
    %add3A_6 = arith.constant 32 : i32
    %add3A_7 = vector.broadcast %add3A_6 : i32 to vector<256x128xi32>
    %add3A_8 = arith.addi %mul3A_5, %add3A_7 : vector<256x128xi32>
    %sub3A = arith.constant 1 : i32
    %sub3A_9 = vector.broadcast %sub3A : i32 to vector<256x128xi32>
    %sub3A_10 = arith.subi %add3A_8, %sub3A_9 : vector<256x128xi32>
    %ge3A = vector.broadcast %add3A_1 : vector<256x1xi32> to vector<256x128xi32>
    %ge3A_11 = arith.cmpi sge, %ge3A, %sub3A_10 : vector<256x128xi32>
    %lt3A = arith.constant 127 : i32
    %lt3A_12 = vector.broadcast %lt3A : i32 to vector<256x128xi32>
    %lt3A_13 = arith.cmpi slt, %iota3A_2, %lt3A_12 : vector<256x128xi32>
    %and3A = arith.andi %ge3A_11, %lt3A_13 : vector<256x128xi1>
    %concatenate3A = tpu.concatenate %and3A, %and3A, %and3A, %and3A, %and3A, %and3A in 0 : vector<256x128xi1>, vector<256x128xi1>, vector<256x128xi1>, vector<256x128xi1>, vector<256x128xi1>, vector<256x128xi1> -> vector<1536x128xi1>
    %iota3A_14 = tpu.iota {dimensions = array<i32: 0>} : vector<128x32xi32>
    %iota3A_15 = tpu.iota {dimensions = array<i32: 1>} : vector<128x32xi32>
    %jit3A = arith.constant 4 : i32
    %div3A = vector.broadcast %jit3A : i32 to vector<128x32xi32>
    %div3A_16 = arith.divsi %iota3A_14, %div3A : vector<128x32xi32>
    %sign3A = arith.constant 0 : i32
    %sign3A_17 = vector.broadcast %sign3A : i32 to vector<128x32xi32>
    %sign3A_18 = arith.cmpi sgt, %iota3A_14, %sign3A_17 : vector<128x32xi32>
    %sign3A_19 = arith.extui %sign3A_18 : vector<128x32xi1> to vector<128x32xi32>
    %sign3A_20 = arith.constant 0 : i32
    %sign3A_21 = vector.broadcast %sign3A_20 : i32 to vector<128x32xi32>
    %sign3A_22 = arith.cmpi slt, %iota3A_14, %sign3A_21 : vector<128x32xi32>
    %sign3A_23 = arith.extui %sign3A_22 : vector<128x32xi1> to vector<128x32xi32>
    %sign3A_24 = arith.subi %sign3A_19, %sign3A_23 : vector<128x32xi32>
    %sign3A_25 = arith.constant 0 : i32
    %sign3A_26 = arith.cmpi sgt, %jit3A, %sign3A_25 : i32
    %sign3A_27 = arith.extui %sign3A_26 : i1 to i32
    %sign3A_28 = arith.constant 0 : i32
    %sign3A_29 = arith.cmpi slt, %jit3A, %sign3A_28 : i32
    %sign3A_30 = arith.extui %sign3A_29 : i1 to i32
    %sign3A_31 = arith.subi %sign3A_27, %sign3A_30 : i32
    %ne3A = vector.broadcast %sign3A_31 : i32 to vector<128x32xi32>
    %ne3A_32 = arith.cmpi ne, %sign3A_24, %ne3A : vector<128x32xi32>
    %rem3A = vector.broadcast %jit3A : i32 to vector<128x32xi32>
    %rem3A_33 = arith.remsi %iota3A_14, %rem3A : vector<128x32xi32>
    %ne3A_34 = arith.constant 0 : i32
    %ne3A_35 = vector.broadcast %ne3A_34 : i32 to vector<128x32xi32>
    %ne3A_36 = arith.cmpi ne, %rem3A_33, %ne3A_35 : vector<128x32xi32>
    %and3A_37 = arith.andi %ne3A_32, %ne3A_36 : vector<128x32xi1>
    %sub3A_38 = arith.constant 1 : i32
    %sub3A_39 = vector.broadcast %sub3A_38 : i32 to vector<128x32xi32>
    %sub3A_40 = arith.subi %div3A_16, %sub3A_39 : vector<128x32xi32>
    %select_n3A = arith.select %and3A_37, %sub3A_40, %div3A_16 : vector<128x32xi1>, vector<128x32xi32>
    %eq3A = arith.cmpi eq, %select_n3A, %iota3A_15 : vector<128x32xi32>
    %convert_element_type3A = arith.extui %eq3A : vector<128x32xi1> to vector<128x32xi32>
    %convert_element_type3A_41 = arith.sitofp %convert_element_type3A : vector<128x32xi32> to vector<128x32xf32>
    %broadcast_in_dim3A = arith.constant 0.000000e+00 : f32
    %broadcast_in_dim3A_42 = vector.broadcast %broadcast_in_dim3A : f32 to vector<1x1024xf32>
    %get3A = arith.constant 0 : index
    %get3A_43 = arith.constant 0 : index
    %get3A_44 = arith.constant 0 : index
    %get3A_45 = vector.load %arg2[%get3A, %get3A_43, %get3A_44] : memref<2x128x1024xf32, #tpu.memory_space<vmem>>, vector<1x128x1024xf32>
    %get3A_46 = vector.shape_cast %get3A_45 : vector<1x128x1024xf32> to vector<128x1024xf32>
    %get3A_47 = arith.constant 0 : index
    %get3A_48 = arith.constant 0 : index
    %get3A_49 = arith.constant 0 : index
    %get3A_50 = vector.load %arg3[%get3A_47, %get3A_48, %get3A_49] : memref<2x128x1024xf32, #tpu.memory_space<vmem>>, vector<1x128x1024xf32>
    %get3A_51 = vector.shape_cast %get3A_50 : vector<1x128x1024xf32> to vector<128x1024xf32>
    %slice3A = vector.extract_strided_slice %get3A_46 {offsets = [1, 0], sizes = [127, 1024], strides = [1, 1]} : vector<128x1024xf32> to vector<127x1024xf32>
    %concatenate3A_52 = tpu.concatenate %slice3A, %broadcast_in_dim3A_42 in 0 : vector<127x1024xf32>, vector<1x1024xf32> -> vector<128x1024xf32>
    %slice3A_53 = vector.extract_strided_slice %get3A_51 {offsets = [1, 0], sizes = [127, 1024], strides = [1, 1]} : vector<128x1024xf32> to vector<127x1024xf32>
    %concatenate3A_54 = tpu.concatenate %slice3A_53, %broadcast_in_dim3A_42 in 0 : vector<127x1024xf32>, vector<1x1024xf32> -> vector<128x1024xf32>
    %get3A_55 = arith.constant 0 : index
    %get3A_56 = arith.constant 0 : index
    %get3A_57 = arith.constant 0 : index
    %get3A_58 = vector.load %arg4[%get3A_55, %get3A_56, %get3A_57] : memref<2x2048x64xf32, #tpu.memory_space<vmem>>, vector<1x1024x64xf32>
    %get3A_59 = vector.shape_cast %get3A_58 : vector<1x1024x64xf32> to vector<1024x64xf32>
    %dot_general3A = arith.constant dense<0.000000e+00> : vector<128x64xf32>
    %dot_general3A_60 = tpu.matmul %get3A_46, %get3A_59, %dot_general3A {dimension_numbers = #tpu.dot_dimension_numbers<[1], [0], [0], [1], [0, 0, 1, 1], [], []>, transpose_lhs_hint = false} : vector<128x1024xf32>, vector<1024x64xf32>, vector<128x64xf32> -> vector<128x64xf32>
    %get3A_61 = arith.constant 0 : index
    %get3A_62 = arith.constant 1024 : index
    %get3A_63 = arith.constant 0 : index
    %get3A_64 = vector.load %arg4[%get3A_61, %get3A_62, %get3A_63] : memref<2x2048x64xf32, #tpu.memory_space<vmem>>, vector<1x1024x64xf32>
    %get3A_65 = vector.shape_cast %get3A_64 : vector<1x1024x64xf32> to vector<1024x64xf32>
    %dot_general3A_66 = arith.constant dense<0.000000e+00> : vector<128x64xf32>
    %dot_general3A_67 = tpu.matmul %concatenate3A_52, %get3A_65, %dot_general3A_66 {dimension_numbers = #tpu.dot_dimension_numbers<[1], [0], [0], [1], [0, 0, 1, 1], [], []>, transpose_lhs_hint = false} : vector<128x1024xf32>, vector<1024x64xf32>, vector<128x64xf32> -> vector<128x64xf32>
    %add3A_68 = arith.addf %dot_general3A_60, %dot_general3A_67 : vector<128x64xf32>
    %get3A_69 = arith.constant 0 : index
    %get3A_70 = arith.constant 0 : index
    %get3A_71 = arith.constant 0 : index
    %get3A_72 = vector.load %arg5[%get3A_69, %get3A_70, %get3A_71] : memref<2x2048x64xf32, #tpu.memory_space<vmem>>, vector<1x1024x64xf32>
    %get3A_73 = vector.shape_cast %get3A_72 : vector<1x1024x64xf32> to vector<1024x64xf32>
    %dot_general3A_74 = arith.constant dense<0.000000e+00> : vector<128x64xf32>
    %dot_general3A_75 = tpu.matmul %get3A_51, %get3A_73, %dot_general3A_74 {dimension_numbers = #tpu.dot_dimension_numbers<[1], [0], [0], [1], [0, 0, 1, 1], [], []>, transpose_lhs_hint = false} : vector<128x1024xf32>, vector<1024x64xf32>, vector<128x64xf32> -> vector<128x64xf32>
    %get3A_76 = arith.constant 0 : index
    %get3A_77 = arith.constant 1024 : index
    %get3A_78 = arith.constant 0 : index
    %get3A_79 = vector.load %arg5[%get3A_76, %get3A_77, %get3A_78] : memref<2x2048x64xf32, #tpu.memory_space<vmem>>, vector<1x1024x64xf32>
    %get3A_80 = vector.shape_cast %get3A_79 : vector<1x1024x64xf32> to vector<1024x64xf32>
    %dot_general3A_81 = arith.constant dense<0.000000e+00> : vector<128x64xf32>
    %dot_general3A_82 = tpu.matmul %concatenate3A_54, %get3A_80, %dot_general3A_81 {dimension_numbers = #tpu.dot_dimension_numbers<[1], [0], [0], [1], [0, 0, 1, 1], [], []>, transpose_lhs_hint = false} : vector<128x1024xf32>, vector<1024x64xf32>, vector<128x64xf32> -> vector<128x64xf32>
    %add3A_83 = arith.addf %dot_general3A_75, %dot_general3A_82 : vector<128x64xf32>
    %get3A_84 = arith.constant 0 : index
    %get3A_85 = arith.constant 0 : index
    %get3A_86 = arith.constant 0 : index
    %get3A_87 = vector.load %arg1[%get3A_84, %get3A_85, %get3A_86] : memref<12x256x64xf32, #tpu.memory_space<vmem>>, vector<6x256x64xf32>
    %reshape3A = vector.shape_cast %get3A_87 : vector<6x256x64xf32> to vector<1536x64xf32>
    %dot_general3A_88 = arith.constant dense<0.000000e+00> : vector<1536x128xf32>
    %dot_general3A_89 = tpu.matmul %reshape3A, %add3A_68, %dot_general3A_88 {dimension_numbers = #tpu.dot_dimension_numbers<[1], [1], [0], [0], [0, 0, 1, 0], [], []>, transpose_lhs_hint = false} : vector<1536x64xf32>, vector<128x64xf32>, vector<1536x128xf32> -> vector<1536x128xf32>
    %jit3A_90 = arith.constant -1.000000e+30 : f32
    %broadcast_in_dim3A_91 = vector.broadcast %jit3A_90 : f32 to vector<1536x128xf32>
    %select_n3A_92 = arith.select %concatenate3A, %dot_general3A_89, %broadcast_in_dim3A_91 : vector<1536x128xi1>, vector<1536x128xf32>
    %exp3A = math.exp %select_n3A_92 : vector<1536x128xf32>
    %reduce_sum3A = arith.constant dense<0.000000e+00> : vector<1536xf32>
    %reduce_sum3A_93 = vector.multi_reduction <add>, %exp3A, %reduce_sum3A [1] : vector<1536x128xf32> to vector<1536xf32>
    %broadcast_in_dim3A_94 = vector.shape_cast %reduce_sum3A_93 : vector<1536xf32> to vector<1536x1xf32>
    %max3A = arith.constant 1.000000e-30 : f32
    %max3A_95 = vector.broadcast %max3A : f32 to vector<1536x1xf32>
    %max3A_96 = arith.maximumf %broadcast_in_dim3A_94, %max3A_95 : vector<1536x1xf32>
    %div3A_97 = vector.broadcast %max3A_96 : vector<1536x1xf32> to vector<1536x128xf32>
    %div3A_98 = arith.divf %exp3A, %div3A_97 : vector<1536x128xf32>
    %dot_general3A_99 = arith.constant dense<0.000000e+00> : vector<1536x64xf32>
    %dot_general3A_100 = tpu.matmul %div3A_98, %add3A_83, %dot_general3A_99 {dimension_numbers = #tpu.dot_dimension_numbers<[1], [0], [0], [1], [0, 0, 1, 1], [], []>, transpose_lhs_hint = false} : vector<1536x128xf32>, vector<128x64xf32>, vector<1536x64xf32> -> vector<1536x64xf32>
    %reshape3A_101 = vector.shape_cast %dot_general3A_100 : vector<1536x64xf32> to vector<6x256x64xf32>
    %swap3A = arith.constant 0 : index
    %swap3A_102 = arith.constant 0 : index
    %swap3A_103 = arith.constant 0 : index
    %swap3A_104 = arith.constant 0 : index
    %swap3A_105 = vector.load %arg6[%swap3A, %swap3A_102, %swap3A_103, %swap3A_104] : memref<2x6x256x64xf32, #tpu.memory_space<vmem>>, vector<1x6x256x64xf32>
    %swap3A_106 = vector.shape_cast %swap3A_105 : vector<1x6x256x64xf32> to vector<6x256x64xf32>
    %swap3A_107 = vector.shape_cast %reshape3A_101 : vector<6x256x64xf32> to vector<1x6x256x64xf32>
    tpu.vector_store %arg6[%swap3A, %swap3A_102, %swap3A_103, %swap3A_104], %swap3A_107 {strides = array<i32>} : memref<2x6x256x64xf32, #tpu.memory_space<vmem>>, vector<1x6x256x64xf32>,
    %reshape3A_108 = vector.shape_cast %div3A_98 : vector<1536x128xf32> to vector<6x256x128xf32>
    %reduce_sum3A_109 = arith.constant dense<0.000000e+00> : vector<256x128xf32>
    %reduce_sum3A_110 = vector.multi_reduction <add>, %reshape3A_108, %reduce_sum3A_109 [0] : vector<6x256x128xf32> to vector<256x128xf32>
    %dot_general3A_111 = arith.constant dense<0.000000e+00> : vector<256x32xf32>
    %dot_general3A_112 = tpu.matmul %reduce_sum3A_110, %convert_element_type3A_41, %dot_general3A_111 {dimension_numbers = #tpu.dot_dimension_numbers<[1], [0], [0], [1], [0, 0, 1, 1], [], []>, transpose_lhs_hint = false} : vector<256x128xf32>, vector<128x32xf32>, vector<256x32xf32> -> vector<256x32xf32>
    %reshape3A_113 = vector.shape_cast %dot_general3A_112 : vector<256x32xf32> to vector<16x16x32xf32>
    %transpose3A = tpu.transpose %reshape3A_113, [0, 2, 1] : vector<16x16x32xf32> -> vector<16x32x16xf32>
    %swap3A_114 = arith.constant 0 : index
    %swap3A_115 = arith.constant 0 : index
    %swap3A_116 = arith.constant 0 : index
    %swap3A_117 = arith.constant 0 : index
    %swap3A_118 = vector.load %arg7[%swap3A_114, %swap3A_115, %swap3A_116, %swap3A_117] : memref<2x16x32x16xf32, #tpu.memory_space<vmem>>, vector<1x16x32x16xf32>
    %swap3A_119 = vector.shape_cast %swap3A_118 : vector<1x16x32x16xf32> to vector<16x32x16xf32>
    %swap3A_120 = vector.shape_cast %transpose3A : vector<16x32x16xf32> to vector<1x16x32x16xf32>
    tpu.vector_store %arg7[%swap3A_114, %swap3A_115, %swap3A_116, %swap3A_117], %swap3A_120 {strides = array<i32>} : memref<2x16x32x16xf32, #tpu.memory_space<vmem>>, vector<1x16x32x16xf32>,
    %get3A_121 = arith.constant 1 : index
    %get3A_122 = arith.constant 0 : index
    %get3A_123 = arith.constant 0 : index
    %get3A_124 = vector.load %arg2[%get3A_121, %get3A_122, %get3A_123] : memref<2x128x1024xf32, #tpu.memory_space<vmem>>, vector<1x128x1024xf32>
    %get3A_125 = vector.shape_cast %get3A_124 : vector<1x128x1024xf32> to vector<128x1024xf32>
    %get3A_126 = arith.constant 1 : index
    %get3A_127 = arith.constant 0 : index
    %get3A_128 = arith.constant 0 : index
    %get3A_129 = vector.load %arg3[%get3A_126, %get3A_127, %get3A_128] : memref<2x128x1024xf32, #tpu.memory_space<vmem>>, vector<1x128x1024xf32>
    %get3A_130 = vector.shape_cast %get3A_129 : vector<1x128x1024xf32> to vector<128x1024xf32>
    %slice3A_131 = vector.extract_strided_slice %get3A_125 {offsets = [1, 0], sizes = [127, 1024], strides = [1, 1]} : vector<128x1024xf32> to vector<127x1024xf32>
    %concatenate3A_132 = tpu.concatenate %slice3A_131, %broadcast_in_dim3A_42 in 0 : vector<127x1024xf32>, vector<1x1024xf32> -> vector<128x1024xf32>
    %slice3A_133 = vector.extract_strided_slice %get3A_130 {offsets = [1, 0], sizes = [127, 1024], strides = [1, 1]} : vector<128x1024xf32> to vector<127x1024xf32>
    %concatenate3A_134 = tpu.concatenate %slice3A_133, %broadcast_in_dim3A_42 in 0 : vector<127x1024xf32>, vector<1x1024xf32> -> vector<128x1024xf32>
    %get3A_135 = arith.constant 1 : index
    %get3A_136 = arith.constant 0 : index
    %get3A_137 = arith.constant 0 : index
    %get3A_138 = vector.load %arg4[%get3A_135, %get3A_136, %get3A_137] : memref<2x2048x64xf32, #tpu.memory_space<vmem>>, vector<1x1024x64xf32>
    %get3A_139 = vector.shape_cast %get3A_138 : vector<1x1024x64xf32> to vector<1024x64xf32>
    %dot_general3A_140 = arith.constant dense<0.000000e+00> : vector<128x64xf32>
    %dot_general3A_141 = tpu.matmul %get3A_125, %get3A_139, %dot_general3A_140 {dimension_numbers = #tpu.dot_dimension_numbers<[1], [0], [0], [1], [0, 0, 1, 1], [], []>, transpose_lhs_hint = false} : vector<128x1024xf32>, vector<1024x64xf32>, vector<128x64xf32> -> vector<128x64xf32>
    %get3A_142 = arith.constant 1 : index
    %get3A_143 = arith.constant 1024 : index
    %get3A_144 = arith.constant 0 : index
    %get3A_145 = vector.load %arg4[%get3A_142, %get3A_143, %get3A_144] : memref<2x2048x64xf32, #tpu.memory_space<vmem>>, vector<1x1024x64xf32>
    %get3A_146 = vector.shape_cast %get3A_145 : vector<1x1024x64xf32> to vector<1024x64xf32>
    %dot_general3A_147 = arith.constant dense<0.000000e+00> : vector<128x64xf32>
    %dot_general3A_148 = tpu.matmul %concatenate3A_132, %get3A_146, %dot_general3A_147 {dimension_numbers = #tpu.dot_dimension_numbers<[1], [0], [0], [1], [0, 0, 1, 1], [], []>, transpose_lhs_hint = false} : vector<128x1024xf32>, vector<1024x64xf32>, vector<128x64xf32> -> vector<128x64xf32>
    %add3A_149 = arith.addf %dot_general3A_141, %dot_general3A_148 : vector<128x64xf32>
    %get3A_150 = arith.constant 1 : index
    %get3A_151 = arith.constant 0 : index
    %get3A_152 = arith.constant 0 : index
    %get3A_153 = vector.load %arg5[%get3A_150, %get3A_151, %get3A_152] : memref<2x2048x64xf32, #tpu.memory_space<vmem>>, vector<1x1024x64xf32>
    %get3A_154 = vector.shape_cast %get3A_153 : vector<1x1024x64xf32> to vector<1024x64xf32>
    %dot_general3A_155 = arith.constant dense<0.000000e+00> : vector<128x64xf32>
    %dot_general3A_156 = tpu.matmul %get3A_130, %get3A_154, %dot_general3A_155 {dimension_numbers = #tpu.dot_dimension_numbers<[1], [0], [0], [1], [0, 0, 1, 1], [], []>, transpose_lhs_hint = false} : vector<128x1024xf32>, vector<1024x64xf32>, vector<128x64xf32> -> vector<128x64xf32>
    %get3A_157 = arith.constant 1 : index
    %get3A_158 = arith.constant 1024 : index
    %get3A_159 = arith.constant 0 : index
    %get3A_160 = vector.load %arg5[%get3A_157, %get3A_158, %get3A_159] : memref<2x2048x64xf32, #tpu.memory_space<vmem>>, vector<1x1024x64xf32>
    %get3A_161 = vector.shape_cast %get3A_160 : vector<1x1024x64xf32> to vector<1024x64xf32>
    %dot_general3A_162 = arith.constant dense<0.000000e+00> : vector<128x64xf32>
    %dot_general3A_163 = tpu.matmul %concatenate3A_134, %get3A_161, %dot_general3A_162 {dimension_numbers = #tpu.dot_dimension_numbers<[1], [0], [0], [1], [0, 0, 1, 1], [], []>, transpose_lhs_hint = false} : vector<128x1024xf32>, vector<1024x64xf32>, vector<128x64xf32> -> vector<128x64xf32>
    %add3A_164 = arith.addf %dot_general3A_156, %dot_general3A_163 : vector<128x64xf32>
    %get3A_165 = arith.constant 6 : index
    %get3A_166 = arith.constant 0 : index
    %get3A_167 = arith.constant 0 : index
    %get3A_168 = vector.load %arg1[%get3A_165, %get3A_166, %get3A_167] : memref<12x256x64xf32, #tpu.memory_space<vmem>>, vector<6x256x64xf32>
    %reshape3A_169 = vector.shape_cast %get3A_168 : vector<6x256x64xf32> to vector<1536x64xf32>
    %dot_general3A_170 = arith.constant dense<0.000000e+00> : vector<1536x128xf32>
    %dot_general3A_171 = tpu.matmul %reshape3A_169, %add3A_149, %dot_general3A_170 {dimension_numbers = #tpu.dot_dimension_numbers<[1], [1], [0], [0], [0, 0, 1, 0], [], []>, transpose_lhs_hint = false} : vector<1536x64xf32>, vector<128x64xf32>, vector<1536x128xf32> -> vector<1536x128xf32>
    %jit3A_172 = arith.constant -1.000000e+30 : f32
    %broadcast_in_dim3A_173 = vector.broadcast %jit3A_172 : f32 to vector<1536x128xf32>
    %select_n3A_174 = arith.select %concatenate3A, %dot_general3A_171, %broadcast_in_dim3A_173 : vector<1536x128xi1>, vector<1536x128xf32>
    %exp3A_175 = math.exp %select_n3A_174 : vector<1536x128xf32>
    %reduce_sum3A_176 = arith.constant dense<0.000000e+00> : vector<1536xf32>
    %reduce_sum3A_177 = vector.multi_reduction <add>, %exp3A_175, %reduce_sum3A_176 [1] : vector<1536x128xf32> to vector<1536xf32>
    %broadcast_in_dim3A_178 = vector.shape_cast %reduce_sum3A_177 : vector<1536xf32> to vector<1536x1xf32>
    %max3A_179 = arith.constant 1.000000e-30 : f32
    %max3A_180 = vector.broadcast %max3A_179 : f32 to vector<1536x1xf32>
    %max3A_181 = arith.maximumf %broadcast_in_dim3A_178, %max3A_180 : vector<1536x1xf32>
    %div3A_182 = vector.broadcast %max3A_181 : vector<1536x1xf32> to vector<1536x128xf32>
    %div3A_183 = arith.divf %exp3A_175, %div3A_182 : vector<1536x128xf32>
    %dot_general3A_184 = arith.constant dense<0.000000e+00> : vector<1536x64xf32>
    %dot_general3A_185 = tpu.matmul %div3A_183, %add3A_164, %dot_general3A_184 {dimension_numbers = #tpu.dot_dimension_numbers<[1], [0], [0], [1], [0, 0, 1, 1], [], []>, transpose_lhs_hint = false} : vector<1536x128xf32>, vector<128x64xf32>, vector<1536x64xf32> -> vector<1536x64xf32>
    %reshape3A_186 = vector.shape_cast %dot_general3A_185 : vector<1536x64xf32> to vector<6x256x64xf32>
    %swap3A_187 = arith.constant 1 : index
    %swap3A_188 = arith.constant 0 : index
    %swap3A_189 = arith.constant 0 : index
    %swap3A_190 = arith.constant 0 : index
    %swap3A_191 = vector.load %arg6[%swap3A_187, %swap3A_188, %swap3A_189, %swap3A_190] : memref<2x6x256x64xf32, #tpu.memory_space<vmem>>, vector<1x6x256x64xf32>
    %swap3A_192 = vector.shape_cast %swap3A_191 : vector<1x6x256x64xf32> to vector<6x256x64xf32>
    %swap3A_193 = vector.shape_cast %reshape3A_186 : vector<6x256x64xf32> to vector<1x6x256x64xf32>
    tpu.vector_store %arg6[%swap3A_187, %swap3A_188, %swap3A_189, %swap3A_190], %swap3A_193 {strides = array<i32>} : memref<2x6x256x64xf32, #tpu.memory_space<vmem>>, vector<1x6x256x64xf32>,
    %reshape3A_194 = vector.shape_cast %div3A_183 : vector<1536x128xf32> to vector<6x256x128xf32>
    %reduce_sum3A_195 = arith.constant dense<0.000000e+00> : vector<256x128xf32>
    %reduce_sum3A_196 = vector.multi_reduction <add>, %reshape3A_194, %reduce_sum3A_195 [0] : vector<6x256x128xf32> to vector<256x128xf32>
    %dot_general3A_197 = arith.constant dense<0.000000e+00> : vector<256x32xf32>
    %dot_general3A_198 = tpu.matmul %reduce_sum3A_196, %convert_element_type3A_41, %dot_general3A_197 {dimension_numbers = #tpu.dot_dimension_numbers<[1], [0], [0], [1], [0, 0, 1, 1], [], []>, transpose_lhs_hint = false} : vector<256x128xf32>, vector<128x32xf32>, vector<256x32xf32> -> vector<256x32xf32>
    %reshape3A_199 = vector.shape_cast %dot_general3A_198 : vector<256x32xf32> to vector<16x16x32xf32>
    %transpose3A_200 = tpu.transpose %reshape3A_199, [0, 2, 1] : vector<16x16x32xf32> -> vector<16x32x16xf32>
    %swap3A_201 = arith.constant 1 : index
    %swap3A_202 = arith.constant 0 : index
    %swap3A_203 = arith.constant 0 : index
    %swap3A_204 = arith.constant 0 : index
    %swap3A_205 = vector.load %arg7[%swap3A_201, %swap3A_202, %swap3A_203, %swap3A_204] : memref<2x16x32x16xf32, #tpu.memory_space<vmem>>, vector<1x16x32x16xf32>
    %swap3A_206 = vector.shape_cast %swap3A_205 : vector<1x16x32x16xf32> to vector<16x32x16xf32>
    %swap3A_207 = vector.shape_cast %transpose3A_200 : vector<16x32x16xf32> to vector<1x16x32x16xf32>
    tpu.vector_store %arg7[%swap3A_201, %swap3A_202, %swap3A_203, %swap3A_204], %swap3A_207 {strides = array<i32>} : memref<2x16x32x16xf32, #tpu.memory_space<vmem>>, vector<1x16x32x16xf32>,
    return
  }
  func.func @transform_0(%arg0: i32) -> (i32, i32, i32) {
    %c0_i32 = arith.constant 0 : i32
    %c0_i32_0 = arith.constant 0 : i32
    %c0_i32_1 = arith.constant 0 : i32
    return %c0_i32, %arg0, %c0_i32_0 : i32, i32, i32
  }
  func.func @transform_1(%arg0: i32) -> (i32, i32, i32) {
    %c0_i32 = arith.constant 0 : i32
    %c0_i32_0 = arith.constant 0 : i32
    %c0_i32_1 = arith.constant 0 : i32
    %c0_i32_2 = arith.constant 0 : i32
    return %c0_i32, %c0_i32_0, %c0_i32_1 : i32, i32, i32
  }
  func.func @transform_2(%arg0: i32) -> (i32, i32, i32) {
    %c0_i32 = arith.constant 0 : i32
    %c0_i32_0 = arith.constant 0 : i32
    %c0_i32_1 = arith.constant 0 : i32
    %c0_i32_2 = arith.constant 0 : i32
    return %c0_i32, %c0_i32_0, %c0_i32_1 : i32, i32, i32
  }
  func.func @transform_3(%arg0: i32) -> (i32, i32, i32) {
    %c0_i32 = arith.constant 0 : i32
    %c0_i32_0 = arith.constant 0 : i32
    %c0_i32_1 = arith.constant 0 : i32
    %c0_i32_2 = arith.constant 0 : i32
    return %c0_i32, %c0_i32_0, %c0_i32_1 : i32, i32, i32
  }
  func.func @transform_4(%arg0: i32) -> (i32, i32, i32) {
    %c0_i32 = arith.constant 0 : i32
    %c0_i32_0 = arith.constant 0 : i32
    %c0_i32_1 = arith.constant 0 : i32
    %c0_i32_2 = arith.constant 0 : i32
    return %c0_i32, %c0_i32_0, %c0_i32_1 : i32, i32, i32
  }
  func.func @transform_5(%arg0: i32) -> (i32, i32, i32, i32) {
    %c0_i32 = arith.constant 0 : i32
    %c0_i32_0 = arith.constant 0 : i32
    %c0_i32_1 = arith.constant 0 : i32
    %c0_i32_2 = arith.constant 0 : i32
    return %c0_i32, %c0_i32_0, %arg0, %c0_i32_1 : i32, i32, i32, i32
  }
  func.func @transform_6(%arg0: i32) -> (i32, i32, i32, i32) {
    %c0_i32 = arith.constant 0 : i32
    %c0_i32_0 = arith.constant 0 : i32
    %c0_i32_1 = arith.constant 0 : i32
    %c0_i32_2 = arith.constant 0 : i32
    return %c0_i32, %arg0, %c0_i32_0, %c0_i32_1 : i32, i32, i32, i32
  }
}

module attributes {stable_mosaic.version = 14 : i64} {
  func.func @_flash_kernel(%arg0: i32, %arg1: memref<12x256x64xf32, #tpu.memory_space<vmem>>, %arg2: memref<2048x192xf32, #tpu.memory_space<vmem>>, %arg3: memref<2048x128xf32, #tpu.memory_space<vmem>>, %arg4: memref<2x6x256x64xf32, #tpu.memory_space<vmem>>, %arg5: memref<2x16x32x16xf32, #tpu.memory_space<vmem>>, %arg6: memref<256x8xf32, #tpu.memory_space<vmem>>, %arg7: memref<768x768xf32, #tpu.memory_space<vmem>>, %arg8: memref<256x768xf32, #tpu.memory_space<vmem>>) attributes {dimension_semantics = [#tpu.dimension_semantics<parallel>], iteration_bounds = array<i64: 8>, scalar_prefetch = 0 : i64, scratch_operands = 0 : i64, tpu.core_type = #tpu.core_type<tc>, window_params = [{transform_indices = @transform_0, window_bounds = array<i64: 12, 256, 64>}, {pipeline_mode = #tpu.pipeline_mode<synchronous>, transform_indices = @transform_1, window_bounds = array<i64: 2048, 192>}, {pipeline_mode = #tpu.pipeline_mode<synchronous>, transform_indices = @transform_2, window_bounds = array<i64: 2048, 128>}, {transform_indices = @transform_3, window_bounds = array<i64: 2, 6, 256, 64>}, {transform_indices = @transform_4, window_bounds = array<i64: 2, 16, 32, 16>}, {transform_indices = @transform_5, window_bounds = array<i64: 256, 8>}, {pipeline_mode = #tpu.pipeline_mode<synchronous>, transform_indices = @transform_6, window_bounds = array<i64: 768, 768>}, {transform_indices = @transform_7, window_bounds = array<i64: 256, 768>}]} {
    %mul3A = arith.constant 256 : i32
    %mul3A_0 = arith.muli %arg0, %mul3A : i32
    %iota3A = tpu.iota {dimensions = array<i32: 0>} : vector<256x256xi32>
    %iota3A_1 = tpu.iota {dimensions = array<i32: 1>} : vector<256x256xi32>
    %le3A = arith.cmpi sle, %iota3A_1, %iota3A : vector<256x256xi32>
    %jit3A = arith.constant 0.000000e+00 : f32
    %jit3A_2 = arith.constant -1.000000e+30 : f32
    %broadcast_in_dim3A = vector.broadcast %jit3A : f32 to vector<256x256xf32>
    %broadcast_in_dim3A_3 = vector.broadcast %jit3A_2 : f32 to vector<256x256xf32>
    %select_n3A = arith.select %le3A, %broadcast_in_dim3A, %broadcast_in_dim3A_3 : vector<256x256xi1>, vector<256x256xf32>
    %concatenate3A = tpu.concatenate %select_n3A, %select_n3A, %select_n3A, %select_n3A, %select_n3A, %select_n3A in 0 : vector<256x256xf32>, vector<256x256xf32>, vector<256x256xf32>, vector<256x256xf32>, vector<256x256xf32>, vector<256x256xf32> -> vector<1536x256xf32>
    %sub3A = arith.constant 2 : i32
    %sub3A_4 = arith.subi %arg0, %sub3A : i32
    %max3A = arith.constant 0 : i32
    %max3A_5 = arith.maxsi %sub3A_4, %max3A : i32
    %mul3A_6 = arith.constant 256 : i32
    %mul3A_7 = arith.muli %max3A_5, %mul3A_6 : i32
    %iota3A_8 = tpu.iota {dimensions = array<i32: 1>} : vector<256x768xi32>
    %add3A = vector.broadcast %mul3A_7 : i32 to vector<256x768xi32>
    %add3A_9 = arith.addi %add3A, %iota3A_8 : vector<256x768xi32>
    %iota3A_10 = tpu.iota {dimensions = array<i32: 0>} : vector<256x768xi32>
    %add3A_11 = vector.broadcast %mul3A_0 : i32 to vector<256x768xi32>
    %add3A_12 = arith.addi %add3A_11, %iota3A_10 : vector<256x768xi32>
    %le3A_13 = arith.cmpi sle, %add3A_9, %add3A_12 : vector<256x768xi32>
    %sub3A_14 = arith.subi %add3A_12, %add3A_9 : vector<256x768xi32>
    %le3A_15 = arith.constant 512 : i32
    %le3A_16 = vector.broadcast %le3A_15 : i32 to vector<256x768xi32>
    %le3A_17 = arith.cmpi sle, %sub3A_14, %le3A_16 : vector<256x768xi32>
    %and3A = arith.andi %le3A_13, %le3A_17 : vector<256x768xi1>
    %jit3A_18 = arith.constant 0.000000e+00 : f32
    %jit3A_19 = arith.constant -1.000000e+30 : f32
    %broadcast_in_dim3A_20 = vector.broadcast %jit3A_18 : f32 to vector<256x768xf32>
    %broadcast_in_dim3A_21 = vector.broadcast %jit3A_19 : f32 to vector<256x768xf32>
    %select_n3A_22 = arith.select %and3A, %broadcast_in_dim3A_20, %broadcast_in_dim3A_21 : vector<256x768xi1>, vector<256x768xf32>
    %concatenate3A_23 = tpu.concatenate %select_n3A_22, %select_n3A_22, %select_n3A_22, %select_n3A_22, %select_n3A_22, %select_n3A_22 in 0 : vector<256x768xf32>, vector<256x768xf32>, vector<256x768xf32>, vector<256x768xf32>, vector<256x768xf32>, vector<256x768xf32> -> vector<1536x768xf32>
    %get3A = arith.constant 0 : index
    %get3A_24 = arith.constant 0 : index
    %get3A_25 = vector.load %arg6[%get3A, %get3A_24] : memref<256x8xf32, #tpu.memory_space<vmem>>, vector<256x8xf32>
    %slice3A = vector.extract_strided_slice %get3A_25 {offsets = [0, 0], sizes = [256, 1], strides = [1, 1]} : vector<256x8xf32> to vector<256x1xf32>
    %concatenate3A_26 = tpu.concatenate %slice3A, %slice3A, %slice3A, %slice3A, %slice3A, %slice3A in 0 : vector<256x1xf32>, vector<256x1xf32>, vector<256x1xf32>, vector<256x1xf32>, vector<256x1xf32>, vector<256x1xf32> -> vector<1536x1xf32>
    %slice3A_27 = vector.extract_strided_slice %get3A_25 {offsets = [0, 1], sizes = [256, 1], strides = [1, 1]} : vector<256x8xf32> to vector<256x1xf32>
    %concatenate3A_28 = tpu.concatenate %slice3A_27, %slice3A_27, %slice3A_27, %slice3A_27, %slice3A_27, %slice3A_27 in 0 : vector<256x1xf32>, vector<256x1xf32>, vector<256x1xf32>, vector<256x1xf32>, vector<256x1xf32>, vector<256x1xf32> -> vector<1536x1xf32>
    %slice3A_29 = vector.extract_strided_slice %get3A_25 {offsets = [0, 2], sizes = [256, 1], strides = [1, 1]} : vector<256x8xf32> to vector<256x1xf32>
    %concatenate3A_30 = tpu.concatenate %slice3A_29, %slice3A_29, %slice3A_29, %slice3A_29, %slice3A_29, %slice3A_29 in 0 : vector<256x1xf32>, vector<256x1xf32>, vector<256x1xf32>, vector<256x1xf32>, vector<256x1xf32>, vector<256x1xf32> -> vector<1536x1xf32>
    %get3A_31 = arith.constant 0 : index
    %get3A_32 = arith.constant 0 : index
    %get3A_33 = arith.constant 0 : index
    %get3A_34 = vector.load %arg1[%get3A_31, %get3A_32, %get3A_33] : memref<12x256x64xf32, #tpu.memory_space<vmem>>, vector<6x256x64xf32>
    %reshape3A = vector.shape_cast %get3A_34 : vector<6x256x64xf32> to vector<1536x64xf32>
    %get3A_35 = arith.constant 0 : index
    %get3A_36 = arith.constant 0 : index
    %get3A_37 = arith.constant 0 : index
    %get3A_38 = arith.constant 0 : index
    %get3A_39 = vector.load %arg4[%get3A_35, %get3A_36, %get3A_37, %get3A_38] : memref<2x6x256x64xf32, #tpu.memory_space<vmem>>, vector<1x6x256x64xf32>
    %get3A_40 = vector.shape_cast %get3A_39 : vector<1x6x256x64xf32> to vector<6x256x64xf32>
    %reshape3A_41 = vector.shape_cast %get3A_40 : vector<6x256x64xf32> to vector<1536x64xf32>
    %get3A_42 = arith.constant 0 : index
    %get3A_43 = arith.constant 0 : index
    %get3A_44 = arith.constant 0 : index
    %get3A_45 = arith.constant 0 : index
    %get3A_46 = vector.load %arg5[%get3A_42, %get3A_43, %get3A_44, %get3A_45] : memref<2x16x32x16xf32, #tpu.memory_space<vmem>>, vector<1x16x32x16xf32>
    %get3A_47 = vector.shape_cast %get3A_46 : vector<1x16x32x16xf32> to vector<16x32x16xf32>
    %transpose3A = tpu.transpose %get3A_47, [0, 2, 1] : vector<16x32x16xf32> -> vector<16x16x32xf32>
    %reshape3A_48 = vector.shape_cast %transpose3A : vector<16x16x32xf32> to vector<256x32xf32>
    %concatenate3A_49 = tpu.concatenate %reshape3A_48, %reshape3A_48, %reshape3A_48, %reshape3A_48, %reshape3A_48, %reshape3A_48 in 0 : vector<256x32xf32>, vector<256x32xf32>, vector<256x32xf32>, vector<256x32xf32>, vector<256x32xf32>, vector<256x32xf32> -> vector<1536x32xf32>
    %concatenate3A_50 = tpu.concatenate %reshape3A, %concatenate3A_49 in 1 : vector<1536x64xf32>, vector<1536x32xf32> -> vector<1536x96xf32>
    %broadcast_in_dim3A_51 = arith.constant 0.000000e+00 : f32
    %broadcast_in_dim3A_52 = vector.broadcast %broadcast_in_dim3A_51 : f32 to vector<1536x1xf32>
    %broadcast_in_dim3A_53 = arith.constant 0.000000e+00 : f32
    %broadcast_in_dim3A_54 = vector.broadcast %broadcast_in_dim3A_53 : f32 to vector<1536x64xf32>
    %jit3A_55 = arith.constant 2 : i32
    %div3A = arith.divsi %arg0, %jit3A_55 : i32
    %sign3A = arith.constant 0 : i32
    %sign3A_56 = arith.cmpi sgt, %arg0, %sign3A : i32
    %sign3A_57 = arith.extui %sign3A_56 : i1 to i32
    %sign3A_58 = arith.constant 0 : i32
    %sign3A_59 = arith.cmpi slt, %arg0, %sign3A_58 : i32
    %sign3A_60 = arith.extui %sign3A_59 : i1 to i32
    %sign3A_61 = arith.subi %sign3A_57, %sign3A_60 : i32
    %sign3A_62 = arith.constant 0 : i32
    %sign3A_63 = arith.cmpi sgt, %jit3A_55, %sign3A_62 : i32
    %sign3A_64 = arith.extui %sign3A_63 : i1 to i32
    %sign3A_65 = arith.constant 0 : i32
    %sign3A_66 = arith.cmpi slt, %jit3A_55, %sign3A_65 : i32
    %sign3A_67 = arith.extui %sign3A_66 : i1 to i32
    %sign3A_68 = arith.subi %sign3A_64, %sign3A_67 : i32
    %ne3A = arith.cmpi ne, %sign3A_61, %sign3A_68 : i32
    %rem3A = arith.remsi %arg0, %jit3A_55 : i32
    %ne3A_69 = arith.constant 0 : i32
    %ne3A_70 = arith.cmpi ne, %rem3A, %ne3A_69 : i32
    %and3A_71 = arith.andi %ne3A, %ne3A_70 : i1
    %sub3A_72 = arith.constant 1 : i32
    %sub3A_73 = arith.subi %div3A, %sub3A_72 : i32
    %select_n3A_74 = arith.select %and3A_71, %sub3A_73, %div3A : i32
    %while3A = arith.constant 0 : i32
    %while3A_75 = arith.subi %select_n3A_74, %while3A : i32
    %while3A_76 = arith.addi %while3A, %while3A_75 : i32
    %while3A_77 = arith.constant 1 : i32
    %while3A_78 = arith.divsi %while3A_75, %while3A_77 : i32
    %while3A_79 = arith.muli %while3A_78, %while3A_77 : i32
    %while3A_80 = arith.addi %while3A, %while3A_79 : i32
    %while3A_81 = arith.constant 1 : i32
    %while3A_82:2 = scf.for %while3A_364 = %while3A to %while3A_80 step %while3A_81 iter_args(%while3A_365 = %broadcast_in_dim3A_52, %while3A_366 = %broadcast_in_dim3A_54) -> (vector<1536x1xf32>, vector<1536x64xf32>)  : i32 {
      %mul3A_367 = arith.constant 512 : i32
      %mul3A_368 = arith.muli %while3A_364, %mul3A_367 : i32
      %get3A_369 = arith.index_cast %mul3A_368 : i32 to index
      %get3A_370 = arith.constant 0 : index
      %get3A_371 = vector.load %arg2[%get3A_369, %get3A_370] : memref<2048x192xf32, #tpu.memory_space<vmem>>, vector<512x96xf32>
      %mul3A_372 = arith.constant 512 : i32
      %mul3A_373 = arith.muli %while3A_364, %mul3A_372 : i32
      %get3A_374 = arith.index_cast %mul3A_373 : i32 to index
      %get3A_375 = arith.constant 0 : index
      %get3A_376 = vector.load %arg3[%get3A_374, %get3A_375] : memref<2048x128xf32, #tpu.memory_space<vmem>>, vector<512x64xf32>
      %dot_general3A_377 = arith.constant dense<0.000000e+00> : vector<1536x512xf32>
      %dot_general3A_378 = tpu.matmul %concatenate3A_50, %get3A_371, %dot_general3A_377 {dimension_numbers = #tpu.dot_dimension_numbers<[1], [1], [0], [0], [0, 0, 1, 0], [], []>, transpose_lhs_hint = false} : vector<1536x96xf32>, vector<512x96xf32>, vector<1536x512xf32> -> vector<1536x512xf32>
      %exp3A_379 = math.exp %dot_general3A_378 : vector<1536x512xf32>
      %reduce_sum3A_380 = arith.constant dense<0.000000e+00> : vector<1536xf32>
      %reduce_sum3A_381 = vector.multi_reduction <add>, %exp3A_379, %reduce_sum3A_380 [1] : vector<1536x512xf32> to vector<1536xf32>
      %broadcast_in_dim3A_382 = vector.shape_cast %reduce_sum3A_381 : vector<1536xf32> to vector<1536x1xf32>
      %add3A_383 = arith.addf %while3A_365, %broadcast_in_dim3A_382 : vector<1536x1xf32>
      %dot_general3A_384 = arith.constant dense<0.000000e+00> : vector<1536x64xf32>
      %dot_general3A_385 = tpu.matmul %exp3A_379, %get3A_376, %dot_general3A_384 {dimension_numbers = #tpu.dot_dimension_numbers<[1], [0], [0], [1], [0, 0, 1, 1], [], []>, transpose_lhs_hint = false} : vector<1536x512xf32>, vector<512x64xf32>, vector<1536x64xf32> -> vector<1536x64xf32>
      %add3A_386 = arith.addf %while3A_366, %dot_general3A_385 : vector<1536x64xf32>
      scf.yield %add3A_383, %add3A_386 : vector<1536x1xf32>, vector<1536x64xf32>
    }
    %while3A_83 = arith.constant 1 : i32
    %while3A_84:2 = scf.for %while3A_364 = %while3A_80 to %while3A_76 step %while3A_83 iter_args(%while3A_365 = %while3A_82#0, %while3A_366 = %while3A_82#1) -> (vector<1536x1xf32>, vector<1536x64xf32>)  : i32 {
      %mul3A_367 = arith.constant 512 : i32
      %mul3A_368 = arith.muli %while3A_364, %mul3A_367 : i32
      %get3A_369 = arith.index_cast %mul3A_368 : i32 to index
      %get3A_370 = arith.constant 0 : index
      %get3A_371 = vector.load %arg2[%get3A_369, %get3A_370] : memref<2048x192xf32, #tpu.memory_space<vmem>>, vector<512x96xf32>
      %mul3A_372 = arith.constant 512 : i32
      %mul3A_373 = arith.muli %while3A_364, %mul3A_372 : i32
      %get3A_374 = arith.index_cast %mul3A_373 : i32 to index
      %get3A_375 = arith.constant 0 : index
      %get3A_376 = vector.load %arg3[%get3A_374, %get3A_375] : memref<2048x128xf32, #tpu.memory_space<vmem>>, vector<512x64xf32>
      %dot_general3A_377 = arith.constant dense<0.000000e+00> : vector<1536x512xf32>
      %dot_general3A_378 = tpu.matmul %concatenate3A_50, %get3A_371, %dot_general3A_377 {dimension_numbers = #tpu.dot_dimension_numbers<[1], [1], [0], [0], [0, 0, 1, 0], [], []>, transpose_lhs_hint = false} : vector<1536x96xf32>, vector<512x96xf32>, vector<1536x512xf32> -> vector<1536x512xf32>
      %exp3A_379 = math.exp %dot_general3A_378 : vector<1536x512xf32>
      %reduce_sum3A_380 = arith.constant dense<0.000000e+00> : vector<1536xf32>
      %reduce_sum3A_381 = vector.multi_reduction <add>, %exp3A_379, %reduce_sum3A_380 [1] : vector<1536x512xf32> to vector<1536xf32>
      %broadcast_in_dim3A_382 = vector.shape_cast %reduce_sum3A_381 : vector<1536xf32> to vector<1536x1xf32>
      %add3A_383 = arith.addf %while3A_365, %broadcast_in_dim3A_382 : vector<1536x1xf32>
      %dot_general3A_384 = arith.constant dense<0.000000e+00> : vector<1536x64xf32>
      %dot_general3A_385 = tpu.matmul %exp3A_379, %get3A_376, %dot_general3A_384 {dimension_numbers = #tpu.dot_dimension_numbers<[1], [0], [0], [1], [0, 0, 1, 1], [], []>, transpose_lhs_hint = false} : vector<1536x512xf32>, vector<512x64xf32>, vector<1536x64xf32> -> vector<1536x64xf32>
      %add3A_386 = arith.addf %while3A_366, %dot_general3A_385 : vector<1536x64xf32>
      scf.yield %add3A_383, %add3A_386 : vector<1536x1xf32>, vector<1536x64xf32>
    }
    %jit3A_85 = arith.constant 2 : i32
    %eq3A = arith.constant 0 : i32
    %eq3A_86 = arith.cmpi eq, %jit3A_85, %eq3A : i32
    %jit3A_87 = arith.constant 1 : i32
    %select_n3A_88 = arith.select %eq3A_86, %jit3A_87, %jit3A_85 : i32
    %rem3A_89 = arith.remsi %arg0, %select_n3A_88 : i32
    %ne3A_90 = arith.constant 0 : i32
    %ne3A_91 = arith.cmpi ne, %rem3A_89, %ne3A_90 : i32
    %lt3A = arith.constant 0 : i32
    %lt3A_92 = arith.cmpi slt, %rem3A_89, %lt3A : i32
    %lt3A_93 = arith.constant 0 : i32
    %lt3A_94 = arith.cmpi slt, %select_n3A_88, %lt3A_93 : i32
    %ne3A_95 = arith.xori %lt3A_92, %lt3A_94 : i1
    %and3A_96 = arith.andi %ne3A_95, %ne3A_91 : i1
    %add3A_97 = arith.addi %rem3A_89, %select_n3A_88 : i32
    %select_n3A_98 = arith.select %and3A_96, %add3A_97, %rem3A_89 : i32
    %eq3A_99 = arith.constant 1 : i32
    %eq3A_100 = arith.cmpi eq, %select_n3A_98, %eq3A_99 : i32
    %convert_element_type3A = arith.extui %eq3A_100 : i1 to i32
    %cond3A = arith.constant 0 : i32
    %cond3A_101 = arith.cmpi ne, %convert_element_type3A, %cond3A : i32
    %cond3A_102:2 = scf.if %cond3A_101 -> (vector<1536x1xf32>, vector<1536x64xf32>) {
      %sub3A_364 = arith.constant 1 : i32
      %sub3A_365 = arith.subi %arg0, %sub3A_364 : i32
      %mul3A_366 = arith.constant 256 : i32
      %mul3A_367 = arith.muli %sub3A_365, %mul3A_366 : i32
      %get3A_368 = arith.index_cast %mul3A_367 : i32 to index
      %get3A_369 = arith.constant 0 : index
      %get3A_370 = vector.load %arg2[%get3A_368, %get3A_369] : memref<2048x192xf32, #tpu.memory_space<vmem>>, vector<256x96xf32>
      %mul3A_371 = arith.constant 256 : i32
      %mul3A_372 = arith.muli %sub3A_365, %mul3A_371 : i32
      %get3A_373 = arith.index_cast %mul3A_372 : i32 to index
      %get3A_374 = arith.constant 0 : index
      %get3A_375 = vector.load %arg3[%get3A_373, %get3A_374] : memref<2048x128xf32, #tpu.memory_space<vmem>>, vector<256x64xf32>
      %dot_general3A_376 = arith.constant dense<0.000000e+00> : vector<1536x256xf32>
      %dot_general3A_377 = tpu.matmul %concatenate3A_50, %get3A_370, %dot_general3A_376 {dimension_numbers = #tpu.dot_dimension_numbers<[1], [1], [0], [0], [0, 0, 1, 0], [], []>, transpose_lhs_hint = false} : vector<1536x96xf32>, vector<256x96xf32>, vector<1536x256xf32> -> vector<1536x256xf32>
      %exp3A_378 = math.exp %dot_general3A_377 : vector<1536x256xf32>
      %reduce_sum3A_379 = arith.constant dense<0.000000e+00> : vector<1536xf32>
      %reduce_sum3A_380 = vector.multi_reduction <add>, %exp3A_378, %reduce_sum3A_379 [1] : vector<1536x256xf32> to vector<1536xf32>
      %broadcast_in_dim3A_381 = vector.shape_cast %reduce_sum3A_380 : vector<1536xf32> to vector<1536x1xf32>
      %add3A_382 = arith.addf %while3A_84#0, %broadcast_in_dim3A_381 : vector<1536x1xf32>
      %dot_general3A_383 = arith.constant dense<0.000000e+00> : vector<1536x64xf32>
      %dot_general3A_384 = tpu.matmul %exp3A_378, %get3A_375, %dot_general3A_383 {dimension_numbers = #tpu.dot_dimension_numbers<[1], [0], [0], [1], [0, 0, 1, 1], [], []>, transpose_lhs_hint = false} : vector<1536x256xf32>, vector<256x64xf32>, vector<1536x64xf32> -> vector<1536x64xf32>
      %add3A_385 = arith.addf %while3A_84#1, %dot_general3A_384 : vector<1536x64xf32>
      scf.yield %add3A_382, %add3A_385 : vector<1536x1xf32>, vector<1536x64xf32>
    } else {
      scf.yield %while3A_84#0, %while3A_84#1 : vector<1536x1xf32>, vector<1536x64xf32>
    }
    %mul3A_103 = arith.constant 256 : i32
    %mul3A_104 = arith.muli %arg0, %mul3A_103 : i32
    %get3A_105 = arith.index_cast %mul3A_104 : i32 to index
    %get3A_106 = arith.constant 0 : index
    %get3A_107 = vector.load %arg2[%get3A_105, %get3A_106] : memref<2048x192xf32, #tpu.memory_space<vmem>>, vector<256x96xf32>
    %mul3A_108 = arith.constant 256 : i32
    %mul3A_109 = arith.muli %arg0, %mul3A_108 : i32
    %get3A_110 = arith.index_cast %mul3A_109 : i32 to index
    %get3A_111 = arith.constant 0 : index
    %get3A_112 = vector.load %arg3[%get3A_110, %get3A_111] : memref<2048x128xf32, #tpu.memory_space<vmem>>, vector<256x64xf32>
    %dot_general3A = arith.constant dense<0.000000e+00> : vector<1536x256xf32>
    %dot_general3A_113 = tpu.matmul %concatenate3A_50, %get3A_107, %dot_general3A {dimension_numbers = #tpu.dot_dimension_numbers<[1], [1], [0], [0], [0, 0, 1, 0], [], []>, transpose_lhs_hint = false} : vector<1536x96xf32>, vector<256x96xf32>, vector<1536x256xf32> -> vector<1536x256xf32>
    %add3A_114 = arith.addf %dot_general3A_113, %concatenate3A : vector<1536x256xf32>
    %exp3A = math.exp %add3A_114 : vector<1536x256xf32>
    %reduce_sum3A = arith.constant dense<0.000000e+00> : vector<1536xf32>
    %reduce_sum3A_115 = vector.multi_reduction <add>, %exp3A, %reduce_sum3A [1] : vector<1536x256xf32> to vector<1536xf32>
    %broadcast_in_dim3A_116 = vector.shape_cast %reduce_sum3A_115 : vector<1536xf32> to vector<1536x1xf32>
    %add3A_117 = arith.addf %cond3A_102#0, %broadcast_in_dim3A_116 : vector<1536x1xf32>
    %dot_general3A_118 = arith.constant dense<0.000000e+00> : vector<1536x64xf32>
    %dot_general3A_119 = tpu.matmul %exp3A, %get3A_112, %dot_general3A_118 {dimension_numbers = #tpu.dot_dimension_numbers<[1], [0], [0], [1], [0, 0, 1, 1], [], []>, transpose_lhs_hint = false} : vector<1536x256xf32>, vector<256x64xf32>, vector<1536x64xf32> -> vector<1536x64xf32>
    %add3A_120 = arith.addf %cond3A_102#1, %dot_general3A_119 : vector<1536x64xf32>
    %div3A_121 = vector.broadcast %add3A_117 : vector<1536x1xf32> to vector<1536x64xf32>
    %div3A_122 = arith.divf %add3A_120, %div3A_121 : vector<1536x64xf32>
    %get3A_123 = arith.index_cast %mul3A_7 : i32 to index
    %get3A_124 = arith.constant 0 : index
    %get3A_125 = vector.load %arg2[%get3A_123, %get3A_124] : memref<2048x192xf32, #tpu.memory_space<vmem>>, vector<768x64xf32>
    %get3A_126 = arith.index_cast %mul3A_7 : i32 to index
    %get3A_127 = arith.constant 0 : index
    %get3A_128 = vector.load %arg3[%get3A_126, %get3A_127] : memref<2048x128xf32, #tpu.memory_space<vmem>>, vector<768x64xf32>
    %dot_general3A_129 = arith.constant dense<0.000000e+00> : vector<1536x768xf32>
    %dot_general3A_130 = tpu.matmul %reshape3A, %get3A_125, %dot_general3A_129 {dimension_numbers = #tpu.dot_dimension_numbers<[1], [1], [0], [0], [0, 0, 1, 0], [], []>, transpose_lhs_hint = false} : vector<1536x64xf32>, vector<768x64xf32>, vector<1536x768xf32> -> vector<1536x768xf32>
    %add3A_131 = arith.addf %dot_general3A_130, %concatenate3A_23 : vector<1536x768xf32>
    %exp3A_132 = math.exp %add3A_131 : vector<1536x768xf32>
    %reduce_sum3A_133 = arith.constant dense<0.000000e+00> : vector<1536xf32>
    %reduce_sum3A_134 = vector.multi_reduction <add>, %exp3A_132, %reduce_sum3A_133 [1] : vector<1536x768xf32> to vector<1536xf32>
    %broadcast_in_dim3A_135 = vector.shape_cast %reduce_sum3A_134 : vector<1536xf32> to vector<1536x1xf32>
    %dot_general3A_136 = arith.constant dense<0.000000e+00> : vector<1536x64xf32>
    %dot_general3A_137 = tpu.matmul %exp3A_132, %get3A_128, %dot_general3A_136 {dimension_numbers = #tpu.dot_dimension_numbers<[1], [0], [0], [1], [0, 0, 1, 1], [], []>, transpose_lhs_hint = false} : vector<1536x768xf32>, vector<768x64xf32>, vector<1536x64xf32> -> vector<1536x64xf32>
    %div3A_138 = vector.broadcast %broadcast_in_dim3A_135 : vector<1536x1xf32> to vector<1536x64xf32>
    %div3A_139 = arith.divf %dot_general3A_137, %div3A_138 : vector<1536x64xf32>
    %mul3A_140 = vector.broadcast %concatenate3A_26 : vector<1536x1xf32> to vector<1536x64xf32>
    %mul3A_141 = arith.mulf %mul3A_140, %reshape3A_41 : vector<1536x64xf32>
    %mul3A_142 = vector.broadcast %concatenate3A_28 : vector<1536x1xf32> to vector<1536x64xf32>
    %mul3A_143 = arith.mulf %mul3A_142, %div3A_122 : vector<1536x64xf32>
    %add3A_144 = arith.addf %mul3A_141, %mul3A_143 : vector<1536x64xf32>
    %mul3A_145 = vector.broadcast %concatenate3A_30 : vector<1536x1xf32> to vector<1536x64xf32>
    %mul3A_146 = arith.mulf %mul3A_145, %div3A_139 : vector<1536x64xf32>
    %add3A_147 = arith.addf %add3A_144, %mul3A_146 : vector<1536x64xf32>
    %get3A_148 = arith.constant 6 : index
    %get3A_149 = arith.constant 0 : index
    %get3A_150 = arith.constant 0 : index
    %get3A_151 = vector.load %arg1[%get3A_148, %get3A_149, %get3A_150] : memref<12x256x64xf32, #tpu.memory_space<vmem>>, vector<6x256x64xf32>
    %reshape3A_152 = vector.shape_cast %get3A_151 : vector<6x256x64xf32> to vector<1536x64xf32>
    %get3A_153 = arith.constant 1 : index
    %get3A_154 = arith.constant 0 : index
    %get3A_155 = arith.constant 0 : index
    %get3A_156 = arith.constant 0 : index
    %get3A_157 = vector.load %arg4[%get3A_153, %get3A_154, %get3A_155, %get3A_156] : memref<2x6x256x64xf32, #tpu.memory_space<vmem>>, vector<1x6x256x64xf32>
    %get3A_158 = vector.shape_cast %get3A_157 : vector<1x6x256x64xf32> to vector<6x256x64xf32>
    %reshape3A_159 = vector.shape_cast %get3A_158 : vector<6x256x64xf32> to vector<1536x64xf32>
    %get3A_160 = arith.constant 1 : index
    %get3A_161 = arith.constant 0 : index
    %get3A_162 = arith.constant 0 : index
    %get3A_163 = arith.constant 0 : index
    %get3A_164 = vector.load %arg5[%get3A_160, %get3A_161, %get3A_162, %get3A_163] : memref<2x16x32x16xf32, #tpu.memory_space<vmem>>, vector<1x16x32x16xf32>
    %get3A_165 = vector.shape_cast %get3A_164 : vector<1x16x32x16xf32> to vector<16x32x16xf32>
    %transpose3A_166 = tpu.transpose %get3A_165, [0, 2, 1] : vector<16x32x16xf32> -> vector<16x16x32xf32>
    %reshape3A_167 = vector.shape_cast %transpose3A_166 : vector<16x16x32xf32> to vector<256x32xf32>
    %concatenate3A_168 = tpu.concatenate %reshape3A_167, %reshape3A_167, %reshape3A_167, %reshape3A_167, %reshape3A_167, %reshape3A_167 in 0 : vector<256x32xf32>, vector<256x32xf32>, vector<256x32xf32>, vector<256x32xf32>, vector<256x32xf32>, vector<256x32xf32> -> vector<1536x32xf32>
    %concatenate3A_169 = tpu.concatenate %reshape3A_152, %concatenate3A_168 in 1 : vector<1536x64xf32>, vector<1536x32xf32> -> vector<1536x96xf32>
    %broadcast_in_dim3A_170 = arith.constant 0.000000e+00 : f32
    %broadcast_in_dim3A_171 = vector.broadcast %broadcast_in_dim3A_170 : f32 to vector<1536x1xf32>
    %broadcast_in_dim3A_172 = arith.constant 0.000000e+00 : f32
    %broadcast_in_dim3A_173 = vector.broadcast %broadcast_in_dim3A_172 : f32 to vector<1536x64xf32>
    %jit3A_174 = arith.constant 2 : i32
    %div3A_175 = arith.divsi %arg0, %jit3A_174 : i32
    %sign3A_176 = arith.constant 0 : i32
    %sign3A_177 = arith.cmpi sgt, %arg0, %sign3A_176 : i32
    %sign3A_178 = arith.extui %sign3A_177 : i1 to i32
    %sign3A_179 = arith.constant 0 : i32
    %sign3A_180 = arith.cmpi slt, %arg0, %sign3A_179 : i32
    %sign3A_181 = arith.extui %sign3A_180 : i1 to i32
    %sign3A_182 = arith.subi %sign3A_178, %sign3A_181 : i32
    %sign3A_183 = arith.constant 0 : i32
    %sign3A_184 = arith.cmpi sgt, %jit3A_174, %sign3A_183 : i32
    %sign3A_185 = arith.extui %sign3A_184 : i1 to i32
    %sign3A_186 = arith.constant 0 : i32
    %sign3A_187 = arith.cmpi slt, %jit3A_174, %sign3A_186 : i32
    %sign3A_188 = arith.extui %sign3A_187 : i1 to i32
    %sign3A_189 = arith.subi %sign3A_185, %sign3A_188 : i32
    %ne3A_190 = arith.cmpi ne, %sign3A_182, %sign3A_189 : i32
    %rem3A_191 = arith.remsi %arg0, %jit3A_174 : i32
    %ne3A_192 = arith.constant 0 : i32
    %ne3A_193 = arith.cmpi ne, %rem3A_191, %ne3A_192 : i32
    %and3A_194 = arith.andi %ne3A_190, %ne3A_193 : i1
    %sub3A_195 = arith.constant 1 : i32
    %sub3A_196 = arith.subi %div3A_175, %sub3A_195 : i32
    %select_n3A_197 = arith.select %and3A_194, %sub3A_196, %div3A_175 : i32
    %while3A_198 = arith.constant 0 : i32
    %while3A_199 = arith.subi %select_n3A_197, %while3A_198 : i32
    %while3A_200 = arith.addi %while3A_198, %while3A_199 : i32
    %while3A_201 = arith.constant 1 : i32
    %while3A_202 = arith.divsi %while3A_199, %while3A_201 : i32
    %while3A_203 = arith.muli %while3A_202, %while3A_201 : i32
    %while3A_204 = arith.addi %while3A_198, %while3A_203 : i32
    %while3A_205 = arith.constant 1 : i32
    %while3A_206:2 = scf.for %while3A_364 = %while3A_198 to %while3A_204 step %while3A_205 iter_args(%while3A_365 = %broadcast_in_dim3A_171, %while3A_366 = %broadcast_in_dim3A_173) -> (vector<1536x1xf32>, vector<1536x64xf32>)  : i32 {
      %mul3A_367 = arith.constant 512 : i32
      %mul3A_368 = arith.muli %while3A_364, %mul3A_367 : i32
      %get3A_369 = arith.index_cast %mul3A_368 : i32 to index
      %get3A_370 = arith.constant 96 : index
      %get3A_371 = vector.load %arg2[%get3A_369, %get3A_370] : memref<2048x192xf32, #tpu.memory_space<vmem>>, vector<512x96xf32>
      %mul3A_372 = arith.constant 512 : i32
      %mul3A_373 = arith.muli %while3A_364, %mul3A_372 : i32
      %get3A_374 = arith.index_cast %mul3A_373 : i32 to index
      %get3A_375 = arith.constant 64 : index
      %get3A_376 = vector.load %arg3[%get3A_374, %get3A_375] : memref<2048x128xf32, #tpu.memory_space<vmem>>, vector<512x64xf32>
      %dot_general3A_377 = arith.constant dense<0.000000e+00> : vector<1536x512xf32>
      %dot_general3A_378 = tpu.matmul %concatenate3A_169, %get3A_371, %dot_general3A_377 {dimension_numbers = #tpu.dot_dimension_numbers<[1], [1], [0], [0], [0, 0, 1, 0], [], []>, transpose_lhs_hint = false} : vector<1536x96xf32>, vector<512x96xf32>, vector<1536x512xf32> -> vector<1536x512xf32>
      %exp3A_379 = math.exp %dot_general3A_378 : vector<1536x512xf32>
      %reduce_sum3A_380 = arith.constant dense<0.000000e+00> : vector<1536xf32>
      %reduce_sum3A_381 = vector.multi_reduction <add>, %exp3A_379, %reduce_sum3A_380 [1] : vector<1536x512xf32> to vector<1536xf32>
      %broadcast_in_dim3A_382 = vector.shape_cast %reduce_sum3A_381 : vector<1536xf32> to vector<1536x1xf32>
      %add3A_383 = arith.addf %while3A_365, %broadcast_in_dim3A_382 : vector<1536x1xf32>
      %dot_general3A_384 = arith.constant dense<0.000000e+00> : vector<1536x64xf32>
      %dot_general3A_385 = tpu.matmul %exp3A_379, %get3A_376, %dot_general3A_384 {dimension_numbers = #tpu.dot_dimension_numbers<[1], [0], [0], [1], [0, 0, 1, 1], [], []>, transpose_lhs_hint = false} : vector<1536x512xf32>, vector<512x64xf32>, vector<1536x64xf32> -> vector<1536x64xf32>
      %add3A_386 = arith.addf %while3A_366, %dot_general3A_385 : vector<1536x64xf32>
      scf.yield %add3A_383, %add3A_386 : vector<1536x1xf32>, vector<1536x64xf32>
    }
    %while3A_207 = arith.constant 1 : i32
    %while3A_208:2 = scf.for %while3A_364 = %while3A_204 to %while3A_200 step %while3A_207 iter_args(%while3A_365 = %while3A_206#0, %while3A_366 = %while3A_206#1) -> (vector<1536x1xf32>, vector<1536x64xf32>)  : i32 {
      %mul3A_367 = arith.constant 512 : i32
      %mul3A_368 = arith.muli %while3A_364, %mul3A_367 : i32
      %get3A_369 = arith.index_cast %mul3A_368 : i32 to index
      %get3A_370 = arith.constant 96 : index
      %get3A_371 = vector.load %arg2[%get3A_369, %get3A_370] : memref<2048x192xf32, #tpu.memory_space<vmem>>, vector<512x96xf32>
      %mul3A_372 = arith.constant 512 : i32
      %mul3A_373 = arith.muli %while3A_364, %mul3A_372 : i32
      %get3A_374 = arith.index_cast %mul3A_373 : i32 to index
      %get3A_375 = arith.constant 64 : index
      %get3A_376 = vector.load %arg3[%get3A_374, %get3A_375] : memref<2048x128xf32, #tpu.memory_space<vmem>>, vector<512x64xf32>
      %dot_general3A_377 = arith.constant dense<0.000000e+00> : vector<1536x512xf32>
      %dot_general3A_378 = tpu.matmul %concatenate3A_169, %get3A_371, %dot_general3A_377 {dimension_numbers = #tpu.dot_dimension_numbers<[1], [1], [0], [0], [0, 0, 1, 0], [], []>, transpose_lhs_hint = false} : vector<1536x96xf32>, vector<512x96xf32>, vector<1536x512xf32> -> vector<1536x512xf32>
      %exp3A_379 = math.exp %dot_general3A_378 : vector<1536x512xf32>
      %reduce_sum3A_380 = arith.constant dense<0.000000e+00> : vector<1536xf32>
      %reduce_sum3A_381 = vector.multi_reduction <add>, %exp3A_379, %reduce_sum3A_380 [1] : vector<1536x512xf32> to vector<1536xf32>
      %broadcast_in_dim3A_382 = vector.shape_cast %reduce_sum3A_381 : vector<1536xf32> to vector<1536x1xf32>
      %add3A_383 = arith.addf %while3A_365, %broadcast_in_dim3A_382 : vector<1536x1xf32>
      %dot_general3A_384 = arith.constant dense<0.000000e+00> : vector<1536x64xf32>
      %dot_general3A_385 = tpu.matmul %exp3A_379, %get3A_376, %dot_general3A_384 {dimension_numbers = #tpu.dot_dimension_numbers<[1], [0], [0], [1], [0, 0, 1, 1], [], []>, transpose_lhs_hint = false} : vector<1536x512xf32>, vector<512x64xf32>, vector<1536x64xf32> -> vector<1536x64xf32>
      %add3A_386 = arith.addf %while3A_366, %dot_general3A_385 : vector<1536x64xf32>
      scf.yield %add3A_383, %add3A_386 : vector<1536x1xf32>, vector<1536x64xf32>
    }
    %jit3A_209 = arith.constant 2 : i32
    %eq3A_210 = arith.constant 0 : i32
    %eq3A_211 = arith.cmpi eq, %jit3A_209, %eq3A_210 : i32
    %jit3A_212 = arith.constant 1 : i32
    %select_n3A_213 = arith.select %eq3A_211, %jit3A_212, %jit3A_209 : i32
    %rem3A_214 = arith.remsi %arg0, %select_n3A_213 : i32
    %ne3A_215 = arith.constant 0 : i32
    %ne3A_216 = arith.cmpi ne, %rem3A_214, %ne3A_215 : i32
    %lt3A_217 = arith.constant 0 : i32
    %lt3A_218 = arith.cmpi slt, %rem3A_214, %lt3A_217 : i32
    %lt3A_219 = arith.constant 0 : i32
    %lt3A_220 = arith.cmpi slt, %select_n3A_213, %lt3A_219 : i32
    %ne3A_221 = arith.xori %lt3A_218, %lt3A_220 : i1
    %and3A_222 = arith.andi %ne3A_221, %ne3A_216 : i1
    %add3A_223 = arith.addi %rem3A_214, %select_n3A_213 : i32
    %select_n3A_224 = arith.select %and3A_222, %add3A_223, %rem3A_214 : i32
    %eq3A_225 = arith.constant 1 : i32
    %eq3A_226 = arith.cmpi eq, %select_n3A_224, %eq3A_225 : i32
    %convert_element_type3A_227 = arith.extui %eq3A_226 : i1 to i32
    %cond3A_228 = arith.constant 0 : i32
    %cond3A_229 = arith.cmpi ne, %convert_element_type3A_227, %cond3A_228 : i32
    %cond3A_230:2 = scf.if %cond3A_229 -> (vector<1536x1xf32>, vector<1536x64xf32>) {
      %sub3A_364 = arith.constant 1 : i32
      %sub3A_365 = arith.subi %arg0, %sub3A_364 : i32
      %mul3A_366 = arith.constant 256 : i32
      %mul3A_367 = arith.muli %sub3A_365, %mul3A_366 : i32
      %get3A_368 = arith.index_cast %mul3A_367 : i32 to index
      %get3A_369 = arith.constant 96 : index
      %get3A_370 = vector.load %arg2[%get3A_368, %get3A_369] : memref<2048x192xf32, #tpu.memory_space<vmem>>, vector<256x96xf32>
      %mul3A_371 = arith.constant 256 : i32
      %mul3A_372 = arith.muli %sub3A_365, %mul3A_371 : i32
      %get3A_373 = arith.index_cast %mul3A_372 : i32 to index
      %get3A_374 = arith.constant 64 : index
      %get3A_375 = vector.load %arg3[%get3A_373, %get3A_374] : memref<2048x128xf32, #tpu.memory_space<vmem>>, vector<256x64xf32>
      %dot_general3A_376 = arith.constant dense<0.000000e+00> : vector<1536x256xf32>
      %dot_general3A_377 = tpu.matmul %concatenate3A_169, %get3A_370, %dot_general3A_376 {dimension_numbers = #tpu.dot_dimension_numbers<[1], [1], [0], [0], [0, 0, 1, 0], [], []>, transpose_lhs_hint = false} : vector<1536x96xf32>, vector<256x96xf32>, vector<1536x256xf32> -> vector<1536x256xf32>
      %exp3A_378 = math.exp %dot_general3A_377 : vector<1536x256xf32>
      %reduce_sum3A_379 = arith.constant dense<0.000000e+00> : vector<1536xf32>
      %reduce_sum3A_380 = vector.multi_reduction <add>, %exp3A_378, %reduce_sum3A_379 [1] : vector<1536x256xf32> to vector<1536xf32>
      %broadcast_in_dim3A_381 = vector.shape_cast %reduce_sum3A_380 : vector<1536xf32> to vector<1536x1xf32>
      %add3A_382 = arith.addf %while3A_208#0, %broadcast_in_dim3A_381 : vector<1536x1xf32>
      %dot_general3A_383 = arith.constant dense<0.000000e+00> : vector<1536x64xf32>
      %dot_general3A_384 = tpu.matmul %exp3A_378, %get3A_375, %dot_general3A_383 {dimension_numbers = #tpu.dot_dimension_numbers<[1], [0], [0], [1], [0, 0, 1, 1], [], []>, transpose_lhs_hint = false} : vector<1536x256xf32>, vector<256x64xf32>, vector<1536x64xf32> -> vector<1536x64xf32>
      %add3A_385 = arith.addf %while3A_208#1, %dot_general3A_384 : vector<1536x64xf32>
      scf.yield %add3A_382, %add3A_385 : vector<1536x1xf32>, vector<1536x64xf32>
    } else {
      scf.yield %while3A_208#0, %while3A_208#1 : vector<1536x1xf32>, vector<1536x64xf32>
    }
    %mul3A_231 = arith.constant 256 : i32
    %mul3A_232 = arith.muli %arg0, %mul3A_231 : i32
    %get3A_233 = arith.index_cast %mul3A_232 : i32 to index
    %get3A_234 = arith.constant 96 : index
    %get3A_235 = vector.load %arg2[%get3A_233, %get3A_234] : memref<2048x192xf32, #tpu.memory_space<vmem>>, vector<256x96xf32>
    %mul3A_236 = arith.constant 256 : i32
    %mul3A_237 = arith.muli %arg0, %mul3A_236 : i32
    %get3A_238 = arith.index_cast %mul3A_237 : i32 to index
    %get3A_239 = arith.constant 64 : index
    %get3A_240 = vector.load %arg3[%get3A_238, %get3A_239] : memref<2048x128xf32, #tpu.memory_space<vmem>>, vector<256x64xf32>
    %dot_general3A_241 = arith.constant dense<0.000000e+00> : vector<1536x256xf32>
    %dot_general3A_242 = tpu.matmul %concatenate3A_169, %get3A_235, %dot_general3A_241 {dimension_numbers = #tpu.dot_dimension_numbers<[1], [1], [0], [0], [0, 0, 1, 0], [], []>, transpose_lhs_hint = false} : vector<1536x96xf32>, vector<256x96xf32>, vector<1536x256xf32> -> vector<1536x256xf32>
    %add3A_243 = arith.addf %dot_general3A_242, %concatenate3A : vector<1536x256xf32>
    %exp3A_244 = math.exp %add3A_243 : vector<1536x256xf32>
    %reduce_sum3A_245 = arith.constant dense<0.000000e+00> : vector<1536xf32>
    %reduce_sum3A_246 = vector.multi_reduction <add>, %exp3A_244, %reduce_sum3A_245 [1] : vector<1536x256xf32> to vector<1536xf32>
    %broadcast_in_dim3A_247 = vector.shape_cast %reduce_sum3A_246 : vector<1536xf32> to vector<1536x1xf32>
    %add3A_248 = arith.addf %cond3A_230#0, %broadcast_in_dim3A_247 : vector<1536x1xf32>
    %dot_general3A_249 = arith.constant dense<0.000000e+00> : vector<1536x64xf32>
    %dot_general3A_250 = tpu.matmul %exp3A_244, %get3A_240, %dot_general3A_249 {dimension_numbers = #tpu.dot_dimension_numbers<[1], [0], [0], [1], [0, 0, 1, 1], [], []>, transpose_lhs_hint = false} : vector<1536x256xf32>, vector<256x64xf32>, vector<1536x64xf32> -> vector<1536x64xf32>
    %add3A_251 = arith.addf %cond3A_230#1, %dot_general3A_250 : vector<1536x64xf32>
    %div3A_252 = vector.broadcast %add3A_248 : vector<1536x1xf32> to vector<1536x64xf32>
    %div3A_253 = arith.divf %add3A_251, %div3A_252 : vector<1536x64xf32>
    %get3A_254 = arith.index_cast %mul3A_7 : i32 to index
    %get3A_255 = arith.constant 96 : index
    %get3A_256 = vector.load %arg2[%get3A_254, %get3A_255] : memref<2048x192xf32, #tpu.memory_space<vmem>>, vector<768x64xf32>
    %get3A_257 = arith.index_cast %mul3A_7 : i32 to index
    %get3A_258 = arith.constant 64 : index
    %get3A_259 = vector.load %arg3[%get3A_257, %get3A_258] : memref<2048x128xf32, #tpu.memory_space<vmem>>, vector<768x64xf32>
    %dot_general3A_260 = arith.constant dense<0.000000e+00> : vector<1536x768xf32>
    %dot_general3A_261 = tpu.matmul %reshape3A_152, %get3A_256, %dot_general3A_260 {dimension_numbers = #tpu.dot_dimension_numbers<[1], [1], [0], [0], [0, 0, 1, 0], [], []>, transpose_lhs_hint = false} : vector<1536x64xf32>, vector<768x64xf32>, vector<1536x768xf32> -> vector<1536x768xf32>
    %add3A_262 = arith.addf %dot_general3A_261, %concatenate3A_23 : vector<1536x768xf32>
    %exp3A_263 = math.exp %add3A_262 : vector<1536x768xf32>
    %reduce_sum3A_264 = arith.constant dense<0.000000e+00> : vector<1536xf32>
    %reduce_sum3A_265 = vector.multi_reduction <add>, %exp3A_263, %reduce_sum3A_264 [1] : vector<1536x768xf32> to vector<1536xf32>
    %broadcast_in_dim3A_266 = vector.shape_cast %reduce_sum3A_265 : vector<1536xf32> to vector<1536x1xf32>
    %dot_general3A_267 = arith.constant dense<0.000000e+00> : vector<1536x64xf32>
    %dot_general3A_268 = tpu.matmul %exp3A_263, %get3A_259, %dot_general3A_267 {dimension_numbers = #tpu.dot_dimension_numbers<[1], [0], [0], [1], [0, 0, 1, 1], [], []>, transpose_lhs_hint = false} : vector<1536x768xf32>, vector<768x64xf32>, vector<1536x64xf32> -> vector<1536x64xf32>
    %div3A_269 = vector.broadcast %broadcast_in_dim3A_266 : vector<1536x1xf32> to vector<1536x64xf32>
    %div3A_270 = arith.divf %dot_general3A_268, %div3A_269 : vector<1536x64xf32>
    %mul3A_271 = vector.broadcast %concatenate3A_26 : vector<1536x1xf32> to vector<1536x64xf32>
    %mul3A_272 = arith.mulf %mul3A_271, %reshape3A_159 : vector<1536x64xf32>
    %mul3A_273 = vector.broadcast %concatenate3A_28 : vector<1536x1xf32> to vector<1536x64xf32>
    %mul3A_274 = arith.mulf %mul3A_273, %div3A_253 : vector<1536x64xf32>
    %add3A_275 = arith.addf %mul3A_272, %mul3A_274 : vector<1536x64xf32>
    %mul3A_276 = vector.broadcast %concatenate3A_30 : vector<1536x1xf32> to vector<1536x64xf32>
    %mul3A_277 = arith.mulf %mul3A_276, %div3A_270 : vector<1536x64xf32>
    %add3A_278 = arith.addf %add3A_275, %mul3A_277 : vector<1536x64xf32>
    %slice3A_279 = vector.extract_strided_slice %add3A_147 {offsets = [0, 0], sizes = [256, 64], strides = [1, 1]} : vector<1536x64xf32> to vector<256x64xf32>
    %get3A_280 = arith.constant 0 : index
    %get3A_281 = arith.constant 0 : index
    %get3A_282 = vector.load %arg7[%get3A_280, %get3A_281] : memref<768x768xf32, #tpu.memory_space<vmem>>, vector<64x768xf32>
    %dot_general3A_283 = arith.constant dense<0.000000e+00> : vector<256x768xf32>
    %dot_general3A_284 = tpu.matmul %slice3A_279, %get3A_282, %dot_general3A_283 {dimension_numbers = #tpu.dot_dimension_numbers<[1], [0], [0], [1], [0, 0, 1, 1], [], []>, transpose_lhs_hint = false} : vector<256x64xf32>, vector<64x768xf32>, vector<256x768xf32> -> vector<256x768xf32>
    %slice3A_285 = vector.extract_strided_slice %add3A_147 {offsets = [256, 0], sizes = [256, 64], strides = [1, 1]} : vector<1536x64xf32> to vector<256x64xf32>
    %get3A_286 = arith.constant 64 : index
    %get3A_287 = arith.constant 0 : index
    %get3A_288 = vector.load %arg7[%get3A_286, %get3A_287] : memref<768x768xf32, #tpu.memory_space<vmem>>, vector<64x768xf32>
    %dot_general3A_289 = arith.constant dense<0.000000e+00> : vector<256x768xf32>
    %dot_general3A_290 = tpu.matmul %slice3A_285, %get3A_288, %dot_general3A_289 {dimension_numbers = #tpu.dot_dimension_numbers<[1], [0], [0], [1], [0, 0, 1, 1], [], []>, transpose_lhs_hint = false} : vector<256x64xf32>, vector<64x768xf32>, vector<256x768xf32> -> vector<256x768xf32>
    %add3A_291 = arith.addf %dot_general3A_284, %dot_general3A_290 : vector<256x768xf32>
    %slice3A_292 = vector.extract_strided_slice %add3A_147 {offsets = [512, 0], sizes = [256, 64], strides = [1, 1]} : vector<1536x64xf32> to vector<256x64xf32>
    %get3A_293 = arith.constant 128 : index
    %get3A_294 = arith.constant 0 : index
    %get3A_295 = vector.load %arg7[%get3A_293, %get3A_294] : memref<768x768xf32, #tpu.memory_space<vmem>>, vector<64x768xf32>
    %dot_general3A_296 = arith.constant dense<0.000000e+00> : vector<256x768xf32>
    %dot_general3A_297 = tpu.matmul %slice3A_292, %get3A_295, %dot_general3A_296 {dimension_numbers = #tpu.dot_dimension_numbers<[1], [0], [0], [1], [0, 0, 1, 1], [], []>, transpose_lhs_hint = false} : vector<256x64xf32>, vector<64x768xf32>, vector<256x768xf32> -> vector<256x768xf32>
    %add3A_298 = arith.addf %add3A_291, %dot_general3A_297 : vector<256x768xf32>
    %slice3A_299 = vector.extract_strided_slice %add3A_147 {offsets = [768, 0], sizes = [256, 64], strides = [1, 1]} : vector<1536x64xf32> to vector<256x64xf32>
    %get3A_300 = arith.constant 192 : index
    %get3A_301 = arith.constant 0 : index
    %get3A_302 = vector.load %arg7[%get3A_300, %get3A_301] : memref<768x768xf32, #tpu.memory_space<vmem>>, vector<64x768xf32>
    %dot_general3A_303 = arith.constant dense<0.000000e+00> : vector<256x768xf32>
    %dot_general3A_304 = tpu.matmul %slice3A_299, %get3A_302, %dot_general3A_303 {dimension_numbers = #tpu.dot_dimension_numbers<[1], [0], [0], [1], [0, 0, 1, 1], [], []>, transpose_lhs_hint = false} : vector<256x64xf32>, vector<64x768xf32>, vector<256x768xf32> -> vector<256x768xf32>
    %add3A_305 = arith.addf %add3A_298, %dot_general3A_304 : vector<256x768xf32>
    %slice3A_306 = vector.extract_strided_slice %add3A_147 {offsets = [1024, 0], sizes = [256, 64], strides = [1, 1]} : vector<1536x64xf32> to vector<256x64xf32>
    %get3A_307 = arith.constant 256 : index
    %get3A_308 = arith.constant 0 : index
    %get3A_309 = vector.load %arg7[%get3A_307, %get3A_308] : memref<768x768xf32, #tpu.memory_space<vmem>>, vector<64x768xf32>
    %dot_general3A_310 = arith.constant dense<0.000000e+00> : vector<256x768xf32>
    %dot_general3A_311 = tpu.matmul %slice3A_306, %get3A_309, %dot_general3A_310 {dimension_numbers = #tpu.dot_dimension_numbers<[1], [0], [0], [1], [0, 0, 1, 1], [], []>, transpose_lhs_hint = false} : vector<256x64xf32>, vector<64x768xf32>, vector<256x768xf32> -> vector<256x768xf32>
    %add3A_312 = arith.addf %add3A_305, %dot_general3A_311 : vector<256x768xf32>
    %slice3A_313 = vector.extract_strided_slice %add3A_147 {offsets = [1280, 0], sizes = [256, 64], strides = [1, 1]} : vector<1536x64xf32> to vector<256x64xf32>
    %get3A_314 = arith.constant 320 : index
    %get3A_315 = arith.constant 0 : index
    %get3A_316 = vector.load %arg7[%get3A_314, %get3A_315] : memref<768x768xf32, #tpu.memory_space<vmem>>, vector<64x768xf32>
    %dot_general3A_317 = arith.constant dense<0.000000e+00> : vector<256x768xf32>
    %dot_general3A_318 = tpu.matmul %slice3A_313, %get3A_316, %dot_general3A_317 {dimension_numbers = #tpu.dot_dimension_numbers<[1], [0], [0], [1], [0, 0, 1, 1], [], []>, transpose_lhs_hint = false} : vector<256x64xf32>, vector<64x768xf32>, vector<256x768xf32> -> vector<256x768xf32>
    %add3A_319 = arith.addf %add3A_312, %dot_general3A_318 : vector<256x768xf32>
    %slice3A_320 = vector.extract_strided_slice %add3A_278 {offsets = [0, 0], sizes = [256, 64], strides = [1, 1]} : vector<1536x64xf32> to vector<256x64xf32>
    %get3A_321 = arith.constant 384 : index
    %get3A_322 = arith.constant 0 : index
    %get3A_323 = vector.load %arg7[%get3A_321, %get3A_322] : memref<768x768xf32, #tpu.memory_space<vmem>>, vector<64x768xf32>
    %dot_general3A_324 = arith.constant dense<0.000000e+00> : vector<256x768xf32>
    %dot_general3A_325 = tpu.matmul %slice3A_320, %get3A_323, %dot_general3A_324 {dimension_numbers = #tpu.dot_dimension_numbers<[1], [0], [0], [1], [0, 0, 1, 1], [], []>, transpose_lhs_hint = false} : vector<256x64xf32>, vector<64x768xf32>, vector<256x768xf32> -> vector<256x768xf32>
    %add3A_326 = arith.addf %add3A_319, %dot_general3A_325 : vector<256x768xf32>
    %slice3A_327 = vector.extract_strided_slice %add3A_278 {offsets = [256, 0], sizes = [256, 64], strides = [1, 1]} : vector<1536x64xf32> to vector<256x64xf32>
    %get3A_328 = arith.constant 448 : index
    %get3A_329 = arith.constant 0 : index
    %get3A_330 = vector.load %arg7[%get3A_328, %get3A_329] : memref<768x768xf32, #tpu.memory_space<vmem>>, vector<64x768xf32>
    %dot_general3A_331 = arith.constant dense<0.000000e+00> : vector<256x768xf32>
    %dot_general3A_332 = tpu.matmul %slice3A_327, %get3A_330, %dot_general3A_331 {dimension_numbers = #tpu.dot_dimension_numbers<[1], [0], [0], [1], [0, 0, 1, 1], [], []>, transpose_lhs_hint = false} : vector<256x64xf32>, vector<64x768xf32>, vector<256x768xf32> -> vector<256x768xf32>
    %add3A_333 = arith.addf %add3A_326, %dot_general3A_332 : vector<256x768xf32>
    %slice3A_334 = vector.extract_strided_slice %add3A_278 {offsets = [512, 0], sizes = [256, 64], strides = [1, 1]} : vector<1536x64xf32> to vector<256x64xf32>
    %get3A_335 = arith.constant 512 : index
    %get3A_336 = arith.constant 0 : index
    %get3A_337 = vector.load %arg7[%get3A_335, %get3A_336] : memref<768x768xf32, #tpu.memory_space<vmem>>, vector<64x768xf32>
    %dot_general3A_338 = arith.constant dense<0.000000e+00> : vector<256x768xf32>
    %dot_general3A_339 = tpu.matmul %slice3A_334, %get3A_337, %dot_general3A_338 {dimension_numbers = #tpu.dot_dimension_numbers<[1], [0], [0], [1], [0, 0, 1, 1], [], []>, transpose_lhs_hint = false} : vector<256x64xf32>, vector<64x768xf32>, vector<256x768xf32> -> vector<256x768xf32>
    %add3A_340 = arith.addf %add3A_333, %dot_general3A_339 : vector<256x768xf32>
    %slice3A_341 = vector.extract_strided_slice %add3A_278 {offsets = [768, 0], sizes = [256, 64], strides = [1, 1]} : vector<1536x64xf32> to vector<256x64xf32>
    %get3A_342 = arith.constant 576 : index
    %get3A_343 = arith.constant 0 : index
    %get3A_344 = vector.load %arg7[%get3A_342, %get3A_343] : memref<768x768xf32, #tpu.memory_space<vmem>>, vector<64x768xf32>
    %dot_general3A_345 = arith.constant dense<0.000000e+00> : vector<256x768xf32>
    %dot_general3A_346 = tpu.matmul %slice3A_341, %get3A_344, %dot_general3A_345 {dimension_numbers = #tpu.dot_dimension_numbers<[1], [0], [0], [1], [0, 0, 1, 1], [], []>, transpose_lhs_hint = false} : vector<256x64xf32>, vector<64x768xf32>, vector<256x768xf32> -> vector<256x768xf32>
    %add3A_347 = arith.addf %add3A_340, %dot_general3A_346 : vector<256x768xf32>
    %slice3A_348 = vector.extract_strided_slice %add3A_278 {offsets = [1024, 0], sizes = [256, 64], strides = [1, 1]} : vector<1536x64xf32> to vector<256x64xf32>
    %get3A_349 = arith.constant 640 : index
    %get3A_350 = arith.constant 0 : index
    %get3A_351 = vector.load %arg7[%get3A_349, %get3A_350] : memref<768x768xf32, #tpu.memory_space<vmem>>, vector<64x768xf32>
    %dot_general3A_352 = arith.constant dense<0.000000e+00> : vector<256x768xf32>
    %dot_general3A_353 = tpu.matmul %slice3A_348, %get3A_351, %dot_general3A_352 {dimension_numbers = #tpu.dot_dimension_numbers<[1], [0], [0], [1], [0, 0, 1, 1], [], []>, transpose_lhs_hint = false} : vector<256x64xf32>, vector<64x768xf32>, vector<256x768xf32> -> vector<256x768xf32>
    %add3A_354 = arith.addf %add3A_347, %dot_general3A_353 : vector<256x768xf32>
    %slice3A_355 = vector.extract_strided_slice %add3A_278 {offsets = [1280, 0], sizes = [256, 64], strides = [1, 1]} : vector<1536x64xf32> to vector<256x64xf32>
    %get3A_356 = arith.constant 704 : index
    %get3A_357 = arith.constant 0 : index
    %get3A_358 = vector.load %arg7[%get3A_356, %get3A_357] : memref<768x768xf32, #tpu.memory_space<vmem>>, vector<64x768xf32>
    %dot_general3A_359 = arith.constant dense<0.000000e+00> : vector<256x768xf32>
    %dot_general3A_360 = tpu.matmul %slice3A_355, %get3A_358, %dot_general3A_359 {dimension_numbers = #tpu.dot_dimension_numbers<[1], [0], [0], [1], [0, 0, 1, 1], [], []>, transpose_lhs_hint = false} : vector<256x64xf32>, vector<64x768xf32>, vector<256x768xf32> -> vector<256x768xf32>
    %add3A_361 = arith.addf %add3A_354, %dot_general3A_360 : vector<256x768xf32>
    %swap3A = arith.constant 0 : index
    %swap3A_362 = arith.constant 0 : index
    %swap3A_363 = vector.load %arg8[%swap3A, %swap3A_362] : memref<256x768xf32, #tpu.memory_space<vmem>>, vector<256x768xf32>
    tpu.vector_store %arg8[%swap3A, %swap3A_362], %add3A_361 {strides = array<i32>} : memref<256x768xf32, #tpu.memory_space<vmem>>, vector<256x768xf32>,
    return
  }
  func.func @transform_0(%arg0: i32) -> (i32, i32, i32) {
    %c0_i32 = arith.constant 0 : i32
    %c0_i32_0 = arith.constant 0 : i32
    %c0_i32_1 = arith.constant 0 : i32
    return %c0_i32, %arg0, %c0_i32_0 : i32, i32, i32
  }
  func.func @transform_1(%arg0: i32) -> (i32, i32) {
    %c0_i32 = arith.constant 0 : i32
    %c0_i32_0 = arith.constant 0 : i32
    %c0_i32_1 = arith.constant 0 : i32
    return %c0_i32, %c0_i32_0 : i32, i32
  }
  func.func @transform_2(%arg0: i32) -> (i32, i32) {
    %c0_i32 = arith.constant 0 : i32
    %c0_i32_0 = arith.constant 0 : i32
    %c0_i32_1 = arith.constant 0 : i32
    return %c0_i32, %c0_i32_0 : i32, i32
  }
  func.func @transform_3(%arg0: i32) -> (i32, i32, i32, i32) {
    %c0_i32 = arith.constant 0 : i32
    %c0_i32_0 = arith.constant 0 : i32
    %c0_i32_1 = arith.constant 0 : i32
    %c0_i32_2 = arith.constant 0 : i32
    return %c0_i32, %c0_i32_0, %arg0, %c0_i32_1 : i32, i32, i32, i32
  }
  func.func @transform_4(%arg0: i32) -> (i32, i32, i32, i32) {
    %c0_i32 = arith.constant 0 : i32
    %c0_i32_0 = arith.constant 0 : i32
    %c0_i32_1 = arith.constant 0 : i32
    %c0_i32_2 = arith.constant 0 : i32
    return %c0_i32, %arg0, %c0_i32_0, %c0_i32_1 : i32, i32, i32, i32
  }
  func.func @transform_5(%arg0: i32) -> (i32, i32) {
    %c0_i32 = arith.constant 0 : i32
    %c0_i32_0 = arith.constant 0 : i32
    return %arg0, %c0_i32 : i32, i32
  }
  func.func @transform_6(%arg0: i32) -> (i32, i32) {
    %c0_i32 = arith.constant 0 : i32
    %c0_i32_0 = arith.constant 0 : i32
    %c0_i32_1 = arith.constant 0 : i32
    return %c0_i32, %c0_i32_0 : i32, i32
  }
  func.func @transform_7(%arg0: i32) -> (i32, i32) {
    %c0_i32 = arith.constant 0 : i32
    %c0_i32_0 = arith.constant 0 : i32
    return %arg0, %c0_i32 : i32, i32
  }
}

</mosaic_0001>

<sc_bundles>
// kernel: kernel.6.cloned.1.call-start
scs
__scs_entry_jumppad:
0x0: {  	(pc) =	sbr.rel $0x88, $3  }
0x1: {  	(tag) =	ssettag $0x0;
	lr =	simm.s32 $0x1  }
0x2: {  	[smem:$0x3F99] =	sst lr;
	_ =	strace $0xD0000000  }
0x3: {  	_ = 	snop  }
0x4: {  	_ = 	snop  }
0x5: {  	_ = 	snop  }
0x6: {  	_ = 	snop  }
0x7: {  	_ = 	snop  }
__scs_overlays_trampoline_lowered:
0x8: {  	[smem:$0x3FA8] =	sst s0  }
0x9: {  	[smem:$0x3FA9] =	sst s1  }
0xa: {  	[smem:$0x3FAA] =	sst s2  }
0xb: {  	[smem:$0x3FAB] =	sst s3  }
0xc: {  	[smem:$0x3FAC] =	sst s4  }
0xd: {  	[smem:$0x3FAD] =	sst s5  }
0xe: {  	[smem:$0x3FAE] =	sst s6  }
0xf: {  	[smem:$0x3FAF] =	sst s7  }
0x10: {  	[smem:$0x3FB0] =	sst s8  }
0x11: {  	[smem:$0x3FB1] =	sst s9;
	s0 =	simm.s32 @!p0 $0x0  }
0x12: {  	s1 =	sld [smem:$0x3F97];
	s0 =	simm.s32 @p0 $0x1  }
0x13: {  	[smem:$0x3FB2] =	sst s0;
	s0 =	simm.s32 @!p1 $0x0  }
0x14: {  	s2 =	sld [smem:$0x3F96];
	s0 =	simm.s32 @p1 $0x1  }
0x15: {  	[smem:$0x3FB3] =	sst s0;
	s0 =	simm.s32 @!p2 $0x0  }
0x16: {  	s3 =	sld [smem:$0x3FDB];
	s0 =	simm.s32 @p2 $0x1  }
0x17: {  	s4 =	simm.s32 $0x1BF5;
	[smem:$0x3FB5] =	sst s0  }
0x18: {  	s0 =	sld [smem:$0x3F98];
	_ =	swait.ge [sflag:s4], $0x0  }
0x19: {  	s7 =	sld [smem:$0x3F99]  }
0x1a: {  	s8 =	sadd.s32 $0xFFFFE003, lr  }
0x1b: {  	s9 =	sadd.s32 $0xFFFFFEF7, lr;
	s5 =	simm.s32 $0xFFFFFFFF;
	p2 =	slt.u32 s8, $0xFFFFF086  }
0x1c: {  	p1 =	slt.u32 s9, $0xF7A;
	s5 =	simm.s32 @!p2 $0x0  }
0x1d: {  	s5 =	simm.s32 @p1 $0x1;
	p0 =	seq.s32 s7, s2  }
0x1e: {  	s7 =	smul.u32 @!p0 $0xF7A, s2;
	p2 =	seq.s32 @!p0 s5, $0x0  }
0x1f: {  	s9 =	smul.u32 $0xF7A, s1;
	s8 =	simm.s32 @!p0 $0x1BF5;
	p2 =	por !p2, p0  }
0x20: {  	[sflag:s8] =	ssyncset.s32 @!p0 $0xFFFFF086;
	s6 =	sadd.s32 @!p0 s3, s7;
	s7 =	simm.s32 @!p0 $0x108  }
0x21: {  	s3 =	sadd.s32 s3, s9;
	s6 =	sadd.s32 @!p0 $0x88, s6;
	s7 =	simm.s32 @p2 $0x1082  }
0x22: {  	[simem:s7], [sflag:s8] =	dma.local @!p0 [hbm:s6], $0xF7A  }
0x23: {  	s9 =	sor.u32 $0xD0000000, s2;
	s6 =	simm.s32 $0x108;
	_ =	swait.ge @!p0 [sflag:s8], $0x0  }
0x24: {  	s3 =	sadd.s32 $0x88, s3;
	s6 =	simm.s32 @!p1 $0x1082;
	[sflag:s4] =	ssyncset.s32 $0xFFFFF086  }
0x25: {  	[simem:s6], [sflag:s4] =	dma.local [hbm:s3], $0xF7A  }
0x26: {  	[smem:$0x3F99] =	sst s1;
	(tag) =	ssettag s2;
	_ =	strace s9  }
0x27: {  	s1 =	sld [smem:$0x3FA9]  }
0x28: {  	s2 =	sld [smem:$0x3FAA]  }
0x29: {  	s4 =	sld [smem:$0x3FAC]  }
0x2a: {  	p0 =	seq.s32 s5, $0x0;
	s5 =	sld [smem:$0x3FAD]  }
0x2b: {  	s6 =	sld [smem:$0x3FAE]  }
0x2c: {  	s7 =	sld [smem:$0x3FAF]  }
0x2d: {  	s3 =	simm.s32 $0x108;
	s8 =	sld [smem:$0x3FB0]  }
0x2e: {  	s3 =	simm.s32 @!p0 $0x1082;
	s9 =	sld [smem:$0x3FB1]  }
0x2f: {  	lr =	sadd.s32 s0, s3;
	s0 =	sld [smem:$0x3FA8]  }
0x30: {  	s3 =	sld [smem:$0x3FAB]  }
0x31: {  	[smem:$0x3FB4] =	sst s10  }
0x32: {  	s10 =	sld [smem:$0x3FB2];
	_ =	sdelay $0x3  }
0x33: {  	p0 =	seq.s32 s10, $0x1;
	s10 =	sld [smem:$0x3FB4];
	_ =	sdelay $0x3  }
0x34: {  	[smem:$0x3FB4] =	sst s10  }
0x35: {  	s10 =	sld [smem:$0x3FB3];
	_ =	sdelay $0x3  }
0x36: {  	p1 =	seq.s32 s10, $0x1;
	s10 =	sld [smem:$0x3FB4];
	_ =	sdelay $0x3  }
0x37: {  	[smem:$0x3FB4] =	sst s10  }
0x38: {  	s10 =	sld [smem:$0x3FB5]  }
0x39: {  	_ = 	snop;
	(pc) =	sbr.ind lr, $3  }
0x3a: {  	_ = 	snop  }
0x3b: {  	_ = 	snop  }
0x3c: {  	p2 =	seq.s32 s10, $0x1;
	s10 =	sld [smem:$0x3FB4]  }
0x3d: {  	_ =	shalt  }
0x3e: {  	_ =	shalt  }
0x3f: {  	_ =	shalt  }
0x40: {  	_ =	shalt  }
0x41: {  	_ =	shalt  }
0x42: {  	_ =	shalt  }
0x43: {  	_ =	shalt  }
0x44: {  	_ =	shalt  }
0x45: {  	_ =	shalt  }
0x46: {  	_ =	shalt  }
0x47: {  	_ =	shalt  }
0x48: {  	_ =	shalt  }
0x49: {  	_ =	shalt  }
0x4a: {  	_ =	shalt  }
0x4b: {  	_ =	shalt  }
0x4c: {  	_ =	shalt  }
0x4d: {  	_ =	shalt  }
0x4e: {  	_ =	shalt  }
0x4f: {  	_ =	shalt  }
0x50: {  	_ =	shalt  }
0x51: {  	_ =	shalt  }
0x52: {  	_ =	shalt  }
0x53: {  	_ =	shalt  }
0x54: {  	_ =	shalt  }
0x55: {  	_ =	shalt  }
0x56: {  	_ =	shalt  }
0x57: {  	_ =	shalt  }
0x58: {  	_ =	shalt  }
0x59: {  	_ =	shalt  }
0x5a: {  	_ =	shalt  }
0x5b: {  	_ =	shalt  }
0x5c: {  	_ =	shalt  }
0x5d: {  	_ =	shalt  }
0x5e: {  	_ =	shalt  }
0x5f: {  	_ =	shalt  }
0x60: {  	_ =	shalt  }
0x61: {  	_ =	shalt  }
0x62: {  	_ =	shalt  }
0x63: {  	_ =	shalt  }
0x64: {  	_ =	shalt  }
0x65: {  	_ =	shalt  }
0x66: {  	_ =	shalt  }
0x67: {  	_ =	shalt  }
0x68: {  	_ =	shalt  }
0x69: {  	_ =	shalt  }
0x6a: {  	_ =	shalt  }
0x6b: {  	_ =	shalt  }
0x6c: {  	_ =	shalt  }
0x6d: {  	_ =	shalt  }
0x6e: {  	_ =	shalt  }
0x6f: {  	_ =	shalt  }
0x70: {  	_ =	shalt  }
0x71: {  	_ =	shalt  }
0x72: {  	_ =	shalt  }
0x73: {  	_ =	shalt  }
0x74: {  	_ =	shalt  }
0x75: {  	_ =	shalt  }
0x76: {  	_ =	shalt  }
0x77: {  	_ =	shalt  }
0x78: {  	_ =	shalt  }
0x79: {  	_ =	shalt  }
0x7a: {  	_ =	shalt  }
0x7b: {  	_ =	shalt  }
0x7c: {  	_ =	shalt  }
0x7d: {  	_ =	shalt  }
0x7e: {  	_ =	shalt  }
0x7f: {  	_ =	shalt  }
0x80: {  	_ =	shalt  }
0x81: {  	_ =	shalt  }
0x82: {  	_ =	shalt  }
0x83: {  	_ =	shalt  }
0x84: {  	_ =	shalt  }
0x85: {  	_ =	shalt  }
0x86: {  	_ =	shalt  }
0x87: {  	_ =	shalt  }
.Lfunc_end0:
.L_simem_size_0:
called_computation_lowered:
.L_overlay_start_0:
0x88: {  	s2 =	sld [smem:$0x3FD9]  }
0x89: {  	s3 =	sld [smem:$0x3FFE];
	_ =	sdelay $0x1  }
0x8a: {  	s1 =	srdreg.scid  }
0x8b: {  	s0 =	sand.u32 $0x1, s1  }
0x8c: {  	s17 =	sshll.u32 s0, $0xA;
	s2 =	sadd.s32 s3, s2  }
0x8d: {  	s2 =	sadd.s32 s2, s17  }
0x8e: {  	[smem:$0x3FC0] =	sst s2  }
0x8f: {  	_ = 	snop  }
0x90: {  	s2 =	sld [smem:$0x3FD0];
	(tm) =	ssettm $0x1  }
0x91: {  	s18 =	sld [smem:$0x3FFB];
	_ =	sdelay $0x3  }
0x92: {  	_ =	strace s18  }
0x93: {  	s3 =	sld [smem:$0x3FFC];
	_ =	sdelay $0x3  }
0x94: {  	_ =	strace s3  }
0x95: {  	s3 =	sld [smem:$0x3FFD];
	_ =	sdelay $0x3  }
0x96: {  	_ =	strace s3  }
0x97: {  	_ =	strace $0x8FFFFFFF  }
0x98: {  	s19 =	sld [smem:$0x3FDB];
	_ =	sdelay $0x1  }
0x99: {  	s4 =	simm.s32 $_scs_section_size  }
0x9a: {  	s5 =	simm.s32 $_size__tile_overlayer_lowered;
	s6 =	simm.s32 $_tile_overlayer_lowered  }
0x9b: {  	s22 =	simm.s32 $0x1BFF;
	s21 =	sshll.u32 s6, $0x1;
	s3 =	sadd.s32 s4, s19  }
0x9c: {  	s7 =	simm.s32 $0x0;
	s20 =	sshll.u32 s5, $0x1;
	s5 =	sadd.s32 s21, s3  }
0x9d: {  	[timem:s7], [sflag:s22] =	dma.local [hbm:s5], s20  }
0x9e: {  	_ =	swait.ge [sflag:s22], s20  }
0x9f: {  	s4 =	ssub.s32 $0x0, s20;
	[sflag:s22] =	ssyncset.done $0x0  }
0xa0: {  	[sflag:s22] =	ssyncadd.s32 s4;
	_ =	sdelay $0x1  }
0xa1: {  	s23 =	simm.s32 $0x1B8B  }
0xa2: {  	_ =	swait.ge [sflag:s23], $0x1  }
0xa3: {  	[sflag:s23] =	ssyncset.done $0x0  }
0xa4: {  	s25 =	simm.s32 $0x1B8E;
	s24 =	sld [smem:$0x3FFE];
	[sflag:s23] =	ssyncadd.s32 $0xFFFFFFFF  }
0xa5: {  	s26 =	simm.s32 $execute0_lowered;
	[smem:$0x3FD2] =	sst s25  }
0xa6: {  	s5 =	sshll.u32 s26, $0x1;
	_ =	strace $0x80000046;
	[dreg:$0x1] =	wrdreg $0xFFFFFFFF  }
0xa7: {  	s28 =	simm.s32 $_size_execute0_lowered;
	s3 =	sadd.s32 s3, s5;
	[dreg:$0x0] =	wrdreg $0x0  }
0xa8: {  	s5 =	sshll.u32 s28, $0x1;
	[dreg:$0x2] =	wrdreg s3  }
0xa9: {  	[dreg:$0x3] =	wrdreg s5  }
0xaa: {  	[dreg:$0x4] =	wrdreg $0xC0  }
0xab: {  	_ =	task [dreg:s7], $0x5FFFF  }
0xac: {  	[dreg:$0x1] =	wrdreg $0xFFFFFFFF  }
0xad: {  	[dreg:$0x0] =	wrdreg $0x60  }
0xae: {  	[dreg:$0x2] =	wrdreg s2  }
0xaf: {  	[dreg:$0x3] =	wrdreg s24  }
0xb0: {  	[dreg:$0x4] =	wrdreg $0x9  }
0xb1: {  	_ =	task.clear_ibuf [dreg:s7], $0x5FFFF;
	_ =	strace $0x90000046  }
0xb2: {  	s29 =	simm.s32 $0x9;
	_ =	strace $0x80000048  }
0xb3: {  	_ =	swait.ge [sflag:s29], $0x1  }
0xb4: {  	[sflag:s29] =	ssyncadd.s32 $0xFFFFFFFF  }
0xb5: {  	_ =	strace $0x90000048  }
0xb6: {  	_ =	sfence  }
0xb7: {  	s30 =	sld [smem:$0x0];
	_ =	sdelay $0x2  }
0xb8: {  	s31 =	sshll.u32 s1, $0xD;
	s1 =	sshrl.u32 s1, $0x2  }
0xb9: {  	s3 =	sand.u32 $0x4000, s31;
	s1 =	sadd.s32 s1, s30  }
0xba: {  	s0 =	sor.u32 s3, s0;
	s1 =	sshll.u32 s1, $0x11  }
0xbb: {  	s0 =	sor.u32 s1, s0  }
0xbc: {  	s0 =	sadd.s32 $0x8F2B, s0  }
0xbd: {  	[sflag:s0] =	ssyncadd.remote.s32 $0x1  }
0xbe: {  	_ =	sfence.sel $0xFFFF  }
0xbf: {  	[dreg:$0x0] =	wrdreg $0xFFFFFFFF;
	(pc) =	sbr.abs _section_cstart, $3  }
0xc0: {  	[dreg:$0x1] =	wrdreg $0xFFFFFFFF  }
0xc1: {  	_ =	task.clear_ibuf [dreg:s7], $0x2FFFF;
	_ =	strace $0x9FFFFFFF  }
0xc2: {  	(tm) =	ssettm $0x7FFFFFFF  }
0xc3: {  	_ =	shalt  }
tec
execute0_lowered:
.L_overlay_start_1:
0x0: {  	(tag) =	ssettag $0x1  }
0x1: {  	s3 =	rddreg [dreg:$0x0]  }
0x2: {  	s4 =	rddreg [dreg:$0x1]  }
0x3: {  	s0 =	rddreg [dreg:$0x2]  }
0x4: {  	s5 =	srdreg.scid;
	s1 =	stileid.u32  }
0x5: {  	s2 =	simm.s32 $0x0;
	s5 =	sand.u32 $0x1, s5;
	s6 =	sshll.u32 s1, $0x1  }
0x6: {  	[smem:$0x7FF] =	sst s2;
	s6 =	sor.u32 s5, s6  }
0x7: {  	_ =	strace $0x80000047;
	s5 =	ssub.s32 $0x2, s5;
	s7 =	sshll.u32 s6, $0x4  }
0x8: {  	s6 =	sshll.u32 s6, $0x9;
	s8 =	sshrl.u32 s5, $0x1;
	s7 =	sadd.s32 s7, s4  }
0x9: {  	s9 =	sadd.s32 s6, s4;
	s8 =	ssub.s32 s5, s8;
	s3 =	sadd.s32 s3, s6  }
0xa: {  	s4 =	sadd.s32 $0xC1A00, s7;
	s5 =	sadd.s32 $0xC1C00, s9;
	s6 =	smax.u32 s8, $0x1  }
0xb: {  	v5 =	vimm.f32 $-1.000000020e+30;
	s7 =	simm.s32 $0x1;
	s8 =	simm.s32 $0x1080;
	s9 =	simm.s32 $0x0  }
.LBB2_1:
0xc: {  	[tilespmem:s2], [sflag:$0x1] =	stream.linear.gather [hbm4b:s3+s2], $0x1000, $0x38;
	[tilespmem:$0x2080] =	vst v63  }
0xd: {  	_ =	swait.ge [sflag:s7], $0x1000  }
0xe: {  	[sflag:s7] =	ssyncset.done $0x0  }
0xf: {  	s10 =	simm.s32 $0x1000;
	[sflag:s7] =	ssyncadd.s32 $0xFFFFF000  }
0x10: {  	[tilespmem:s10], [sflag:$0x1] =	stream.linear.gather [hbm4b:s4+s2], $0x80, $0x38;
	[tilespmem:$0x2080] =	vst v63  }
0x11: {  	_ =	swait.ge [sflag:s7], $0x80  }
0x12: {  	[sflag:s7] =	ssyncset.done $0x0  }
0x13: {  	s11 =	simm.s32 $0x0;
	[sflag:s7] =	ssyncadd.s32 $0xFFFFFF80  }
.LBB2_2:
0x14: {  	v1 =	vld [tilespmem:s10+$0x0]  }
0x15: {  	s12 =	sshra.s32 s11, $0x2  }
0x16: {  	v2 =	vld [tilespmem:s12+$0x10]  }
0x17: {  	v3 =	vld [tilespmem:s12+$0x20]  }
0x18: {  	v4 =	vld [tilespmem:s12+$0x30]  }
0x19: {  	v6 =	vld [tilespmem:s12+$0x40];
	vm0 =	vle.f32 v1, $2.000000000e+00  }
0x1a: {  	v7 =	vld [tilespmem:s12+$0x50];
	vm14 =	vge.f32 v1, $1.000000000e+00;
	vm1 =	vle.f32 v1, $3.000000000e+00;
	vm15 =	vle.f32 v1, $4.000000000e+00  }
0x1b: {  	v8 =	vld [tilespmem:s12+$0x60];
	vm4 =	vge.f32 v1, $2.000000000e+00;
	vm5 =	vge.f32 v1, $3.000000000e+00;
	vm6 =	vle.f32 v1, $5.000000000e+00  }
0x1c: {  	vm7 =	vge.f32 v1, $4.000000000e+00;
	vm8 =	vle.f32 v1, $6.000000000e+00;
	vm9 =	vle.f32 v1, $7.000000000e+00  }
0x1d: {  	vm10 =	vge.f32 v1, $5.000000000e+00;
	vm11 =	vge.f32 v1, $6.000000000e+00;
	vm12 =	vle.f32 v1, $8.000000000e+00  }
0x1e: {  	vm13 =	vge.f32 v1, $7.000000000e+00;
	vm2 =	vge.f32 v1, $3.000000000e+01;
	v2 =	vsel vm0, $0x4E6E6B28, v2  }
0x1f: {  	v12 =	vld [tilespmem:s12+$0x90];
	v3 =	vsel vm1, $0x4E6E6B28, v3;
	v4 =	vsel vm15, $0x4E6E6B28, v4;
	v6 =	vsel vm6, $0x4E6E6B28, v6  }
0x20: {  	v7 =	vsel vm8, $0x4E6E6B28, v7;
	v8 =	vsel vm9, $0x4E6E6B28, v8;
	vm15 =	vle.f32 v1, $1.000000000e+01  }
0x21: {  	vm6 =	vle.f32 v1, $1.100000000e+01;
	vm8 =	vle.f32 v1, $1.200000000e+01;
	vm9 =	vle.f32 v1, $1.300000000e+01  }
0x22: {  	v53 =	vld [tilespmem:s12+$0xF0];
	v0 =	vnsel vm14, $0xF149F2CA, v2;
	v2 =	vnsel vm4, $0xF149F2CA, v3;
	v3 =	vnsel vm5, $0xF149F2CA, v4  }
0x23: {  	v10 =	vld [tilespmem:s12+$0x80];
	v6 =	vnsel vm7, $0xF149F2CA, v6;
	v11 =	vnsel vm10, $0xF149F2CA, v7;
	v9 =	vnsel vm11, $0xF149F2CA, v8  }
0x24: {  	v4 =	vld [tilespmem:s12+$0x70];
	vm14 =	vle.f32 v1, $9.000000000e+00;
	vm4 =	vge.f32 v1, $8.000000000e+00;
	v12 =	vsel vm15, $0x4E6E6B28, v12  }
0x25: {  	v7 =	vld [tilespmem:s12+$0xA0];
	vm5 =	vge.f32 v1, $9.000000000e+00;
	vm7 =	vge.f32 v1, $1.000000000e+01;
	vm10 =	vge.f32 v1, $1.100000000e+01  }
0x26: {  	v50 =	vld [tilespmem:s12+$0xB0];
	vm11 =	vge.f32 v1, $1.200000000e+01;
	vm15 =	vle.f32 v1, $1.600000000e+01;
	v14 =	vnsel vm5, $0xF149F2CA, v12  }
0x27: {  	v51 =	vld [tilespmem:s12+$0xC0];
	v8 =	vsel vm15, $0x4E6E6B28, v53;
	vm5 =	vge.f32 v1, $1.500000000e+01;
	vm15 =	vle.f32 v1, $2.200000000e+01  }
0x28: {  	v34 =	vmax.f32 v2, v3;
	v35 =	vmin.f32 v2, v3;
	v36 =	vmax.f32 v6, v11  }
0x29: {  	v37 =	vmin.f32 v6, v11;
	v17 =	vnsel vm5, $0xF149F2CA, v8;
	vm5 =	vge.f32 v1, $2.100000000e+01  }
0x2a: {  	v4 =	vsel vm12, $0x4E6E6B28, v4;
	v7 =	vsel vm6, $0x4E6E6B28, v7;
	vm12 =	vle.f32 v1, $1.400000000e+01  }
0x2b: {  	v55 =	vld [tilespmem:s12+$0x120];
	vm6 =	vle.f32 v1, $1.700000000e+01;
	v13 =	vnsel vm13, $0xF149F2CA, v4;
	v4 =	vsel vm14, $0x4E6E6B28, v10  }
0x2c: {  	v57 =	vld [tilespmem:s12+$0x150];
	v20 =	vnsel vm7, $0xF149F2CA, v7;
	v7 =	vsel vm8, $0x4E6E6B28, v50;
	v10 =	vsel vm9, $0x4E6E6B28, v51  }
0x2d: {  	vm13 =	vge.f32 v1, $1.300000000e+01;
	vm14 =	vle.f32 v1, $1.500000000e+01;
	vm7 =	vge.f32 v1, $1.600000000e+01  }
0x2e: {  	v59 =	vld [tilespmem:s12+$0x180];
	vm8 =	vle.f32 v1, $1.800000000e+01;
	vm9 =	vle.f32 v1, $1.900000000e+01;
	v19 =	vnsel vm4, $0xF149F2CA, v4  }
0x2f: {  	v24 =	vld [tilespmem:s12+$0x1B0];
	v29 =	vnsel vm10, $0xF149F2CA, v7;
	v21 =	vnsel vm11, $0xF149F2CA, v10;
	vm4 =	vge.f32 v1, $1.400000000e+01  }
0x30: {  	v52 =	vld [tilespmem:s12+$0xE0];
	vm10 =	vge.f32 v1, $1.700000000e+01;
	v12 =	vsel vm9, $0x4E6E6B28, v55;
	vm11 =	vge.f32 v1, $1.800000000e+01  }
0x31: {  	v32 =	vld [tilespmem:s12+$0x1E0];
	v10 =	vsel vm15, $0x4E6E6B28, v57;
	vm9 =	vle.f32 v1, $2.500000000e+01;
	vm15 =	vle.f32 v1, $2.800000000e+01  }
0x32: {  	v33 =	vld [tilespmem:s12+$0x1F0];
	v38 =	vmax.f32 v9, v13;
	v39 =	vmin.f32 v9, v13;
	v16 =	vnsel vm11, $0xF149F2CA, v12  }
0x33: {  	v4 =	vld [tilespmem:s12+$0xD0];
	v15 =	vnsel vm5, $0xF149F2CA, v10;
	v8 =	vsel vm9, $0x4E6E6B28, v59;
	vm11 =	vge.f32 v1, $2.400000000e+01  }
0x34: {  	v7 =	vld [tilespmem:s12+$0x100];
	v62 =	vsel vm15, $0x4E6E6B28, v24;
	vm5 =	vge.f32 v1, $2.700000000e+01;
	vm9 =	vle.f32 v1, $3.100000000e+01  }
0x35: {  	v54 =	vld [tilespmem:s12+$0x110];
	v40 =	vmax.f32 v19, v14;
	v41 =	vmin.f32 v19, v14;
	v42 =	vmax.f32 v20, v29  }
0x36: {  	v43 =	vmin.f32 v20, v29;
	vm15 =	vgt.f32 v13, $-1.000000020e+29;
	v12 =	vnsel vm11, $0xF149F2CA, v8  }
0x37: {  	v10 =	vnsel vm5, $0xF149F2CA, v62;
	v32 =	vsel vm9, $0x4E6E6B28, v32;
	vm11 =	vle.f32 v1, $3.200000000e+01  }
0x38: {  	vm9 =	vgt.f32 v11, $-1.000000020e+29;
	v33 =	vsel vm11, $0x4E6E6B28, v33;
	v4 =	vsel vm12, $0x4E6E6B28, v4  }
0x39: {  	v7 =	vsel vm6, $0x4E6E6B28, v7;
	v30 =	vnsel vm13, $0xF149F2CA, v4;
	v4 =	vsel vm14, $0x4E6E6B28, v52  }
0x3a: {  	v27 =	vnsel vm7, $0xF149F2CA, v7;
	v7 =	vsel vm8, $0x4E6E6B28, v54;
	v31 =	vnsel vm4, $0xF149F2CA, v4;
	v4 =	vld [tilespmem:s12+$0x130]  }
0x3b: {  	vm12 =	vle.f32 v1, $2.000000000e+01;
	vm6 =	vle.f32 v1, $2.300000000e+01;
	v28 =	vnsel vm10, $0xF149F2CA, v7;
	v7 =	vld [tilespmem:s12+$0x160]  }
0x3c: {  	v56 =	vld [tilespmem:s12+$0x140];
	vm13 =	vge.f32 v1, $1.900000000e+01;
	vm14 =	vle.f32 v1, $2.100000000e+01;
	vm7 =	vge.f32 v1, $2.200000000e+01  }
0x3d: {  	v58 =	vld [tilespmem:s12+$0x170];
	vm8 =	vle.f32 v1, $2.400000000e+01;
	vm4 =	vge.f32 v1, $2.000000000e+01;
	vm10 =	vge.f32 v1, $2.300000000e+01  }
0x3e: {  	v44 =	vmax.f32 v21, v30;
	v45 =	vmin.f32 v21, v30;
	v46 =	vmax.f32 v31, v17  }
0x3f: {  	v47 =	vmin.f32 v31, v17;
	v48 =	vmax.f32 v27, v28;
	v49 =	vmin.f32 v27, v28  }
0x40: {  	v4 =	vsel vm12, $0x4E6E6B28, v4;
	v7 =	vsel vm6, $0x4E6E6B28, v7;
	vm12 =	vle.f32 v1, $2.600000000e+01  }
0x41: {  	vm6 =	vle.f32 v1, $2.900000000e+01;
	v25 =	vnsel vm13, $0xF149F2CA, v4;
	v4 =	vsel vm14, $0x4E6E6B28, v56  }
0x42: {  	v22 =	vnsel vm7, $0xF149F2CA, v7;
	v7 =	vsel vm8, $0x4E6E6B28, v58;
	v26 =	vnsel vm4, $0xF149F2CA, v4;
	v4 =	vld [tilespmem:s12+$0x190]  }
0x43: {  	v60 =	vld [tilespmem:s12+$0x1A0];
	vm13 =	vge.f32 v1, $2.500000000e+01;
	vm14 =	vle.f32 v1, $2.700000000e+01;
	vm7 =	vge.f32 v1, $2.800000000e+01  }
0x44: {  	vm8 =	vle.f32 v1, $3.000000000e+01;
	v23 =	vnsel vm10, $0xF149F2CA, v7;
	vm4 =	vge.f32 v1, $2.600000000e+01  }
0x45: {  	v7 =	vld [tilespmem:s12+$0x1C0];
	vm10 =	vge.f32 v1, $2.900000000e+01;
	v50 =	vmax.f32 v16, v25;
	v51 =	vmin.f32 v16, v25  }
0x46: {  	v52 =	vmax.f32 v26, v15;
	v53 =	vmin.f32 v26, v15;
	v54 =	vmax.f32 v22, v23  }
0x47: {  	v61 =	vld [tilespmem:s12+$0x1D0];
	v55 =	vmin.f32 v22, v23;
	v4 =	vsel vm12, $0x4E6E6B28, v4;
	vm12 =	vge.f32 v1, $3.100000000e+01  }
0x48: {  	v18 =	vnsel vm13, $0xF149F2CA, v4;
	v4 =	vsel vm14, $0x4E6E6B28, v60;
	v1 =	vnsel vm12, $0xF149F2CA, v33  }
0x49: {  	v33 =	vmin.f32 v0, $1.000000000e+09;
	vm12 =	vgt.f32 v9, $-1.000000020e+29;
	vm13 =	vgt.f32 v14, $-1.000000020e+29  }
0x4a: {  	v24 =	vnsel vm4, $0xF149F2CA, v4;
	v4 =	vsel vm6, $0x4E6E6B28, v7;
	v56 =	vmax.f32 v12, v18  }
0x4b: {  	v57 =	vmin.f32 v12, v18;
	vm4 =	vgt.f32 v3, $-1.000000020e+29;
	vm6 =	vgt.f32 v6, $-1.000000020e+29  }
0x4c: {  	v7 =	vnsel vm7, $0xF149F2CA, v4;
	v4 =	vsel vm8, $0x4E6E6B28, v61;
	v58 =	vmax.f32 v24, v10  }
0x4d: {  	v59 =	vmin.f32 v24, v10;
	v8 =	vnsel vm10, $0xF149F2CA, v4;
	v4 =	vnsel vm2, $0xF149F2CA, v32  }
0x4e: {  	[tilespmem:$0x1FFC0] =	vst v0;
	v32 =	vmax.f32 v0, $1.000000000e+09;
	v0 =	vmax.f32 v33, v34;
	v33 =	vmin.f32 v33, v34  }
0x4f: {  	v60 =	vmax.f32 v7, v8;
	v61 =	vmin.f32 v7, v8;
	v62 =	vmax.f32 v4, v1  }
0x50: {  	v63 =	vmin.f32 v4, v1;
	v34 =	vmax.f32 v32, v35;
	v32 =	vmin.f32 v32, v35  }
0x51: {  	v35 =	vmax.f32 v37, v38;
	v37 =	vmin.f32 v37, v38;
	v38 =	vmax.f32 v36, v39  }
0x52: {  	v36 =	vmin.f32 v36, v39;
	v39 =	vmax.f32 v41, v42;
	v41 =	vmin.f32 v41, v42  }
0x53: {  	v42 =	vmax.f32 v40, v43;
	v40 =	vmin.f32 v40, v43;
	v43 =	vmax.f32 v45, v46  }
0x54: {  	v45 =	vmin.f32 v45, v46;
	v46 =	vmax.f32 v44, v47;
	v44 =	vmin.f32 v44, v47  }
0x55: {  	v47 =	vmax.f32 v49, v50;
	v49 =	vmin.f32 v49, v50;
	v50 =	vmax.f32 v48, v51  }
0x56: {  	v48 =	vmin.f32 v48, v51;
	v51 =	vmax.f32 v53, v54;
	v53 =	vmin.f32 v53, v54  }
0x57: {  	v54 =	vmax.f32 v52, v55;
	v52 =	vmin.f32 v52, v55;
	v55 =	vmax.f32 v57, v58  }
0x58: {  	v57 =	vmin.f32 v57, v58;
	v58 =	vmax.f32 v56, v59;
	v56 =	vmin.f32 v56, v59  }
0x59: {  	v59 =	vmax.f32 v61, v62;
	v61 =	vmin.f32 v61, v62;
	v62 =	vmax.f32 v60, v63  }
0x5a: {  	v60 =	vmin.f32 v60, v63;
	v63 =	vmax.f32 v33, v32;
	v32 =	vmin.f32 v33, v32  }
0x5b: {  	v33 =	vmax.f32 v0, v34;
	v0 =	vmin.f32 v0, v34;
	v34 =	vmax.f32 v35, v38  }
0x5c: {  	v35 =	vmin.f32 v35, v38;
	v38 =	vmax.f32 v37, v36;
	v36 =	vmin.f32 v37, v36  }
0x5d: {  	v37 =	vmax.f32 v41, v40;
	v40 =	vmin.f32 v41, v40;
	v41 =	vmax.f32 v39, v42  }
0x5e: {  	v39 =	vmin.f32 v39, v42;
	v42 =	vmax.f32 v43, v46;
	v43 =	vmin.f32 v43, v46  }
0x5f: {  	v46 =	vmax.f32 v45, v44;
	v44 =	vmin.f32 v45, v44;
	v45 =	vmax.f32 v49, v48  }
0x60: {  	v48 =	vmin.f32 v49, v48;
	v49 =	vmax.f32 v47, v50;
	v47 =	vmin.f32 v47, v50  }
0x61: {  	v50 =	vmax.f32 v51, v54;
	v51 =	vmin.f32 v51, v54;
	v54 =	vmax.f32 v53, v52  }
0x62: {  	v52 =	vmin.f32 v53, v52;
	v53 =	vmax.f32 v57, v56;
	v56 =	vmin.f32 v57, v56  }
0x63: {  	v57 =	vmax.f32 v55, v58;
	v55 =	vmin.f32 v55, v58;
	v58 =	vmax.f32 v59, v62  }
0x64: {  	v59 =	vmin.f32 v59, v62;
	v62 =	vmax.f32 v61, v60;
	v60 =	vmin.f32 v61, v60  }
0x65: {  	v61 =	vmax.f32 v32, v34;
	v32 =	vmin.f32 v32, v34;
	v34 =	vmax.f32 v63, v35  }
0x66: {  	v35 =	vmin.f32 v63, v35;
	v63 =	vmax.f32 v0, v38;
	v0 =	vmin.f32 v0, v38  }
0x67: {  	v38 =	vmax.f32 v33, v36;
	v33 =	vmin.f32 v33, v36;
	v36 =	vmax.f32 v40, v42  }
0x68: {  	v40 =	vmin.f32 v40, v42;
	v42 =	vmax.f32 v37, v43;
	v37 =	vmin.f32 v37, v43  }
0x69: {  	v43 =	vmax.f32 v39, v46;
	v39 =	vmin.f32 v39, v46;
	v46 =	vmax.f32 v41, v44  }
0x6a: {  	v41 =	vmin.f32 v41, v44;
	v44 =	vmax.f32 v48, v50;
	v48 =	vmin.f32 v48, v50  }
0x6b: {  	v50 =	vmax.f32 v45, v51;
	v45 =	vmin.f32 v45, v51;
	v51 =	vmax.f32 v47, v54  }
0x6c: {  	v47 =	vmin.f32 v47, v54;
	v54 =	vmax.f32 v49, v52;
	v49 =	vmin.f32 v49, v52  }
0x6d: {  	v52 =	vmax.f32 v56, v58;
	v56 =	vmin.f32 v56, v58;
	v58 =	vmax.f32 v53, v59  }
0x6e: {  	v53 =	vmin.f32 v53, v59;
	v59 =	vmax.f32 v55, v62;
	v55 =	vmin.f32 v55, v62  }
0x6f: {  	v62 =	vmax.f32 v57, v60;
	v57 =	vmin.f32 v57, v60;
	v60 =	vmax.f32 v32, v0  }
0x70: {  	v0 =	vmin.f32 v32, v0;
	v32 =	vmax.f32 v35, v33;
	v33 =	vmin.f32 v35, v33  }
0x71: {  	v35 =	vmax.f32 v61, v63;
	v61 =	vmin.f32 v61, v63;
	v63 =	vmax.f32 v34, v38  }
0x72: {  	v34 =	vmin.f32 v34, v38;
	v38 =	vmax.f32 v36, v43;
	v36 =	vmin.f32 v36, v43  }
0x73: {  	v43 =	vmax.f32 v42, v46;
	v42 =	vmin.f32 v42, v46;
	v46 =	vmax.f32 v40, v39  }
0x74: {  	v39 =	vmin.f32 v40, v39;
	v40 =	vmax.f32 v37, v41;
	v37 =	vmin.f32 v37, v41  }
0x75: {  	v41 =	vmax.f32 v48, v47;
	v47 =	vmin.f32 v48, v47;
	v48 =	vmax.f32 v45, v49  }
0x76: {  	v45 =	vmin.f32 v45, v49;
	v49 =	vmax.f32 v44, v51;
	v44 =	vmin.f32 v44, v51  }
0x77: {  	v51 =	vmax.f32 v50, v54;
	v50 =	vmin.f32 v50, v54;
	v54 =	vmax.f32 v52, v59  }
0x78: {  	v52 =	vmin.f32 v52, v59;
	v59 =	vmax.f32 v58, v62;
	v58 =	vmin.f32 v58, v62  }
0x79: {  	v62 =	vmax.f32 v56, v55;
	v55 =	vmin.f32 v56, v55;
	v56 =	vmax.f32 v53, v57  }
0x7a: {  	v53 =	vmin.f32 v53, v57;
	v57 =	vmax.f32 v0, v33;
	v0 =	vmin.f32 v0, v33  }
0x7b: {  	v33 =	vmax.f32 v60, v32;
	v32 =	vmin.f32 v60, v32;
	v60 =	vmax.f32 v61, v34  }
0x7c: {  	v34 =	vmin.f32 v61, v34;
	v61 =	vmax.f32 v35, v63;
	v35 =	vmin.f32 v35, v63  }
0x7d: {  	v63 =	vmax.f32 v38, v43;
	v38 =	vmin.f32 v38, v43;
	v43 =	vmax.f32 v36, v42  }
0x7e: {  	v36 =	vmin.f32 v36, v42;
	v42 =	vmax.f32 v46, v40;
	v40 =	vmin.f32 v46, v40  }
0x7f: {  	v46 =	vmax.f32 v39, v37;
	v37 =	vmin.f32 v39, v37;
	v39 =	vmax.f32 v47, v45  }
0x80: {  	v45 =	vmin.f32 v47, v45;
	v47 =	vmax.f32 v41, v48;
	v41 =	vmin.f32 v41, v48  }
0x81: {  	v48 =	vmax.f32 v44, v50;
	v44 =	vmin.f32 v44, v50;
	v50 =	vmax.f32 v49, v51  }
0x82: {  	v49 =	vmin.f32 v49, v51;
	v51 =	vmax.f32 v54, v59;
	v54 =	vmin.f32 v54, v59  }
0x83: {  	v59 =	vmax.f32 v52, v58;
	v52 =	vmin.f32 v52, v58;
	v58 =	vmax.f32 v62, v56  }
0x84: {  	v56 =	vmin.f32 v62, v56;
	v62 =	vmax.f32 v55, v53;
	v53 =	vmin.f32 v55, v53  }
0x85: {  	v55 =	vmax.f32 v0, v63;
	v0 =	vmin.f32 v0, v63;
	v63 =	vmax.f32 v57, v38  }
0x86: {  	v38 =	vmin.f32 v57, v38;
	v57 =	vmax.f32 v32, v43;
	v32 =	vmin.f32 v32, v43  }
0x87: {  	v43 =	vmax.f32 v33, v36;
	v33 =	vmin.f32 v33, v36;
	v36 =	vmax.f32 v34, v42  }
0x88: {  	v34 =	vmin.f32 v34, v42;
	v42 =	vmax.f32 v60, v40;
	v40 =	vmin.f32 v60, v40  }
0x89: {  	v60 =	vmax.f32 v35, v46;
	v35 =	vmin.f32 v35, v46;
	v46 =	vmax.f32 v61, v37  }
0x8a: {  	v37 =	vmin.f32 v61, v37;
	v61 =	vmax.f32 v45, v51;
	v45 =	vmin.f32 v45, v51  }
0x8b: {  	v51 =	vmax.f32 v39, v54;
	v39 =	vmin.f32 v39, v54;
	v54 =	vmax.f32 v41, v59  }
0x8c: {  	v41 =	vmin.f32 v41, v59;
	v59 =	vmax.f32 v47, v52;
	v47 =	vmin.f32 v47, v52  }
0x8d: {  	v52 =	vmax.f32 v44, v58;
	v44 =	vmin.f32 v44, v58;
	v58 =	vmax.f32 v48, v56  }
0x8e: {  	v48 =	vmin.f32 v48, v56;
	v56 =	vmax.f32 v49, v62;
	v49 =	vmin.f32 v49, v62  }
0x8f: {  	v62 =	vmax.f32 v50, v53;
	v50 =	vmin.f32 v50, v53;
	v53 =	vmax.f32 v0, v34  }
0x90: {  	v0 =	vmin.f32 v0, v34;
	v34 =	vmax.f32 v38, v40;
	v38 =	vmin.f32 v38, v40  }
0x91: {  	v40 =	vmax.f32 v32, v35;
	v32 =	vmin.f32 v32, v35;
	v35 =	vmax.f32 v33, v37  }
0x92: {  	v33 =	vmin.f32 v33, v37;
	v37 =	vmax.f32 v55, v36;
	v36 =	vmin.f32 v55, v36  }
0x93: {  	v55 =	vmax.f32 v63, v42;
	v42 =	vmin.f32 v63, v42;
	v63 =	vmax.f32 v57, v60  }
0x94: {  	v57 =	vmin.f32 v57, v60;
	v60 =	vmax.f32 v43, v46;
	v43 =	vmin.f32 v43, v46  }
0x95: {  	v46 =	vmax.f32 v61, v52;
	v52 =	vmin.f32 v61, v52;
	v61 =	vmax.f32 v51, v58  }
0x96: {  	v51 =	vmin.f32 v51, v58;
	v58 =	vmax.f32 v54, v56;
	v54 =	vmin.f32 v54, v56  }
0x97: {  	v56 =	vmax.f32 v59, v62;
	v59 =	vmin.f32 v59, v62;
	v62 =	vmax.f32 v45, v44  }
0x98: {  	v44 =	vmin.f32 v45, v44;
	v45 =	vmax.f32 v39, v48;
	v39 =	vmin.f32 v39, v48  }
0x99: {  	v48 =	vmax.f32 v41, v49;
	v41 =	vmin.f32 v41, v49;
	v49 =	vmax.f32 v47, v50  }
0x9a: {  	v47 =	vmin.f32 v47, v50;
	v50 =	vmax.f32 v0, v32;
	v0 =	vmin.f32 v0, v32  }
0x9b: {  	v32 =	vmax.f32 v38, v33;
	v33 =	vmin.f32 v38, v33;
	v38 =	vmax.f32 v53, v40  }
0x9c: {  	v40 =	vmin.f32 v53, v40;
	v53 =	vmax.f32 v34, v35;
	v34 =	vmin.f32 v34, v35  }
0x9d: {  	v35 =	vmax.f32 v36, v57;
	v36 =	vmin.f32 v36, v57;
	v57 =	vmax.f32 v42, v43  }
0x9e: {  	v42 =	vmin.f32 v42, v43;
	v43 =	vmax.f32 v37, v63;
	v37 =	vmin.f32 v37, v63  }
0x9f: {  	v63 =	vmax.f32 v55, v60;
	v55 =	vmin.f32 v55, v60;
	v60 =	vmax.f32 v46, v58  }
0xa0: {  	v46 =	vmin.f32 v46, v58;
	v58 =	vmax.f32 v61, v56;
	v56 =	vmin.f32 v61, v56  }
0xa1: {  	v61 =	vmax.f32 v52, v54;
	v52 =	vmin.f32 v52, v54;
	v54 =	vmax.f32 v51, v59  }
0xa2: {  	v51 =	vmin.f32 v51, v59;
	v59 =	vmax.f32 v62, v48;
	v48 =	vmin.f32 v62, v48  }
0xa3: {  	v62 =	vmax.f32 v45, v49;
	v45 =	vmin.f32 v45, v49;
	v49 =	vmax.f32 v44, v41  }
0xa4: {  	v41 =	vmin.f32 v44, v41;
	v44 =	vmax.f32 v39, v47;
	v39 =	vmin.f32 v39, v47  }
0xa5: {  	v47 =	vmax.f32 v0, v33;
	v0 =	vmin.f32 v0, v33;
	v33 =	vmax.f32 v50, v32  }
0xa6: {  	v32 =	vmin.f32 v50, v32;
	v50 =	vmax.f32 v40, v34;
	v34 =	vmin.f32 v40, v34  }
0xa7: {  	v40 =	vmax.f32 v38, v53;
	v38 =	vmin.f32 v38, v53;
	v53 =	vmax.f32 v36, v42  }
0xa8: {  	v36 =	vmin.f32 v36, v42;
	v42 =	vmax.f32 v35, v57;
	v35 =	vmin.f32 v35, v57  }
0xa9: {  	v57 =	vmax.f32 v37, v55;
	v37 =	vmin.f32 v37, v55;
	v55 =	vmax.f32 v43, v63  }
0xaa: {  	v43 =	vmin.f32 v43, v63;
	v63 =	vmax.f32 v60, v58;
	v58 =	vmin.f32 v60, v58  }
0xab: {  	v60 =	vmax.f32 v46, v56;
	v46 =	vmin.f32 v46, v56;
	v56 =	vmax.f32 v61, v54  }
0xac: {  	v54 =	vmin.f32 v61, v54;
	v61 =	vmax.f32 v52, v51;
	v51 =	vmin.f32 v52, v51  }
0xad: {  	v52 =	vmax.f32 v59, v62;
	v59 =	vmin.f32 v59, v62;
	v62 =	vmax.f32 v48, v45  }
0xae: {  	v45 =	vmin.f32 v48, v45;
	v48 =	vmax.f32 v49, v44;
	v44 =	vmin.f32 v49, v44  }
0xaf: {  	v49 =	vmax.f32 v41, v39;
	v39 =	vmin.f32 v41, v39;
	v0 =	vmax.f32 v0, v63  }
0xb0: {  	v63 =	vmax.f32 v47, v58;
	v32 =	vmax.f32 v32, v60;
	v33 =	vmax.f32 v33, v46  }
0xb1: {  	v34 =	vmax.f32 v34, v56;
	v54 =	vmax.f32 v50, v54;
	v38 =	vmax.f32 v38, v61  }
0xb2: {  	v40 =	vmax.f32 v40, v51;
	v36 =	vmax.f32 v36, v52;
	v56 =	vmax.f32 v53, v59  }
0xb3: {  	v35 =	vmax.f32 v35, v62;
	v42 =	vmax.f32 v42, v45;
	v37 =	vmax.f32 v37, v48  }
0xb4: {  	v44 =	vmax.f32 v57, v44;
	v43 =	vmax.f32 v43, v49;
	v39 =	vmax.f32 v55, v39  }
0xb5: {  	v0 =	vmin.f32 v0, v36;
	v58 =	vmin.f32 v63, v56;
	v32 =	vmin.f32 v32, v35  }
0xb6: {  	v33 =	vmin.f32 v33, v42;
	v34 =	vmin.f32 v34, v37;
	v59 =	vmin.f32 v54, v44  }
0xb7: {  	v60 =	vmin.f32 v38, v43;
	v61 =	vmin.f32 v40, v39;
	v0 =	vmin.f32 v0, v34  }
0xb8: {  	v62 =	vmin.f32 v58, v59;
	v32 =	vmin.f32 v32, v60;
	v33 =	vmin.f32 v33, v61  }
0xb9: {  	vm2 =	vgt.f32 v2, $-1.000000020e+29;
	v0 =	vmin.f32 v0, v32;
	v63 =	vmin.f32 v62, v33  }
0xba: {  	v38 =	vimm.s32 $0x0;
	v39 =	vimm.s32 $0x0;
	v32 =	vmin.f32 v0, v63  }
0xbb: {  	v34 =	vld [tilespmem:$0x1FFC0];
	vm3 =	vge.f32 v2, v32;
	vm5 =	vge.f32 v3, v32;
	vm7 =	vge.f32 v6, v32  }
0xbc: {  	vm10 =	vge.f32 v11, v32;
	vm14 =	vge.f32 v9, v32;
	vm8 =	vle.f32 v32, $1.000000000e+09  }
0xbd: {  	vm11 =	vge.f32 v13, v32;
	v3 =	vimm.s32 $0x0;
	v35 =	vsel vm8, $0x0, v5  }
0xbe: {  	vm8 =	vgt.f32 v19, $-1.000000020e+29;
	v3 =	vsel vm13, $0xFFFFFFFF, v3;
	vm4 =	vmand vm4, vm5  }
0xbf: {  	vm13 =	vge.f32 v29, v32;
	vm5 =	vmand vm15, vm11;
	vm15 =	vge.f32 v28, v32  }
0xc0: {  	vm0 =	vgt.f32 v34, $-1.000000020e+29;
	vm1 =	vge.f32 v34, v32;
	v6 =	vsel vm4, $0x0, v5  }
0xc1: {  	vm4 =	vmand vm6, vm7;
	vm7 =	vgt.f32 v29, $-1.000000020e+29;
	v42 =	vsel vm5, $0x0, v5  }
0xc2: {  	vm5 =	vge.f32 v17, v32;
	vm6 =	vgt.f32 v27, $-1.000000020e+29;
	vm0 =	vmand vm0, vm1  }
0xc3: {  	vm1 =	vge.f32 v19, v32;
	v37 =	vsel vm4, $0x0, v5;
	vm4 =	vmand vm9, vm10  }
0xc4: {  	[tilespmem:$0x1FFD0] =	vst v3;
	vm10 =	vgt.f32 v21, $-1.000000020e+29;
	vm9 =	vge.f32 v21, v32;
	vm13 =	vmand vm7, vm13  }
0xc5: {  	[tilespmem:s12+$0x1080] =	vst v35;
	vm7 =	vge.f32 v16, v32;
	v36 =	vsel vm0, $0x0, v5;
	vm0 =	vmand vm2, vm3  }
0xc6: {  	[tilespmem:s12+$0x10B0] =	vst v6;
	vm2 =	vge.f32 v14, v32;
	vm3 =	vgt.f32 v20, $-1.000000020e+29;
	v11 =	vsel vm10, $0xFFFFFFFF, v38  }
0xc7: {  	[tilespmem:s12+$0x10F0] =	vst v42;
	v40 =	vsel vm4, $0x0, v5;
	vm4 =	vgt.f32 v30, $-1.000000020e+29;
	vm10 =	vmand vm12, vm14  }
0xc8: {  	vm14 =	vge.f32 v31, v32;
	vm11 =	vmand vm8, vm1;
	vm1 =	vgt.f32 v17, $-1.000000020e+29;
	[tilespmem:s12+$0x10C0] =	vst v37  }
0xc9: {  	v44 =	vsel vm13, $0x0, v5;
	vm8 =	vgt.f32 v25, $-1.000000020e+29;
	vm13 =	vge.f32 v25, v32;
	[tilespmem:$0x1FFE0] =	vst v11  }
0xca: {  	v3 =	vsel vm0, $0x0, v5;
	vm0 =	vge.f32 v20, v32;
	v11 =	vsel vm9, $0xFFFFFFFF, v39;
	[tilespmem:s12+$0x1090] =	vst v36  }
0xcb: {  	vm9 =	vge.f32 v30, v32;
	v41 =	vsel vm10, $0x0, v5;
	vm10 =	vgt.f32 v31, $-1.000000020e+29;
	[tilespmem:s12+$0x10D0] =	vst v40  }
0xcc: {  	[tilespmem:s12+$0x1130] =	vst v44;
	vm1 =	vmand vm1, vm5;
	vm5 =	vgt.f32 v23, $-1.000000020e+29;
	vm13 =	vmand vm8, vm13  }
0xcd: {  	v6 =	vld [tilespmem:$0x1FFD0];
	vm8 =	vge.f32 v24, v32;
	[tilespmem:s12+$0x10A0] =	vst v3;
	v3 =	vsel vm11, $0x0, v5;
	vm11 =	vge.f32 v27, v32  }
0xce: {  	[tilespmem:$0x1FFF0] =	vst v11;
	vm0 =	vmand vm3, vm0;
	vm4 =	vmand vm4, vm9;
	vm9 =	vgt.f32 v15, $-1.000000020e+29  }
0xcf: {  	[tilespmem:s12+$0x10E0] =	vst v41;
	v47 =	vsel vm1, $0x0, v5;
	v51 =	vsel vm13, $0x0, v5;
	vm13 =	vgt.f32 v8, $-1.000000020e+29  }
0xd0: {  	v43 =	vsel vm0, $0x0, v5;
	[tilespmem:s12+$0x1100] =	vst v3;
	v45 =	vsel vm4, $0x0, v5;
	vm4 =	vmand vm10, vm14  }
0xd1: {  	vm14 =	vge.f32 v15, v32;
	vm10 =	vge.f32 v22, v32;
	vm11 =	vmand vm6, vm11;
	[tilespmem:s12+$0x1170] =	vst v47  }
0xd2: {  	vm6 =	vge.f32 v23, v32;
	[tilespmem:s12+$0x11B0] =	vst v51;
	vm12 =	vnez.u8 v6;
	v46 =	vsel vm4, $0x0, v5  }
0xd3: {  	[tilespmem:s12+$0x1120] =	vst v43;
	vm4 =	vgt.f32 v22, $-1.000000020e+29;
	v48 =	vsel vm11, $0x0, v5;
	vm11 =	vgt.f32 v12, $-1.000000020e+29  }
0xd4: {  	[tilespmem:s12+$0x1150] =	vst v45;
	vm14 =	vmand vm9, vm14;
	vm9 =	vmand vm5, vm6;
	vm2 =	vmand vm12, vm2  }
0xd5: {  	vm12 =	vgt.f32 v28, $-1.000000020e+29;
	[tilespmem:s12+$0x1160] =	vst v46;
	v53 =	vsel vm14, $0x0, v5;
	vm4 =	vmand vm4, vm10  }
0xd6: {  	v3 =	vld [tilespmem:$0x1FFE0];
	[tilespmem:s12+$0x1180] =	vst v48;
	vm10 =	vge.f32 v7, v32;
	v55 =	vsel vm9, $0x0, v5;
	vm14 =	vge.f32 v8, v32  }
0xd7: {  	vm9 =	vge.f32 v4, v32;
	v6 =	vsel vm2, $0x0, v5;
	vm2 =	vgt.f32 v16, $-1.000000020e+29;
	[tilespmem:s12+$0x11D0] =	vst v53  }
0xd8: {  	vm1 =	vmand vm12, vm15;
	vm12 =	vge.f32 v12, v32;
	vm15 =	vge.f32 v18, v32;
	[tilespmem:s12+$0x11F0] =	vst v55  }
0xd9: {  	v54 =	vsel vm4, $0x0, v5;
	vm4 =	vgt.f32 v7, $-1.000000020e+29;
	[tilespmem:s12+$0x1110] =	vst v6;
	v49 =	vsel vm1, $0x0, v5  }
0xda: {  	vm1 =	vgt.f32 v18, $-1.000000020e+29;
	vm2 =	vmand vm2, vm7;
	vm7 =	vgt.f32 v24, $-1.000000020e+29;
	[tilespmem:s12+$0x11E0] =	vst v54  }
0xdb: {  	vm11 =	vmand vm11, vm12;
	vm0 =	vnez.u8 v3;
	v3 =	vld [tilespmem:$0x1FFF0];
	[tilespmem:s12+$0x1190] =	vst v49;
	v50 =	vsel vm2, $0x0, v5  }
0xdc: {  	vm10 =	vmand vm4, vm10;
	v56 =	vsel vm11, $0x0, v5;
	vm12 =	vmand vm1, vm15;
	[tilespmem:s12+$0x11A0] =	vst v50  }
0xdd: {  	vm15 =	vmand vm7, vm8;
	vm8 =	vgt.f32 v4, $-1.000000020e+29;
	v60 =	vsel vm10, $0x0, v5;
	[tilespmem:s12+$0x1200] =	vst v56  }
0xde: {  	vm11 =	vge.f32 v1, v32;
	v57 =	vsel vm12, $0x0, v5;
	v58 =	vsel vm15, $0x0, v5;
	[tilespmem:s12+$0x1240] =	vst v60  }
0xdf: {  	vm12 =	vmand vm13, vm14;
	vm13 =	vgt.f32 v1, $-1.000000020e+29;
	vm14 =	vmand vm8, vm9;
	[tilespmem:s12+$0x1210] =	vst v57  }
0xe0: {  	[tilespmem:s12+$0x1220] =	vst v58;
	v61 =	vsel vm12, $0x0, v5;
	vm15 =	vmand vm13, vm11;
	vm3 =	vnez.u8 v3  }
0xe1: {  	p0 =	sne.s32 s11, $0x3800;
	v62 =	vsel vm14, $0x0, v5;
	[tilespmem:s12+$0x1250] =	vst v61;
	v63 =	vsel vm15, $0x0, v5;
	vm0 =	vmand vm0, vm3  }
.Ltmp0:
0xe2: {  	[tilespmem:s12+$0x1260] =	vst v62;
	vm3 =	vge.f32 v26, v32;
	v3 =	vsel vm0, $0x0, v5;
	vm0 =	vgt.f32 v26, $-1.000000020e+29;
	(pc) =	sbr.rel @p0 .LBB2_2-.Ltmp0, $4  }
0xe3: {  	vm2 =	vgt.f32 v10, $-1.000000020e+29;
	[tilespmem:s12+$0x1270] =	vst v63;
	vm0 =	vmand vm0, vm3;
	vm3 =	vge.f32 v10, v32  }
0xe4: {  	[tilespmem:s12+$0x1140] =	vst v3;
	v52 =	vsel vm0, $0x0, v5;
	vm7 =	vmand vm2, vm3  }
0xe5: {  	[tilespmem:s12+$0x11C0] =	vst v52;
	v59 =	vsel vm7, $0x0, v5  }
0xe6: {  	s10 =	sadd.s32 $0x10, s10;
	s11 =	sadd.s32 $0x800, s11;
	[tilespmem:s12+$0x1230] =	vst v59  }
0xe7: {  	s9 =	sadd.s32 $0x1, s9  }
0xe8: {  	p0 =	sne.s32 s9, s6  }
.Ltmp1:
0xe9: {  	_ = 	snop;
	(pc) =	sbr.rel @p0 .LBB2_1-.Ltmp1, $4  }
0xea: {  	[hbm4b:s5+s2] =	stream.linear.scatter [tilespmem:s8], [sflag:$0x1], $0x1000, $0x38;
	[tilespmem:$0x2080] =	vst v63  }
0xeb: {  	_ =	swait.ge [sflag:s7], $0x1000  }
0xec: {  	[sflag:s7] =	ssyncset.done $0x0  }
0xed: {  	[sflag:s7] =	ssyncadd.s32 $0xFFFFF000  }
0xee: {  	_ =	sfence.sel $0x180000  }
0xef: {  	[bflag:$0x0] =	sbarrier.arrive $0xFFFF  }
0xf0: {  	p0 =	sne.s32 s1, $0x0;
	_ =	strace $0x90000047  }
0xf1: {  	s0 =	sadd.s32 @!p0 $0x100000, s0;
	[bflag:$0x2] =	sbarrier.arrive $0xFFFF  }
0xf2: {  	[sflag:s0] =	ssyncadd.tile.s32 @!p0 $0x1;
	_ =	shalt  }
.Lfunc_end2:
_tile_overlayer_lowered:
.L_overlay_start_2:
0xf3: {  	(tag) =	ssettag $0x2  }
0xf4: {  	s0 =	rddreg [dreg:$0x0];
	s2 =	stileid.u32  }
0xf5: {  	s1 =	rddreg [dreg:$0x1];
	p0 =	sne.s32 s2, $0x0  }
0xf6: {  	s3 =	rddreg [dreg:$0x2];
	[bflag:$0x3] =	sbarrier.arrive $0xFFFF;
	s2 =	simm.s32 @!p0 $0x1C01  }
0xf7: {  	[timem:s3], [sflag:s2] =	dma.local @!p0 [hbm:s0], s1  }
0xf8: {  	s0 =	simm.s32 @!p0 $0x1  }
0xf9: {  	_ =	swait.ge @!p0 [sflag:s0], s1  }
0xfa: {  	s1 =	ssub.s32 @!p0 $0x0, s1;
	[sflag:s0] =	ssyncset.done @!p0 $0x0  }
0xfb: {  	[sflag:s0] =	ssyncadd.s32 @!p0 s1  }
0xfc: {  	[bflag:$0x3] =	sbarrier.arrive $0xFFFF  }
0xfd: {  	_ =	shalt  }

</sc_bundles>
